<compile_context>
chip_gen: v7x
topology: tpu7x:2x2x1
jax: 0.10.2.dev20260603
libtpu: 0.0.44.dev20260713+nightly
codegen_flags: <defaults>
</compile_context>

<pallas_src>
import jax
import jax.numpy as jnp
from jax import lax
from jax.experimental import pallas as pl
from jax.experimental.pallas import tpu as pltpu
from jax.experimental.pallas import tpu_sc as plsc

N = 10000
E = 160000
D = 256
PAD = 10240
L = 16
EPS = E // 16
GROUPS = EPS // L
KN = 20480
KNG = KN // L
EC = 2000
OUT_KEY = PAD * PAD
HALFK = (PAD // 2) * PAD

SR = 128
SPW = SR * PAD
PASSES = (PAD // 2) // SR
SHARE = SPW // 16
ZN = 2048
CH = 128
CROWS = (KN + CH - 1) // CH


def _build_body(edge_hbm, b_hbm, s_c, d_c, key_v, chunk_v,
                zero_v, ones_v, sp, sem, out_sem):
    c = lax.axis_index("c")
    sidx = lax.axis_index("s")
    base = sidx * EPS

    zero32f = jnp.zeros((L,), jnp.float32)
    onef = jnp.full((L,), 1.0, jnp.float32)

    def zb(g, carry):
        zero_v[pl.ds(g * L, L)] = zero32f
        return carry

    lax.fori_loop(0, ZN // L, zb, 0)
    for g in range(CH // L):
        ones_v[pl.ds(g * L, L)] = onef

    big = jnp.full((L,), OUT_KEY, jnp.int32)

    def bigb(g, carry):
        key_v[pl.ds(g * L, L)] = big
        return carry

    lax.fori_loop(0, KNG, bigb, 0)

    io16 = jnp.arange(L, dtype=jnp.int32)
    one_i = jnp.int32(1)
    zero_i = jnp.int32(0)

    def kb(g, carry):
        cnt0, cnt1 = carry
        sv = s_c[pl.ds(g * L, L)]
        dv = d_c[pl.ds(g * L, L)]
        for kv in (dv * PAD + sv, sv * PAD + dv):
            m0 = kv < HALFK
            t = jnp.where(m0, cnt0 * L, (KNG - 1 - cnt1) * L) + io16
            plsc.store_scatter(key_v, [t], kv)
            cnt0 = cnt0 + jnp.where(m0, one_i, zero_i)
            cnt1 = cnt1 + jnp.where(m0, zero_i, one_i)
        return cnt0, cnt1

    zv = jnp.zeros((L,), jnp.int32)
    carry = (zv, zv)
    for e in range(EPS // EC):
        pltpu.sync_copy(edge_hbm.at[pl.ds(base + e * EC, EC)], s_c)
        pltpu.sync_copy(edge_hbm.at[pl.ds(E + base + e * EC, EC)], d_c)
        carry = lax.fori_loop(0, EC // L, kb, carry)
    cnt0, cnt1 = carry

    def _vmax(v):
        m = v[0]
        for j in range(1, L):
            m = jnp.maximum(m, v[j])
        return m

    g_lo = jnp.where(c == 0, 0, KNG - _vmax(cnt1))
    g_hi = jnp.where(c == 0, _vmax(cnt0), KNG)

    garbv = jnp.full((L,), SPW, jnp.int32)

    def garb_rows(r, carry):
        for l in range(CH // L):
            chunk_v[r, pl.ds(l * L, L)] = garbv
        return carry

    lax.fori_loop(0, CROWS, garb_rows, 0)
    TRASH_ROW = jnp.int32(CROWS)

    my_share = sp.at[pl.ds(sidx * SHARE, SHARE)]

    def pass_body(p, carry):
        lo = (c * (PAD // 2) + p * SR) * PAD
        hi = lo + SPW

        @pl.when(p > 0)
        def _():
            pltpu.make_async_copy(b_hbm.at[pl.ds(0, SHARE)], my_share,
                                  out_sem).wait()

        zcopies = [
            pltpu.async_copy(zero_v,
                             sp.at[pl.ds(sidx * SHARE + z * ZN, ZN)], sem)
            for z in range(SHARE // ZN)
        ]

        def fb(g, cnt_v):
            kv = key_v[pl.ds(g * L, L)]
            m = (kv >= lo) & (kv < hi)
            slot = cnt_v * L + io16
            row = jnp.right_shift(slot, 7)
            col = jnp.bitwise_and(slot, jnp.int32(CH - 1))
            t_row = jnp.where(m, row, TRASH_ROW)
            plsc.store_scatter(chunk_v, [t_row, col], kv - lo)
            return cnt_v + jnp.where(m, one_i, zero_i)

        cnt_v = lax.fori_loop(g_lo, g_hi, fb, zv)
        cmax = _vmax(cnt_v)
        nch = lax.div(cmax * L + (CH - 1), CH)
        for cp in zcopies:
            cp.wait()
        plsc.subcore_barrier()

        def cb(r, carry):
            pltpu.async_copy(ones_v, sp.at[chunk_v.at[r]], sem,
                             add=True).wait()
            return carry

        lax.fori_loop(0, nch, cb, 0)
        plsc.subcore_barrier()

        pltpu.async_copy(my_share, b_hbm.at[pl.ds(lo + sidx * SHARE, SHARE)],
                         out_sem)
        lax.fori_loop(0, nch, garb_rows, 0)
        return carry

    lax.fori_loop(0, PASSES, pass_body, 0)
    pltpu.make_async_copy(b_hbm.at[pl.ds(0, SHARE)], my_share,
                          out_sem).wait()


_build_b = pl.kernel(
    _build_body,
    out_type=(),
    mesh=plsc.VectorSubcoreMesh(core_axis_name="c", subcore_axis_name="s"),
    compiler_params=pltpu.CompilerParams(needs_layout_passes=False),
    scratch_types=[
        pltpu.VMEM((EC,), jnp.int32),
        pltpu.VMEM((EC,), jnp.int32),
        pltpu.VMEM((KN,), jnp.int32),
        pltpu.VMEM((CROWS + 1, CH), jnp.int32),
        pltpu.VMEM((ZN,), jnp.float32),
        pltpu.VMEM((CH,), jnp.float32),
        pltpu.VMEM_SHARED((SPW + L,), jnp.float32),
        pltpu.SemaphoreType.DMA,
        pltpu.SemaphoreType.DMA,
    ],
)


def _mm1_body(b_blk, hb_full, h_blk, o_blk, bb_blk):
    bb = jnp.minimum(b_blk[...], 1.0).astype(jnp.bfloat16)
    bb_blk[...] = bb
    o_blk[...] = h_blk[...] + jnp.dot(
        bb, hb_full[...], preferred_element_type=jnp.float32
    )


def _layer1(bmat, hb, h):
    return pl.pallas_call(
        _mm1_body,
        grid=(PAD // 256,),
        in_specs=[
            pl.BlockSpec((256, PAD), lambda i: (i, 0)),
            pl.BlockSpec((PAD, D), lambda i: (0, 0)),
            pl.BlockSpec((256, D), lambda i: (i, 0)),
        ],
        out_specs=[
            pl.BlockSpec((256, D), lambda i: (i, 0)),
            pl.BlockSpec((256, PAD), lambda i: (i, 0)),
        ],
        out_shape=[
            jax.ShapeDtypeStruct((PAD, D), jnp.float32),
            jax.ShapeDtypeStruct((PAD, PAD), jnp.bfloat16),
        ],
    )(bmat, hb, h)


def _mm23_body(bb_blk, h1_full, hout_blk, ha, hb):
    l = pl.program_id(0)
    i = pl.program_id(1)

    @pl.when((l == 0) & (i == 0))
    def _():
        ha[...] = h1_full[...]
        hb[...] = h1_full[...].astype(jnp.bfloat16)

    @pl.when((l == 1) & (i == 0))
    def _():
        hb[...] = ha[...].astype(jnp.bfloat16)

    hrow = ha[pl.ds(i * 256, 256), :]
    acc = hrow + jnp.dot(
        bb_blk[...], hb[...], preferred_element_type=jnp.float32
    )
    ha[pl.ds(i * 256, 256), :] = acc
    hout_blk[...] = acc


def _layers23(bb, h1):
    return pl.pallas_call(
        _mm23_body,
        grid=(2, PAD // 256),
        in_specs=[
            pl.BlockSpec((256, PAD), lambda l, i: (i, 0)),
            pl.BlockSpec((PAD, D), lambda l, i: (0, 0)),
        ],
        out_specs=pl.BlockSpec((256, D), lambda l, i: (i, 0)),
        out_shape=jax.ShapeDtypeStruct((PAD, D), jnp.float32),
        scratch_shapes=[
            pltpu.VMEM((PAD, D), jnp.float32),
            pltpu.VMEM((PAD, D), jnp.bfloat16),
        ],
    )(bb, h1)


def kernel(x, edge_index):
    bref = jax.new_ref(jnp.empty((PAD * PAD,), jnp.float32))
    _build_b(edge_index.reshape(-1), bref)
    bmat = bref[...].reshape(PAD, PAD)
    h = jnp.zeros((PAD, D), jnp.float32).at[:N].set(x)
    h, bb = _layer1(bmat, h.astype(jnp.bfloat16), h)
    h = _layers23(bb, h)
    return h[:N]

# --- scband reference (transcript-rebuilt; emitter-appended) ---
"""Pipeline reference for scband-gin0-net-44195213475906 (READ-ONLY COPY).

The authoritative reference and input builder live on the scoring server;
editing this copy changes nothing except your own understanding.
"""

import jax, jax.numpy as jnp
import numpy as np


def to_undirected(edge_index, num_nodes):
    # torch_geometric.utils.to_undirected: add reversed edges and coalesce (dedup)
    src, dst = edge_index[0], edge_index[1]
    all_src = jnp.concatenate([src, dst])
    all_dst = jnp.concatenate([dst, src])
    key = all_src.astype(jnp.int64) * num_nodes + all_dst.astype(jnp.int64)
    sorted_key = jnp.sort(key)
    is_dup = jnp.concatenate(
        [jnp.zeros((1,), dtype=bool), sorted_key[1:] == sorted_key[:-1]]
    )
    weight = jnp.where(is_dup, 0.0, 1.0).astype(jnp.float32)
    ei = jnp.stack(
        [
            (sorted_key // num_nodes).astype(edge_index.dtype),
            (sorted_key % num_nodes).astype(edge_index.dtype),
        ]
    )
    return ei, weight


def gin_conv(x, edge_index, weight):
    # GINConv with nn=Identity, eps=0 (GIN-0): out_i = x_i + sum_{j in N(i)} x_j
    src, dst = edge_index[0], edge_index[1]
    agg = jnp.zeros_like(x).at[dst].add(x[src] * weight[:, None])
    return x + agg


def setup_inputs(seed: int = 0) -> dict:
    key = jax.random.key(seed)
    k1, k2 = jax.random.split(key)
    N, E, D = 10000, 160000, 256
    x = jax.random.normal(k1, (N, D), dtype=jnp.float32)
    edge_index = jax.random.randint(k2, (2, E), 0, N, dtype=jnp.int32)
    return {"x": x, "edge_index": edge_index}


def reference(x, edge_index):
    # forward with defaults: use_mp=True, keys='pos', undirected=True
    ei, w = to_undirected(edge_index, x.shape[0])
    h = gin_conv(x, ei, w)
    h = gin_conv(h, ei, w)
    h = gin_conv(h, ei, w)
    return h

if __name__ == "__main__":
    import jax
    _d = setup_inputs()
    print(jax.jit(kernel)(*tuple(_d.values())))

</pallas_src>

<mosaic_0001>
#map = affine_map<(d0, d1) -> (0)>
module attributes {stable_mosaic.version = 14 : i64} {
  func.func @new_body(%arg0: i32, %arg1: i32, %arg2: memref<320000xi32, #tpu.memory_space<hbm>>, %arg3: memref<104857600xf32, #tpu.memory_space<hbm>>, %arg4: memref<104857600xf32, #tpu.memory_space<hbm>>, %arg5: memref<2000xi32, #tpu.memory_space<vmem>>, %arg6: memref<2000xi32, #tpu.memory_space<vmem>>, %arg7: memref<20480xi32, #tpu.memory_space<vmem>>, %arg8: memref<161x128xi32, #tpu.memory_space<vmem>>, %arg9: memref<2048xf32, #tpu.memory_space<vmem>>, %arg10: memref<128xf32, #tpu.memory_space<vmem>>, %arg11: memref<1310736xf32, #tpu.memory_space<vmem_shared>>, %arg12: memref<!tpu.dma_semaphore, #tpu.memory_space<semaphore_mem>>, %arg13: memref<!tpu.dma_semaphore, #tpu.memory_space<semaphore_mem>>) attributes {dimension_semantics = [#tpu.dimension_semantics<core_parallel>, #tpu.dimension_semantics<subcore_parallel>], iteration_bounds = array<i64: 2, 16>, scalar_prefetch = 0 : i64, scratch_operands = 9 : i64, tpu.core_type = #tpu.core_type<sc_vector_subcore>, window_params = [{transform_indices = #map}, {transform_indices = #map}, {transform_indices = #map}]} {
    %mul3A = arith.constant 10000 : i32
    %mul3A_0 = arith.muli %arg1, %mul3A : i32
    %broadcast_in_dim3A = arith.constant 0.000000e+00 : f32
    %broadcast_in_dim3A_1 = vector.broadcast %broadcast_in_dim3A : f32 to vector<16xf32>
    %broadcast_in_dim3A_2 = arith.constant 1.000000e+00 : f32
    %broadcast_in_dim3A_3 = vector.broadcast %broadcast_in_dim3A_2 : f32 to vector<16xf32>
    %scan3A = arith.constant 0 : i32
    %scan3A_4 = arith.constant 0 : i32
    %scan3A_5 = arith.constant 128 : i32
    %scan3A_6 = arith.addi %scan3A_4, %scan3A_5 : i32
    %scan3A_7 = arith.constant 1 : i32
    scf.for %scan3A_221 = %scan3A_4 to %scan3A_6 step %scan3A_7  : i32 {
      %mul3A_222 = arith.constant 16 : i32
      %mul3A_223 = arith.muli %scan3A_221, %mul3A_222 : i32
      %swap3A_224 = arith.index_cast %mul3A_223 : i32 to index
      %swap3A_225 = tpu.vector_load %arg9[%swap3A_224] {strides = array<i32>} : memref<2048xf32, #tpu.memory_space<vmem>>, vector<16xf32>,
      tpu.vector_store %arg9[%swap3A_224], %broadcast_in_dim3A_1 {strides = array<i32>} : memref<2048xf32, #tpu.memory_space<vmem>>, vector<16xf32>,
    }
    %scan3A_8 = arith.constant 128 : i32
    %swap3A = arith.constant 0 : index
    %swap3A_9 = tpu.vector_load %arg10[%swap3A] {strides = array<i32>} : memref<128xf32, #tpu.memory_space<vmem>>, vector<16xf32>,
    tpu.vector_store %arg10[%swap3A], %broadcast_in_dim3A_3 {strides = array<i32>} : memref<128xf32, #tpu.memory_space<vmem>>, vector<16xf32>,
    %swap3A_10 = arith.constant 16 : index
    %swap3A_11 = tpu.vector_load %arg10[%swap3A_10] {strides = array<i32>} : memref<128xf32, #tpu.memory_space<vmem>>, vector<16xf32>,
    tpu.vector_store %arg10[%swap3A_10], %broadcast_in_dim3A_3 {strides = array<i32>} : memref<128xf32, #tpu.memory_space<vmem>>, vector<16xf32>,
    %swap3A_12 = arith.constant 32 : index
    %swap3A_13 = tpu.vector_load %arg10[%swap3A_12] {strides = array<i32>} : memref<128xf32, #tpu.memory_space<vmem>>, vector<16xf32>,
    tpu.vector_store %arg10[%swap3A_12], %broadcast_in_dim3A_3 {strides = array<i32>} : memref<128xf32, #tpu.memory_space<vmem>>, vector<16xf32>,
    %swap3A_14 = arith.constant 48 : index
    %swap3A_15 = tpu.vector_load %arg10[%swap3A_14] {strides = array<i32>} : memref<128xf32, #tpu.memory_space<vmem>>, vector<16xf32>,
    tpu.vector_store %arg10[%swap3A_14], %broadcast_in_dim3A_3 {strides = array<i32>} : memref<128xf32, #tpu.memory_space<vmem>>, vector<16xf32>,
    %swap3A_16 = arith.constant 64 : index
    %swap3A_17 = tpu.vector_load %arg10[%swap3A_16] {strides = array<i32>} : memref<128xf32, #tpu.memory_space<vmem>>, vector<16xf32>,
    tpu.vector_store %arg10[%swap3A_16], %broadcast_in_dim3A_3 {strides = array<i32>} : memref<128xf32, #tpu.memory_space<vmem>>, vector<16xf32>,
    %swap3A_18 = arith.constant 80 : index
    %swap3A_19 = tpu.vector_load %arg10[%swap3A_18] {strides = array<i32>} : memref<128xf32, #tpu.memory_space<vmem>>, vector<16xf32>,
    tpu.vector_store %arg10[%swap3A_18], %broadcast_in_dim3A_3 {strides = array<i32>} : memref<128xf32, #tpu.memory_space<vmem>>, vector<16xf32>,
    %swap3A_20 = arith.constant 96 : index
    %swap3A_21 = tpu.vector_load %arg10[%swap3A_20] {strides = array<i32>} : memref<128xf32, #tpu.memory_space<vmem>>, vector<16xf32>,
    tpu.vector_store %arg10[%swap3A_20], %broadcast_in_dim3A_3 {strides = array<i32>} : memref<128xf32, #tpu.memory_space<vmem>>, vector<16xf32>,
    %swap3A_22 = arith.constant 112 : index
    %swap3A_23 = tpu.vector_load %arg10[%swap3A_22] {strides = array<i32>} : memref<128xf32, #tpu.memory_space<vmem>>, vector<16xf32>,
    tpu.vector_store %arg10[%swap3A_22], %broadcast_in_dim3A_3 {strides = array<i32>} : memref<128xf32, #tpu.memory_space<vmem>>, vector<16xf32>,
    %broadcast_in_dim3A_24 = arith.constant 104857600 : i32
    %broadcast_in_dim3A_25 = vector.broadcast %broadcast_in_dim3A_24 : i32 to vector<16xi32>
    %scan3A_26 = arith.constant 0 : i32
    %scan3A_27 = arith.constant 0 : i32
    %scan3A_28 = arith.constant 1280 : i32
    %scan3A_29 = arith.addi %scan3A_27, %scan3A_28 : i32
    %scan3A_30 = arith.constant 1 : i32
    scf.for %scan3A_221 = %scan3A_27 to %scan3A_29 step %scan3A_30  : i32 {
      %mul3A_222 = arith.constant 16 : i32
      %mul3A_223 = arith.muli %scan3A_221, %mul3A_222 : i32
      %swap3A_224 = arith.index_cast %mul3A_223 : i32 to index
      %swap3A_225 = tpu.vector_load %arg7[%swap3A_224] {strides = array<i32>} : memref<20480xi32, #tpu.memory_space<vmem>>, vector<16xi32>,
      tpu.vector_store %arg7[%swap3A_224], %broadcast_in_dim3A_25 {strides = array<i32>} : memref<20480xi32, #tpu.memory_space<vmem>>, vector<16xi32>,
    }
    %scan3A_31 = arith.constant 1280 : i32
    %iota3A = tpu.iota {dimensions = array<i32: 0>} : vector<16xi32>
    %broadcast_in_dim3A_32 = arith.constant 0 : i32
    %broadcast_in_dim3A_33 = vector.broadcast %broadcast_in_dim3A_32 : i32 to vector<16xi32>
    %add3A = arith.constant 0 : i32
    %add3A_34 = arith.addi %mul3A_0, %add3A : i32
    "tpu.region"() ({
      %run_scoped3A = tpu.sem_alloc : memref<!tpu.dma_semaphore, #tpu.memory_space<semaphore_mem>>
      %dma_start3A = tpu.memref_slice %arg2[%add3A_34] : memref<320000xi32, #tpu.memory_space<hbm>> -> memref<2000xi32, #tpu.memory_space<hbm>>
      %dma_start3A_221 = tpu.memref_slice %arg2[%add3A_34] : memref<320000xi32, #tpu.memory_space<hbm>> -> memref<2000xi32, #tpu.memory_space<hbm>>
      tpu.enqueue_dma source(%dma_start3A_221 : memref<2000xi32, #tpu.memory_space<hbm>>) target(%arg5 : memref<2000xi32, #tpu.memory_space<vmem>>) target_semaphore(%run_scoped3A : memref<!tpu.dma_semaphore, #tpu.memory_space<semaphore_mem>>)
      %dma_wait3A_222 = tpu.memref_slice %arg2[%add3A_34] : memref<320000xi32, #tpu.memory_space<hbm>> -> memref<2000xi32, #tpu.memory_space<hbm>>
      %dma_wait3A_223 = tpu.memref_slice %arg2[%add3A_34] : memref<320000xi32, #tpu.memory_space<hbm>> -> memref<2000xi32, #tpu.memory_space<hbm>>
      tpu.wait_dma2 semaphore(%run_scoped3A : memref<!tpu.dma_semaphore, #tpu.memory_space<semaphore_mem>>) src(%dma_wait3A_223 : memref<2000xi32, #tpu.memory_space<hbm>>) dst(%arg5 : memref<2000xi32, #tpu.memory_space<vmem>>)
      tpu.yield
    }) : () -> ()
    %add3A_35 = arith.constant 160000 : i32
    %add3A_36 = arith.addi %add3A_35, %mul3A_0 : i32
    %add3A_37 = arith.constant 0 : i32
    %add3A_38 = arith.addi %add3A_36, %add3A_37 : i32
    "tpu.region"() ({
      %run_scoped3A = tpu.sem_alloc : memref<!tpu.dma_semaphore, #tpu.memory_space<semaphore_mem>>
      %dma_start3A = tpu.memref_slice %arg2[%add3A_38] : memref<320000xi32, #tpu.memory_space<hbm>> -> memref<2000xi32, #tpu.memory_space<hbm>>
      %dma_start3A_221 = tpu.memref_slice %arg2[%add3A_38] : memref<320000xi32, #tpu.memory_space<hbm>> -> memref<2000xi32, #tpu.memory_space<hbm>>
      tpu.enqueue_dma source(%dma_start3A_221 : memref<2000xi32, #tpu.memory_space<hbm>>) target(%arg6 : memref<2000xi32, #tpu.memory_space<vmem>>) target_semaphore(%run_scoped3A : memref<!tpu.dma_semaphore, #tpu.memory_space<semaphore_mem>>)
      %dma_wait3A_222 = tpu.memref_slice %arg2[%add3A_38] : memref<320000xi32, #tpu.memory_space<hbm>> -> memref<2000xi32, #tpu.memory_space<hbm>>
      %dma_wait3A_223 = tpu.memref_slice %arg2[%add3A_38] : memref<320000xi32, #tpu.memory_space<hbm>> -> memref<2000xi32, #tpu.memory_space<hbm>>
      tpu.wait_dma2 semaphore(%run_scoped3A : memref<!tpu.dma_semaphore, #tpu.memory_space<semaphore_mem>>) src(%dma_wait3A_223 : memref<2000xi32, #tpu.memory_space<hbm>>) dst(%arg6 : memref<2000xi32, #tpu.memory_space<vmem>>)
      tpu.yield
    }) : () -> ()
    %scan3A_39 = arith.constant 1 : i32
    %scan3A_40 = arith.constant 0 : i32
    %scan3A_41 = arith.constant 0 : i32
    %scan3A_42 = arith.constant 125 : i32
    %scan3A_43 = arith.addi %scan3A_41, %scan3A_42 : i32
    %scan3A_44 = arith.constant 1 : i32
    %scan3A_45:2 = scf.for %scan3A_221 = %scan3A_41 to %scan3A_43 step %scan3A_44 iter_args(%scan3A_222 = %broadcast_in_dim3A_33, %scan3A_223 = %broadcast_in_dim3A_33) -> (vector<16xi32>, vector<16xi32>)  : i32 {
      %mul3A_224 = arith.constant 16 : i32
      %mul3A_225 = arith.muli %scan3A_221, %mul3A_224 : i32
      %get3A = arith.index_cast %mul3A_225 : i32 to index
      %get3A_226 = tpu.vector_load %arg5[%get3A] {strides = array<i32>} : memref<2000xi32, #tpu.memory_space<vmem>>, vector<16xi32>,
      %mul3A_227 = arith.constant 16 : i32
      %mul3A_228 = arith.muli %scan3A_221, %mul3A_227 : i32
      %get3A_229 = arith.index_cast %mul3A_228 : i32 to index
      %get3A_230 = tpu.vector_load %arg6[%get3A_229] {strides = array<i32>} : memref<2000xi32, #tpu.memory_space<vmem>>, vector<16xi32>,
      %mul3A_231 = arith.constant 10240 : i32
      %mul3A_232 = vector.broadcast %mul3A_231 : i32 to vector<16xi32>
      %mul3A_233 = arith.muli %get3A_230, %mul3A_232 : vector<16xi32>
      %add3A_234 = arith.addi %mul3A_233, %get3A_226 : vector<16xi32>
      %mul3A_235 = arith.constant 10240 : i32
      %mul3A_236 = vector.broadcast %mul3A_235 : i32 to vector<16xi32>
      %mul3A_237 = arith.muli %get3A_226, %mul3A_236 : vector<16xi32>
      %add3A_238 = arith.addi %mul3A_237, %get3A_230 : vector<16xi32>
      %lt3A = arith.constant 52428800 : i32
      %lt3A_239 = vector.broadcast %lt3A : i32 to vector<16xi32>
      %lt3A_240 = arith.cmpi slt, %add3A_234, %lt3A_239 : vector<16xi32>
      %mul3A_241 = arith.constant 16 : i32
      %mul3A_242 = vector.broadcast %mul3A_241 : i32 to vector<16xi32>
      %mul3A_243 = arith.muli %scan3A_222, %mul3A_242 : vector<16xi32>
      %sub3A_244 = arith.constant 1279 : i32
      %sub3A_245 = vector.broadcast %sub3A_244 : i32 to vector<16xi32>
      %sub3A_246 = arith.subi %sub3A_245, %scan3A_223 : vector<16xi32>
      %mul3A_247 = arith.constant 16 : i32
      %mul3A_248 = vector.broadcast %mul3A_247 : i32 to vector<16xi32>
      %mul3A_249 = arith.muli %sub3A_246, %mul3A_248 : vector<16xi32>
      %select_n3A_250 = arith.select %lt3A_240, %mul3A_243, %mul3A_249 : vector<16xi1>, vector<16xi32>
      %add3A_251 = arith.addi %select_n3A_250, %iota3A : vector<16xi32>
      tpu.vector_store_idx %arg7[%add3A_251], %add3A_234 : memref<20480xi32, #tpu.memory_space<vmem>>[vector<16xi32>], vector<16xi32>,
      %broadcast_in_dim3A_252 = vector.broadcast %scan3A_39 : i32 to vector<16xi32>
      %broadcast_in_dim3A_253 = vector.broadcast %scan3A_40 : i32 to vector<16xi32>
      %select_n3A_254 = arith.select %lt3A_240, %broadcast_in_dim3A_252, %broadcast_in_dim3A_253 : vector<16xi1>, vector<16xi32>
      %add3A_255 = arith.addi %scan3A_222, %select_n3A_254 : vector<16xi32>
      %broadcast_in_dim3A_256 = vector.broadcast %scan3A_40 : i32 to vector<16xi32>
      %broadcast_in_dim3A_257 = vector.broadcast %scan3A_39 : i32 to vector<16xi32>
      %select_n3A_258 = arith.select %lt3A_240, %broadcast_in_dim3A_256, %broadcast_in_dim3A_257 : vector<16xi1>, vector<16xi32>
      %add3A_259 = arith.addi %scan3A_223, %select_n3A_258 : vector<16xi32>
      %lt3A_260 = arith.constant 52428800 : i32
      %lt3A_261 = vector.broadcast %lt3A_260 : i32 to vector<16xi32>
      %lt3A_262 = arith.cmpi slt, %add3A_238, %lt3A_261 : vector<16xi32>
      %mul3A_263 = arith.constant 16 : i32
      %mul3A_264 = vector.broadcast %mul3A_263 : i32 to vector<16xi32>
      %mul3A_265 = arith.muli %add3A_255, %mul3A_264 : vector<16xi32>
      %sub3A_266 = arith.constant 1279 : i32
      %sub3A_267 = vector.broadcast %sub3A_266 : i32 to vector<16xi32>
      %sub3A_268 = arith.subi %sub3A_267, %add3A_259 : vector<16xi32>
      %mul3A_269 = arith.constant 16 : i32
      %mul3A_270 = vector.broadcast %mul3A_269 : i32 to vector<16xi32>
      %mul3A_271 = arith.muli %sub3A_268, %mul3A_270 : vector<16xi32>
      %select_n3A_272 = arith.select %lt3A_262, %mul3A_265, %mul3A_271 : vector<16xi1>, vector<16xi32>
      %add3A_273 = arith.addi %select_n3A_272, %iota3A : vector<16xi32>
      tpu.vector_store_idx %arg7[%add3A_273], %add3A_238 : memref<20480xi32, #tpu.memory_space<vmem>>[vector<16xi32>], vector<16xi32>,
      %broadcast_in_dim3A_274 = vector.broadcast %scan3A_39 : i32 to vector<16xi32>
      %broadcast_in_dim3A_275 = vector.broadcast %scan3A_40 : i32 to vector<16xi32>
      %select_n3A_276 = arith.select %lt3A_262, %broadcast_in_dim3A_274, %broadcast_in_dim3A_275 : vector<16xi1>, vector<16xi32>
      %add3A_277 = arith.addi %add3A_255, %select_n3A_276 : vector<16xi32>
      %broadcast_in_dim3A_278 = vector.broadcast %scan3A_40 : i32 to vector<16xi32>
      %broadcast_in_dim3A_279 = vector.broadcast %scan3A_39 : i32 to vector<16xi32>
      %select_n3A_280 = arith.select %lt3A_262, %broadcast_in_dim3A_278, %broadcast_in_dim3A_279 : vector<16xi1>, vector<16xi32>
      %add3A_281 = arith.addi %add3A_259, %select_n3A_280 : vector<16xi32>
      scf.yield %add3A_277, %add3A_281 : vector<16xi32>, vector<16xi32>
    }
    %scan3A_46 = arith.constant 125 : i32
    %add3A_47 = arith.constant 2000 : i32
    %add3A_48 = arith.addi %mul3A_0, %add3A_47 : i32
    "tpu.region"() ({
      %run_scoped3A = tpu.sem_alloc : memref<!tpu.dma_semaphore, #tpu.memory_space<semaphore_mem>>
      %dma_start3A = tpu.memref_slice %arg2[%add3A_48] : memref<320000xi32, #tpu.memory_space<hbm>> -> memref<2000xi32, #tpu.memory_space<hbm>>
      %dma_start3A_221 = tpu.memref_slice %arg2[%add3A_48] : memref<320000xi32, #tpu.memory_space<hbm>> -> memref<2000xi32, #tpu.memory_space<hbm>>
      tpu.enqueue_dma source(%dma_start3A_221 : memref<2000xi32, #tpu.memory_space<hbm>>) target(%arg5 : memref<2000xi32, #tpu.memory_space<vmem>>) target_semaphore(%run_scoped3A : memref<!tpu.dma_semaphore, #tpu.memory_space<semaphore_mem>>)
      %dma_wait3A_222 = tpu.memref_slice %arg2[%add3A_48] : memref<320000xi32, #tpu.memory_space<hbm>> -> memref<2000xi32, #tpu.memory_space<hbm>>
      %dma_wait3A_223 = tpu.memref_slice %arg2[%add3A_48] : memref<320000xi32, #tpu.memory_space<hbm>> -> memref<2000xi32, #tpu.memory_space<hbm>>
      tpu.wait_dma2 semaphore(%run_scoped3A : memref<!tpu.dma_semaphore, #tpu.memory_space<semaphore_mem>>) src(%dma_wait3A_223 : memref<2000xi32, #tpu.memory_space<hbm>>) dst(%arg5 : memref<2000xi32, #tpu.memory_space<vmem>>)
      tpu.yield
    }) : () -> ()
    %add3A_49 = arith.constant 160000 : i32
    %add3A_50 = arith.addi %add3A_49, %mul3A_0 : i32
    %add3A_51 = arith.constant 2000 : i32
    %add3A_52 = arith.addi %add3A_50, %add3A_51 : i32
    "tpu.region"() ({
      %run_scoped3A = tpu.sem_alloc : memref<!tpu.dma_semaphore, #tpu.memory_space<semaphore_mem>>
      %dma_start3A = tpu.memref_slice %arg2[%add3A_52] : memref<320000xi32, #tpu.memory_space<hbm>> -> memref<2000xi32, #tpu.memory_space<hbm>>
      %dma_start3A_221 = tpu.memref_slice %arg2[%add3A_52] : memref<320000xi32, #tpu.memory_space<hbm>> -> memref<2000xi32, #tpu.memory_space<hbm>>
      tpu.enqueue_dma source(%dma_start3A_221 : memref<2000xi32, #tpu.memory_space<hbm>>) target(%arg6 : memref<2000xi32, #tpu.memory_space<vmem>>) target_semaphore(%run_scoped3A : memref<!tpu.dma_semaphore, #tpu.memory_space<semaphore_mem>>)
      %dma_wait3A_222 = tpu.memref_slice %arg2[%add3A_52] : memref<320000xi32, #tpu.memory_space<hbm>> -> memref<2000xi32, #tpu.memory_space<hbm>>
      %dma_wait3A_223 = tpu.memref_slice %arg2[%add3A_52] : memref<320000xi32, #tpu.memory_space<hbm>> -> memref<2000xi32, #tpu.memory_space<hbm>>
      tpu.wait_dma2 semaphore(%run_scoped3A : memref<!tpu.dma_semaphore, #tpu.memory_space<semaphore_mem>>) src(%dma_wait3A_223 : memref<2000xi32, #tpu.memory_space<hbm>>) dst(%arg6 : memref<2000xi32, #tpu.memory_space<vmem>>)
      tpu.yield
    }) : () -> ()
    %scan3A_53 = arith.constant 1 : i32
    %scan3A_54 = arith.constant 0 : i32
    %scan3A_55 = arith.constant 0 : i32
    %scan3A_56 = arith.constant 125 : i32
    %scan3A_57 = arith.addi %scan3A_55, %scan3A_56 : i32
    %scan3A_58 = arith.constant 1 : i32
    %scan3A_59:2 = scf.for %scan3A_221 = %scan3A_55 to %scan3A_57 step %scan3A_58 iter_args(%scan3A_222 = %scan3A_45#0, %scan3A_223 = %scan3A_45#1) -> (vector<16xi32>, vector<16xi32>)  : i32 {
      %mul3A_224 = arith.constant 16 : i32
      %mul3A_225 = arith.muli %scan3A_221, %mul3A_224 : i32
      %get3A = arith.index_cast %mul3A_225 : i32 to index
      %get3A_226 = tpu.vector_load %arg5[%get3A] {strides = array<i32>} : memref<2000xi32, #tpu.memory_space<vmem>>, vector<16xi32>,
      %mul3A_227 = arith.constant 16 : i32
      %mul3A_228 = arith.muli %scan3A_221, %mul3A_227 : i32
      %get3A_229 = arith.index_cast %mul3A_228 : i32 to index
      %get3A_230 = tpu.vector_load %arg6[%get3A_229] {strides = array<i32>} : memref<2000xi32, #tpu.memory_space<vmem>>, vector<16xi32>,
      %mul3A_231 = arith.constant 10240 : i32
      %mul3A_232 = vector.broadcast %mul3A_231 : i32 to vector<16xi32>
      %mul3A_233 = arith.muli %get3A_230, %mul3A_232 : vector<16xi32>
      %add3A_234 = arith.addi %mul3A_233, %get3A_226 : vector<16xi32>
      %mul3A_235 = arith.constant 10240 : i32
      %mul3A_236 = vector.broadcast %mul3A_235 : i32 to vector<16xi32>
      %mul3A_237 = arith.muli %get3A_226, %mul3A_236 : vector<16xi32>
      %add3A_238 = arith.addi %mul3A_237, %get3A_230 : vector<16xi32>
      %lt3A = arith.constant 52428800 : i32
      %lt3A_239 = vector.broadcast %lt3A : i32 to vector<16xi32>
      %lt3A_240 = arith.cmpi slt, %add3A_234, %lt3A_239 : vector<16xi32>
      %mul3A_241 = arith.constant 16 : i32
      %mul3A_242 = vector.broadcast %mul3A_241 : i32 to vector<16xi32>
      %mul3A_243 = arith.muli %scan3A_222, %mul3A_242 : vector<16xi32>
      %sub3A_244 = arith.constant 1279 : i32
      %sub3A_245 = vector.broadcast %sub3A_244 : i32 to vector<16xi32>
      %sub3A_246 = arith.subi %sub3A_245, %scan3A_223 : vector<16xi32>
      %mul3A_247 = arith.constant 16 : i32
      %mul3A_248 = vector.broadcast %mul3A_247 : i32 to vector<16xi32>
      %mul3A_249 = arith.muli %sub3A_246, %mul3A_248 : vector<16xi32>
      %select_n3A_250 = arith.select %lt3A_240, %mul3A_243, %mul3A_249 : vector<16xi1>, vector<16xi32>
      %add3A_251 = arith.addi %select_n3A_250, %iota3A : vector<16xi32>
      tpu.vector_store_idx %arg7[%add3A_251], %add3A_234 : memref<20480xi32, #tpu.memory_space<vmem>>[vector<16xi32>], vector<16xi32>,
      %broadcast_in_dim3A_252 = vector.broadcast %scan3A_53 : i32 to vector<16xi32>
      %broadcast_in_dim3A_253 = vector.broadcast %scan3A_54 : i32 to vector<16xi32>
      %select_n3A_254 = arith.select %lt3A_240, %broadcast_in_dim3A_252, %broadcast_in_dim3A_253 : vector<16xi1>, vector<16xi32>
      %add3A_255 = arith.addi %scan3A_222, %select_n3A_254 : vector<16xi32>
      %broadcast_in_dim3A_256 = vector.broadcast %scan3A_54 : i32 to vector<16xi32>
      %broadcast_in_dim3A_257 = vector.broadcast %scan3A_53 : i32 to vector<16xi32>
      %select_n3A_258 = arith.select %lt3A_240, %broadcast_in_dim3A_256, %broadcast_in_dim3A_257 : vector<16xi1>, vector<16xi32>
      %add3A_259 = arith.addi %scan3A_223, %select_n3A_258 : vector<16xi32>
      %lt3A_260 = arith.constant 52428800 : i32
      %lt3A_261 = vector.broadcast %lt3A_260 : i32 to vector<16xi32>
      %lt3A_262 = arith.cmpi slt, %add3A_238, %lt3A_261 : vector<16xi32>
      %mul3A_263 = arith.constant 16 : i32
      %mul3A_264 = vector.broadcast %mul3A_263 : i32 to vector<16xi32>
      %mul3A_265 = arith.muli %add3A_255, %mul3A_264 : vector<16xi32>
      %sub3A_266 = arith.constant 1279 : i32
      %sub3A_267 = vector.broadcast %sub3A_266 : i32 to vector<16xi32>
      %sub3A_268 = arith.subi %sub3A_267, %add3A_259 : vector<16xi32>
      %mul3A_269 = arith.constant 16 : i32
      %mul3A_270 = vector.broadcast %mul3A_269 : i32 to vector<16xi32>
      %mul3A_271 = arith.muli %sub3A_268, %mul3A_270 : vector<16xi32>
      %select_n3A_272 = arith.select %lt3A_262, %mul3A_265, %mul3A_271 : vector<16xi1>, vector<16xi32>
      %add3A_273 = arith.addi %select_n3A_272, %iota3A : vector<16xi32>
      tpu.vector_store_idx %arg7[%add3A_273], %add3A_238 : memref<20480xi32, #tpu.memory_space<vmem>>[vector<16xi32>], vector<16xi32>,
      %broadcast_in_dim3A_274 = vector.broadcast %scan3A_53 : i32 to vector<16xi32>
      %broadcast_in_dim3A_275 = vector.broadcast %scan3A_54 : i32 to vector<16xi32>
      %select_n3A_276 = arith.select %lt3A_262, %broadcast_in_dim3A_274, %broadcast_in_dim3A_275 : vector<16xi1>, vector<16xi32>
      %add3A_277 = arith.addi %add3A_255, %select_n3A_276 : vector<16xi32>
      %broadcast_in_dim3A_278 = vector.broadcast %scan3A_54 : i32 to vector<16xi32>
      %broadcast_in_dim3A_279 = vector.broadcast %scan3A_53 : i32 to vector<16xi32>
      %select_n3A_280 = arith.select %lt3A_262, %broadcast_in_dim3A_278, %broadcast_in_dim3A_279 : vector<16xi1>, vector<16xi32>
      %add3A_281 = arith.addi %add3A_259, %select_n3A_280 : vector<16xi32>
      scf.yield %add3A_277, %add3A_281 : vector<16xi32>, vector<16xi32>
    }
    %scan3A_60 = arith.constant 125 : i32
    %add3A_61 = arith.constant 4000 : i32
    %add3A_62 = arith.addi %mul3A_0, %add3A_61 : i32
    "tpu.region"() ({
      %run_scoped3A = tpu.sem_alloc : memref<!tpu.dma_semaphore, #tpu.memory_space<semaphore_mem>>
      %dma_start3A = tpu.memref_slice %arg2[%add3A_62] : memref<320000xi32, #tpu.memory_space<hbm>> -> memref<2000xi32, #tpu.memory_space<hbm>>
      %dma_start3A_221 = tpu.memref_slice %arg2[%add3A_62] : memref<320000xi32, #tpu.memory_space<hbm>> -> memref<2000xi32, #tpu.memory_space<hbm>>
      tpu.enqueue_dma source(%dma_start3A_221 : memref<2000xi32, #tpu.memory_space<hbm>>) target(%arg5 : memref<2000xi32, #tpu.memory_space<vmem>>) target_semaphore(%run_scoped3A : memref<!tpu.dma_semaphore, #tpu.memory_space<semaphore_mem>>)
      %dma_wait3A_222 = tpu.memref_slice %arg2[%add3A_62] : memref<320000xi32, #tpu.memory_space<hbm>> -> memref<2000xi32, #tpu.memory_space<hbm>>
      %dma_wait3A_223 = tpu.memref_slice %arg2[%add3A_62] : memref<320000xi32, #tpu.memory_space<hbm>> -> memref<2000xi32, #tpu.memory_space<hbm>>
      tpu.wait_dma2 semaphore(%run_scoped3A : memref<!tpu.dma_semaphore, #tpu.memory_space<semaphore_mem>>) src(%dma_wait3A_223 : memref<2000xi32, #tpu.memory_space<hbm>>) dst(%arg5 : memref<2000xi32, #tpu.memory_space<vmem>>)
      tpu.yield
    }) : () -> ()
    %add3A_63 = arith.constant 160000 : i32
    %add3A_64 = arith.addi %add3A_63, %mul3A_0 : i32
    %add3A_65 = arith.constant 4000 : i32
    %add3A_66 = arith.addi %add3A_64, %add3A_65 : i32
    "tpu.region"() ({
      %run_scoped3A = tpu.sem_alloc : memref<!tpu.dma_semaphore, #tpu.memory_space<semaphore_mem>>
      %dma_start3A = tpu.memref_slice %arg2[%add3A_66] : memref<320000xi32, #tpu.memory_space<hbm>> -> memref<2000xi32, #tpu.memory_space<hbm>>
      %dma_start3A_221 = tpu.memref_slice %arg2[%add3A_66] : memref<320000xi32, #tpu.memory_space<hbm>> -> memref<2000xi32, #tpu.memory_space<hbm>>
      tpu.enqueue_dma source(%dma_start3A_221 : memref<2000xi32, #tpu.memory_space<hbm>>) target(%arg6 : memref<2000xi32, #tpu.memory_space<vmem>>) target_semaphore(%run_scoped3A : memref<!tpu.dma_semaphore, #tpu.memory_space<semaphore_mem>>)
      %dma_wait3A_222 = tpu.memref_slice %arg2[%add3A_66] : memref<320000xi32, #tpu.memory_space<hbm>> -> memref<2000xi32, #tpu.memory_space<hbm>>
      %dma_wait3A_223 = tpu.memref_slice %arg2[%add3A_66] : memref<320000xi32, #tpu.memory_space<hbm>> -> memref<2000xi32, #tpu.memory_space<hbm>>
      tpu.wait_dma2 semaphore(%run_scoped3A : memref<!tpu.dma_semaphore, #tpu.memory_space<semaphore_mem>>) src(%dma_wait3A_223 : memref<2000xi32, #tpu.memory_space<hbm>>) dst(%arg6 : memref<2000xi32, #tpu.memory_space<vmem>>)
      tpu.yield
    }) : () -> ()
    %scan3A_67 = arith.constant 1 : i32
    %scan3A_68 = arith.constant 0 : i32
    %scan3A_69 = arith.constant 0 : i32
    %scan3A_70 = arith.constant 125 : i32
    %scan3A_71 = arith.addi %scan3A_69, %scan3A_70 : i32
    %scan3A_72 = arith.constant 1 : i32
    %scan3A_73:2 = scf.for %scan3A_221 = %scan3A_69 to %scan3A_71 step %scan3A_72 iter_args(%scan3A_222 = %scan3A_59#0, %scan3A_223 = %scan3A_59#1) -> (vector<16xi32>, vector<16xi32>)  : i32 {
      %mul3A_224 = arith.constant 16 : i32
      %mul3A_225 = arith.muli %scan3A_221, %mul3A_224 : i32
      %get3A = arith.index_cast %mul3A_225 : i32 to index
      %get3A_226 = tpu.vector_load %arg5[%get3A] {strides = array<i32>} : memref<2000xi32, #tpu.memory_space<vmem>>, vector<16xi32>,
      %mul3A_227 = arith.constant 16 : i32
      %mul3A_228 = arith.muli %scan3A_221, %mul3A_227 : i32
      %get3A_229 = arith.index_cast %mul3A_228 : i32 to index
      %get3A_230 = tpu.vector_load %arg6[%get3A_229] {strides = array<i32>} : memref<2000xi32, #tpu.memory_space<vmem>>, vector<16xi32>,
      %mul3A_231 = arith.constant 10240 : i32
      %mul3A_232 = vector.broadcast %mul3A_231 : i32 to vector<16xi32>
      %mul3A_233 = arith.muli %get3A_230, %mul3A_232 : vector<16xi32>
      %add3A_234 = arith.addi %mul3A_233, %get3A_226 : vector<16xi32>
      %mul3A_235 = arith.constant 10240 : i32
      %mul3A_236 = vector.broadcast %mul3A_235 : i32 to vector<16xi32>
      %mul3A_237 = arith.muli %get3A_226, %mul3A_236 : vector<16xi32>
      %add3A_238 = arith.addi %mul3A_237, %get3A_230 : vector<16xi32>
      %lt3A = arith.constant 52428800 : i32
      %lt3A_239 = vector.broadcast %lt3A : i32 to vector<16xi32>
      %lt3A_240 = arith.cmpi slt, %add3A_234, %lt3A_239 : vector<16xi32>
      %mul3A_241 = arith.constant 16 : i32
      %mul3A_242 = vector.broadcast %mul3A_241 : i32 to vector<16xi32>
      %mul3A_243 = arith.muli %scan3A_222, %mul3A_242 : vector<16xi32>
      %sub3A_244 = arith.constant 1279 : i32
      %sub3A_245 = vector.broadcast %sub3A_244 : i32 to vector<16xi32>
      %sub3A_246 = arith.subi %sub3A_245, %scan3A_223 : vector<16xi32>
      %mul3A_247 = arith.constant 16 : i32
      %mul3A_248 = vector.broadcast %mul3A_247 : i32 to vector<16xi32>
      %mul3A_249 = arith.muli %sub3A_246, %mul3A_248 : vector<16xi32>
      %select_n3A_250 = arith.select %lt3A_240, %mul3A_243, %mul3A_249 : vector<16xi1>, vector<16xi32>
      %add3A_251 = arith.addi %select_n3A_250, %iota3A : vector<16xi32>
      tpu.vector_store_idx %arg7[%add3A_251], %add3A_234 : memref<20480xi32, #tpu.memory_space<vmem>>[vector<16xi32>], vector<16xi32>,
      %broadcast_in_dim3A_252 = vector.broadcast %scan3A_67 : i32 to vector<16xi32>
      %broadcast_in_dim3A_253 = vector.broadcast %scan3A_68 : i32 to vector<16xi32>
      %select_n3A_254 = arith.select %lt3A_240, %broadcast_in_dim3A_252, %broadcast_in_dim3A_253 : vector<16xi1>, vector<16xi32>
      %add3A_255 = arith.addi %scan3A_222, %select_n3A_254 : vector<16xi32>
      %broadcast_in_dim3A_256 = vector.broadcast %scan3A_68 : i32 to vector<16xi32>
      %broadcast_in_dim3A_257 = vector.broadcast %scan3A_67 : i32 to vector<16xi32>
      %select_n3A_258 = arith.select %lt3A_240, %broadcast_in_dim3A_256, %broadcast_in_dim3A_257 : vector<16xi1>, vector<16xi32>
      %add3A_259 = arith.addi %scan3A_223, %select_n3A_258 : vector<16xi32>
      %lt3A_260 = arith.constant 52428800 : i32
      %lt3A_261 = vector.broadcast %lt3A_260 : i32 to vector<16xi32>
      %lt3A_262 = arith.cmpi slt, %add3A_238, %lt3A_261 : vector<16xi32>
      %mul3A_263 = arith.constant 16 : i32
      %mul3A_264 = vector.broadcast %mul3A_263 : i32 to vector<16xi32>
      %mul3A_265 = arith.muli %add3A_255, %mul3A_264 : vector<16xi32>
      %sub3A_266 = arith.constant 1279 : i32
      %sub3A_267 = vector.broadcast %sub3A_266 : i32 to vector<16xi32>
      %sub3A_268 = arith.subi %sub3A_267, %add3A_259 : vector<16xi32>
      %mul3A_269 = arith.constant 16 : i32
      %mul3A_270 = vector.broadcast %mul3A_269 : i32 to vector<16xi32>
      %mul3A_271 = arith.muli %sub3A_268, %mul3A_270 : vector<16xi32>
      %select_n3A_272 = arith.select %lt3A_262, %mul3A_265, %mul3A_271 : vector<16xi1>, vector<16xi32>
      %add3A_273 = arith.addi %select_n3A_272, %iota3A : vector<16xi32>
      tpu.vector_store_idx %arg7[%add3A_273], %add3A_238 : memref<20480xi32, #tpu.memory_space<vmem>>[vector<16xi32>], vector<16xi32>,
      %broadcast_in_dim3A_274 = vector.broadcast %scan3A_67 : i32 to vector<16xi32>
      %broadcast_in_dim3A_275 = vector.broadcast %scan3A_68 : i32 to vector<16xi32>
      %select_n3A_276 = arith.select %lt3A_262, %broadcast_in_dim3A_274, %broadcast_in_dim3A_275 : vector<16xi1>, vector<16xi32>
      %add3A_277 = arith.addi %add3A_255, %select_n3A_276 : vector<16xi32>
      %broadcast_in_dim3A_278 = vector.broadcast %scan3A_68 : i32 to vector<16xi32>
      %broadcast_in_dim3A_279 = vector.broadcast %scan3A_67 : i32 to vector<16xi32>
      %select_n3A_280 = arith.select %lt3A_262, %broadcast_in_dim3A_278, %broadcast_in_dim3A_279 : vector<16xi1>, vector<16xi32>
      %add3A_281 = arith.addi %add3A_259, %select_n3A_280 : vector<16xi32>
      scf.yield %add3A_277, %add3A_281 : vector<16xi32>, vector<16xi32>
    }
    %scan3A_74 = arith.constant 125 : i32
    %add3A_75 = arith.constant 6000 : i32
    %add3A_76 = arith.addi %mul3A_0, %add3A_75 : i32
    "tpu.region"() ({
      %run_scoped3A = tpu.sem_alloc : memref<!tpu.dma_semaphore, #tpu.memory_space<semaphore_mem>>
      %dma_start3A = tpu.memref_slice %arg2[%add3A_76] : memref<320000xi32, #tpu.memory_space<hbm>> -> memref<2000xi32, #tpu.memory_space<hbm>>
      %dma_start3A_221 = tpu.memref_slice %arg2[%add3A_76] : memref<320000xi32, #tpu.memory_space<hbm>> -> memref<2000xi32, #tpu.memory_space<hbm>>
      tpu.enqueue_dma source(%dma_start3A_221 : memref<2000xi32, #tpu.memory_space<hbm>>) target(%arg5 : memref<2000xi32, #tpu.memory_space<vmem>>) target_semaphore(%run_scoped3A : memref<!tpu.dma_semaphore, #tpu.memory_space<semaphore_mem>>)
      %dma_wait3A_222 = tpu.memref_slice %arg2[%add3A_76] : memref<320000xi32, #tpu.memory_space<hbm>> -> memref<2000xi32, #tpu.memory_space<hbm>>
      %dma_wait3A_223 = tpu.memref_slice %arg2[%add3A_76] : memref<320000xi32, #tpu.memory_space<hbm>> -> memref<2000xi32, #tpu.memory_space<hbm>>
      tpu.wait_dma2 semaphore(%run_scoped3A : memref<!tpu.dma_semaphore, #tpu.memory_space<semaphore_mem>>) src(%dma_wait3A_223 : memref<2000xi32, #tpu.memory_space<hbm>>) dst(%arg5 : memref<2000xi32, #tpu.memory_space<vmem>>)
      tpu.yield
    }) : () -> ()
    %add3A_77 = arith.constant 160000 : i32
    %add3A_78 = arith.addi %add3A_77, %mul3A_0 : i32
    %add3A_79 = arith.constant 6000 : i32
    %add3A_80 = arith.addi %add3A_78, %add3A_79 : i32
    "tpu.region"() ({
      %run_scoped3A = tpu.sem_alloc : memref<!tpu.dma_semaphore, #tpu.memory_space<semaphore_mem>>
      %dma_start3A = tpu.memref_slice %arg2[%add3A_80] : memref<320000xi32, #tpu.memory_space<hbm>> -> memref<2000xi32, #tpu.memory_space<hbm>>
      %dma_start3A_221 = tpu.memref_slice %arg2[%add3A_80] : memref<320000xi32, #tpu.memory_space<hbm>> -> memref<2000xi32, #tpu.memory_space<hbm>>
      tpu.enqueue_dma source(%dma_start3A_221 : memref<2000xi32, #tpu.memory_space<hbm>>) target(%arg6 : memref<2000xi32, #tpu.memory_space<vmem>>) target_semaphore(%run_scoped3A : memref<!tpu.dma_semaphore, #tpu.memory_space<semaphore_mem>>)
      %dma_wait3A_222 = tpu.memref_slice %arg2[%add3A_80] : memref<320000xi32, #tpu.memory_space<hbm>> -> memref<2000xi32, #tpu.memory_space<hbm>>
      %dma_wait3A_223 = tpu.memref_slice %arg2[%add3A_80] : memref<320000xi32, #tpu.memory_space<hbm>> -> memref<2000xi32, #tpu.memory_space<hbm>>
      tpu.wait_dma2 semaphore(%run_scoped3A : memref<!tpu.dma_semaphore, #tpu.memory_space<semaphore_mem>>) src(%dma_wait3A_223 : memref<2000xi32, #tpu.memory_space<hbm>>) dst(%arg6 : memref<2000xi32, #tpu.memory_space<vmem>>)
      tpu.yield
    }) : () -> ()
    %scan3A_81 = arith.constant 1 : i32
    %scan3A_82 = arith.constant 0 : i32
    %scan3A_83 = arith.constant 0 : i32
    %scan3A_84 = arith.constant 125 : i32
    %scan3A_85 = arith.addi %scan3A_83, %scan3A_84 : i32
    %scan3A_86 = arith.constant 1 : i32
    %scan3A_87:2 = scf.for %scan3A_221 = %scan3A_83 to %scan3A_85 step %scan3A_86 iter_args(%scan3A_222 = %scan3A_73#0, %scan3A_223 = %scan3A_73#1) -> (vector<16xi32>, vector<16xi32>)  : i32 {
      %mul3A_224 = arith.constant 16 : i32
      %mul3A_225 = arith.muli %scan3A_221, %mul3A_224 : i32
      %get3A = arith.index_cast %mul3A_225 : i32 to index
      %get3A_226 = tpu.vector_load %arg5[%get3A] {strides = array<i32>} : memref<2000xi32, #tpu.memory_space<vmem>>, vector<16xi32>,
      %mul3A_227 = arith.constant 16 : i32
      %mul3A_228 = arith.muli %scan3A_221, %mul3A_227 : i32
      %get3A_229 = arith.index_cast %mul3A_228 : i32 to index
      %get3A_230 = tpu.vector_load %arg6[%get3A_229] {strides = array<i32>} : memref<2000xi32, #tpu.memory_space<vmem>>, vector<16xi32>,
      %mul3A_231 = arith.constant 10240 : i32
      %mul3A_232 = vector.broadcast %mul3A_231 : i32 to vector<16xi32>
      %mul3A_233 = arith.muli %get3A_230, %mul3A_232 : vector<16xi32>
      %add3A_234 = arith.addi %mul3A_233, %get3A_226 : vector<16xi32>
      %mul3A_235 = arith.constant 10240 : i32
      %mul3A_236 = vector.broadcast %mul3A_235 : i32 to vector<16xi32>
      %mul3A_237 = arith.muli %get3A_226, %mul3A_236 : vector<16xi32>
      %add3A_238 = arith.addi %mul3A_237, %get3A_230 : vector<16xi32>
      %lt3A = arith.constant 52428800 : i32
      %lt3A_239 = vector.broadcast %lt3A : i32 to vector<16xi32>
      %lt3A_240 = arith.cmpi slt, %add3A_234, %lt3A_239 : vector<16xi32>
      %mul3A_241 = arith.constant 16 : i32
      %mul3A_242 = vector.broadcast %mul3A_241 : i32 to vector<16xi32>
      %mul3A_243 = arith.muli %scan3A_222, %mul3A_242 : vector<16xi32>
      %sub3A_244 = arith.constant 1279 : i32
      %sub3A_245 = vector.broadcast %sub3A_244 : i32 to vector<16xi32>
      %sub3A_246 = arith.subi %sub3A_245, %scan3A_223 : vector<16xi32>
      %mul3A_247 = arith.constant 16 : i32
      %mul3A_248 = vector.broadcast %mul3A_247 : i32 to vector<16xi32>
      %mul3A_249 = arith.muli %sub3A_246, %mul3A_248 : vector<16xi32>
      %select_n3A_250 = arith.select %lt3A_240, %mul3A_243, %mul3A_249 : vector<16xi1>, vector<16xi32>
      %add3A_251 = arith.addi %select_n3A_250, %iota3A : vector<16xi32>
      tpu.vector_store_idx %arg7[%add3A_251], %add3A_234 : memref<20480xi32, #tpu.memory_space<vmem>>[vector<16xi32>], vector<16xi32>,
      %broadcast_in_dim3A_252 = vector.broadcast %scan3A_81 : i32 to vector<16xi32>
      %broadcast_in_dim3A_253 = vector.broadcast %scan3A_82 : i32 to vector<16xi32>
      %select_n3A_254 = arith.select %lt3A_240, %broadcast_in_dim3A_252, %broadcast_in_dim3A_253 : vector<16xi1>, vector<16xi32>
      %add3A_255 = arith.addi %scan3A_222, %select_n3A_254 : vector<16xi32>
      %broadcast_in_dim3A_256 = vector.broadcast %scan3A_82 : i32 to vector<16xi32>
      %broadcast_in_dim3A_257 = vector.broadcast %scan3A_81 : i32 to vector<16xi32>
      %select_n3A_258 = arith.select %lt3A_240, %broadcast_in_dim3A_256, %broadcast_in_dim3A_257 : vector<16xi1>, vector<16xi32>
      %add3A_259 = arith.addi %scan3A_223, %select_n3A_258 : vector<16xi32>
      %lt3A_260 = arith.constant 52428800 : i32
      %lt3A_261 = vector.broadcast %lt3A_260 : i32 to vector<16xi32>
      %lt3A_262 = arith.cmpi slt, %add3A_238, %lt3A_261 : vector<16xi32>
      %mul3A_263 = arith.constant 16 : i32
      %mul3A_264 = vector.broadcast %mul3A_263 : i32 to vector<16xi32>
      %mul3A_265 = arith.muli %add3A_255, %mul3A_264 : vector<16xi32>
      %sub3A_266 = arith.constant 1279 : i32
      %sub3A_267 = vector.broadcast %sub3A_266 : i32 to vector<16xi32>
      %sub3A_268 = arith.subi %sub3A_267, %add3A_259 : vector<16xi32>
      %mul3A_269 = arith.constant 16 : i32
      %mul3A_270 = vector.broadcast %mul3A_269 : i32 to vector<16xi32>
      %mul3A_271 = arith.muli %sub3A_268, %mul3A_270 : vector<16xi32>
      %select_n3A_272 = arith.select %lt3A_262, %mul3A_265, %mul3A_271 : vector<16xi1>, vector<16xi32>
      %add3A_273 = arith.addi %select_n3A_272, %iota3A : vector<16xi32>
      tpu.vector_store_idx %arg7[%add3A_273], %add3A_238 : memref<20480xi32, #tpu.memory_space<vmem>>[vector<16xi32>], vector<16xi32>,
      %broadcast_in_dim3A_274 = vector.broadcast %scan3A_81 : i32 to vector<16xi32>
      %broadcast_in_dim3A_275 = vector.broadcast %scan3A_82 : i32 to vector<16xi32>
      %select_n3A_276 = arith.select %lt3A_262, %broadcast_in_dim3A_274, %broadcast_in_dim3A_275 : vector<16xi1>, vector<16xi32>
      %add3A_277 = arith.addi %add3A_255, %select_n3A_276 : vector<16xi32>
      %broadcast_in_dim3A_278 = vector.broadcast %scan3A_82 : i32 to vector<16xi32>
      %broadcast_in_dim3A_279 = vector.broadcast %scan3A_81 : i32 to vector<16xi32>
      %select_n3A_280 = arith.select %lt3A_262, %broadcast_in_dim3A_278, %broadcast_in_dim3A_279 : vector<16xi1>, vector<16xi32>
      %add3A_281 = arith.addi %add3A_259, %select_n3A_280 : vector<16xi32>
      scf.yield %add3A_277, %add3A_281 : vector<16xi32>, vector<16xi32>
    }
    %scan3A_88 = arith.constant 125 : i32
    %add3A_89 = arith.constant 8000 : i32
    %add3A_90 = arith.addi %mul3A_0, %add3A_89 : i32
    "tpu.region"() ({
      %run_scoped3A = tpu.sem_alloc : memref<!tpu.dma_semaphore, #tpu.memory_space<semaphore_mem>>
      %dma_start3A = tpu.memref_slice %arg2[%add3A_90] : memref<320000xi32, #tpu.memory_space<hbm>> -> memref<2000xi32, #tpu.memory_space<hbm>>
      %dma_start3A_221 = tpu.memref_slice %arg2[%add3A_90] : memref<320000xi32, #tpu.memory_space<hbm>> -> memref<2000xi32, #tpu.memory_space<hbm>>
      tpu.enqueue_dma source(%dma_start3A_221 : memref<2000xi32, #tpu.memory_space<hbm>>) target(%arg5 : memref<2000xi32, #tpu.memory_space<vmem>>) target_semaphore(%run_scoped3A : memref<!tpu.dma_semaphore, #tpu.memory_space<semaphore_mem>>)
      %dma_wait3A_222 = tpu.memref_slice %arg2[%add3A_90] : memref<320000xi32, #tpu.memory_space<hbm>> -> memref<2000xi32, #tpu.memory_space<hbm>>
      %dma_wait3A_223 = tpu.memref_slice %arg2[%add3A_90] : memref<320000xi32, #tpu.memory_space<hbm>> -> memref<2000xi32, #tpu.memory_space<hbm>>
      tpu.wait_dma2 semaphore(%run_scoped3A : memref<!tpu.dma_semaphore, #tpu.memory_space<semaphore_mem>>) src(%dma_wait3A_223 : memref<2000xi32, #tpu.memory_space<hbm>>) dst(%arg5 : memref<2000xi32, #tpu.memory_space<vmem>>)
      tpu.yield
    }) : () -> ()
    %add3A_91 = arith.constant 160000 : i32
    %add3A_92 = arith.addi %add3A_91, %mul3A_0 : i32
    %add3A_93 = arith.constant 8000 : i32
    %add3A_94 = arith.addi %add3A_92, %add3A_93 : i32
    "tpu.region"() ({
      %run_scoped3A = tpu.sem_alloc : memref<!tpu.dma_semaphore, #tpu.memory_space<semaphore_mem>>
      %dma_start3A = tpu.memref_slice %arg2[%add3A_94] : memref<320000xi32, #tpu.memory_space<hbm>> -> memref<2000xi32, #tpu.memory_space<hbm>>
      %dma_start3A_221 = tpu.memref_slice %arg2[%add3A_94] : memref<320000xi32, #tpu.memory_space<hbm>> -> memref<2000xi32, #tpu.memory_space<hbm>>
      tpu.enqueue_dma source(%dma_start3A_221 : memref<2000xi32, #tpu.memory_space<hbm>>) target(%arg6 : memref<2000xi32, #tpu.memory_space<vmem>>) target_semaphore(%run_scoped3A : memref<!tpu.dma_semaphore, #tpu.memory_space<semaphore_mem>>)
      %dma_wait3A_222 = tpu.memref_slice %arg2[%add3A_94] : memref<320000xi32, #tpu.memory_space<hbm>> -> memref<2000xi32, #tpu.memory_space<hbm>>
      %dma_wait3A_223 = tpu.memref_slice %arg2[%add3A_94] : memref<320000xi32, #tpu.memory_space<hbm>> -> memref<2000xi32, #tpu.memory_space<hbm>>
      tpu.wait_dma2 semaphore(%run_scoped3A : memref<!tpu.dma_semaphore, #tpu.memory_space<semaphore_mem>>) src(%dma_wait3A_223 : memref<2000xi32, #tpu.memory_space<hbm>>) dst(%arg6 : memref<2000xi32, #tpu.memory_space<vmem>>)
      tpu.yield
    }) : () -> ()
    %scan3A_95 = arith.constant 1 : i32
    %scan3A_96 = arith.constant 0 : i32
    %scan3A_97 = arith.constant 0 : i32
    %scan3A_98 = arith.constant 125 : i32
    %scan3A_99 = arith.addi %scan3A_97, %scan3A_98 : i32
    %scan3A_100 = arith.constant 1 : i32
    %scan3A_101:2 = scf.for %scan3A_221 = %scan3A_97 to %scan3A_99 step %scan3A_100 iter_args(%scan3A_222 = %scan3A_87#0, %scan3A_223 = %scan3A_87#1) -> (vector<16xi32>, vector<16xi32>)  : i32 {
      %mul3A_224 = arith.constant 16 : i32
      %mul3A_225 = arith.muli %scan3A_221, %mul3A_224 : i32
      %get3A = arith.index_cast %mul3A_225 : i32 to index
      %get3A_226 = tpu.vector_load %arg5[%get3A] {strides = array<i32>} : memref<2000xi32, #tpu.memory_space<vmem>>, vector<16xi32>,
      %mul3A_227 = arith.constant 16 : i32
      %mul3A_228 = arith.muli %scan3A_221, %mul3A_227 : i32
      %get3A_229 = arith.index_cast %mul3A_228 : i32 to index
      %get3A_230 = tpu.vector_load %arg6[%get3A_229] {strides = array<i32>} : memref<2000xi32, #tpu.memory_space<vmem>>, vector<16xi32>,
      %mul3A_231 = arith.constant 10240 : i32
      %mul3A_232 = vector.broadcast %mul3A_231 : i32 to vector<16xi32>
      %mul3A_233 = arith.muli %get3A_230, %mul3A_232 : vector<16xi32>
      %add3A_234 = arith.addi %mul3A_233, %get3A_226 : vector<16xi32>
      %mul3A_235 = arith.constant 10240 : i32
      %mul3A_236 = vector.broadcast %mul3A_235 : i32 to vector<16xi32>
      %mul3A_237 = arith.muli %get3A_226, %mul3A_236 : vector<16xi32>
      %add3A_238 = arith.addi %mul3A_237, %get3A_230 : vector<16xi32>
      %lt3A = arith.constant 52428800 : i32
      %lt3A_239 = vector.broadcast %lt3A : i32 to vector<16xi32>
      %lt3A_240 = arith.cmpi slt, %add3A_234, %lt3A_239 : vector<16xi32>
      %mul3A_241 = arith.constant 16 : i32
      %mul3A_242 = vector.broadcast %mul3A_241 : i32 to vector<16xi32>
      %mul3A_243 = arith.muli %scan3A_222, %mul3A_242 : vector<16xi32>
      %sub3A_244 = arith.constant 1279 : i32
      %sub3A_245 = vector.broadcast %sub3A_244 : i32 to vector<16xi32>
      %sub3A_246 = arith.subi %sub3A_245, %scan3A_223 : vector<16xi32>
      %mul3A_247 = arith.constant 16 : i32
      %mul3A_248 = vector.broadcast %mul3A_247 : i32 to vector<16xi32>
      %mul3A_249 = arith.muli %sub3A_246, %mul3A_248 : vector<16xi32>
      %select_n3A_250 = arith.select %lt3A_240, %mul3A_243, %mul3A_249 : vector<16xi1>, vector<16xi32>
      %add3A_251 = arith.addi %select_n3A_250, %iota3A : vector<16xi32>
      tpu.vector_store_idx %arg7[%add3A_251], %add3A_234 : memref<20480xi32, #tpu.memory_space<vmem>>[vector<16xi32>], vector<16xi32>,
      %broadcast_in_dim3A_252 = vector.broadcast %scan3A_95 : i32 to vector<16xi32>
      %broadcast_in_dim3A_253 = vector.broadcast %scan3A_96 : i32 to vector<16xi32>
      %select_n3A_254 = arith.select %lt3A_240, %broadcast_in_dim3A_252, %broadcast_in_dim3A_253 : vector<16xi1>, vector<16xi32>
      %add3A_255 = arith.addi %scan3A_222, %select_n3A_254 : vector<16xi32>
      %broadcast_in_dim3A_256 = vector.broadcast %scan3A_96 : i32 to vector<16xi32>
      %broadcast_in_dim3A_257 = vector.broadcast %scan3A_95 : i32 to vector<16xi32>
      %select_n3A_258 = arith.select %lt3A_240, %broadcast_in_dim3A_256, %broadcast_in_dim3A_257 : vector<16xi1>, vector<16xi32>
      %add3A_259 = arith.addi %scan3A_223, %select_n3A_258 : vector<16xi32>
      %lt3A_260 = arith.constant 52428800 : i32
      %lt3A_261 = vector.broadcast %lt3A_260 : i32 to vector<16xi32>
      %lt3A_262 = arith.cmpi slt, %add3A_238, %lt3A_261 : vector<16xi32>
      %mul3A_263 = arith.constant 16 : i32
      %mul3A_264 = vector.broadcast %mul3A_263 : i32 to vector<16xi32>
      %mul3A_265 = arith.muli %add3A_255, %mul3A_264 : vector<16xi32>
      %sub3A_266 = arith.constant 1279 : i32
      %sub3A_267 = vector.broadcast %sub3A_266 : i32 to vector<16xi32>
      %sub3A_268 = arith.subi %sub3A_267, %add3A_259 : vector<16xi32>
      %mul3A_269 = arith.constant 16 : i32
      %mul3A_270 = vector.broadcast %mul3A_269 : i32 to vector<16xi32>
      %mul3A_271 = arith.muli %sub3A_268, %mul3A_270 : vector<16xi32>
      %select_n3A_272 = arith.select %lt3A_262, %mul3A_265, %mul3A_271 : vector<16xi1>, vector<16xi32>
      %add3A_273 = arith.addi %select_n3A_272, %iota3A : vector<16xi32>
      tpu.vector_store_idx %arg7[%add3A_273], %add3A_238 : memref<20480xi32, #tpu.memory_space<vmem>>[vector<16xi32>], vector<16xi32>,
      %broadcast_in_dim3A_274 = vector.broadcast %scan3A_95 : i32 to vector<16xi32>
      %broadcast_in_dim3A_275 = vector.broadcast %scan3A_96 : i32 to vector<16xi32>
      %select_n3A_276 = arith.select %lt3A_262, %broadcast_in_dim3A_274, %broadcast_in_dim3A_275 : vector<16xi1>, vector<16xi32>
      %add3A_277 = arith.addi %add3A_255, %select_n3A_276 : vector<16xi32>
      %broadcast_in_dim3A_278 = vector.broadcast %scan3A_96 : i32 to vector<16xi32>
      %broadcast_in_dim3A_279 = vector.broadcast %scan3A_95 : i32 to vector<16xi32>
      %select_n3A_280 = arith.select %lt3A_262, %broadcast_in_dim3A_278, %broadcast_in_dim3A_279 : vector<16xi1>, vector<16xi32>
      %add3A_281 = arith.addi %add3A_259, %select_n3A_280 : vector<16xi32>
      scf.yield %add3A_277, %add3A_281 : vector<16xi32>, vector<16xi32>
    }
    %scan3A_102 = arith.constant 125 : i32
    %eq3A = arith.constant 0 : i32
    %eq3A_103 = arith.cmpi eq, %arg0, %eq3A : i32
    %slice3A = vector.extract_strided_slice %scan3A_101#1 {offsets = [0], sizes = [1], strides = [1]} : vector<16xi32> to vector<1xi32>
    %squeeze3A = vector.extract %slice3A[0] : i32 from vector<1xi32>
    %slice3A_104 = vector.extract_strided_slice %scan3A_101#1 {offsets = [1], sizes = [1], strides = [1]} : vector<16xi32> to vector<1xi32>
    %squeeze3A_105 = vector.extract %slice3A_104[0] : i32 from vector<1xi32>
    %max3A = arith.maxsi %squeeze3A, %squeeze3A_105 : i32
    %slice3A_106 = vector.extract_strided_slice %scan3A_101#1 {offsets = [2], sizes = [1], strides = [1]} : vector<16xi32> to vector<1xi32>
    %squeeze3A_107 = vector.extract %slice3A_106[0] : i32 from vector<1xi32>
    %max3A_108 = arith.maxsi %max3A, %squeeze3A_107 : i32
    %slice3A_109 = vector.extract_strided_slice %scan3A_101#1 {offsets = [3], sizes = [1], strides = [1]} : vector<16xi32> to vector<1xi32>
    %squeeze3A_110 = vector.extract %slice3A_109[0] : i32 from vector<1xi32>
    %max3A_111 = arith.maxsi %max3A_108, %squeeze3A_110 : i32
    %slice3A_112 = vector.extract_strided_slice %scan3A_101#1 {offsets = [4], sizes = [1], strides = [1]} : vector<16xi32> to vector<1xi32>
    %squeeze3A_113 = vector.extract %slice3A_112[0] : i32 from vector<1xi32>
    %max3A_114 = arith.maxsi %max3A_111, %squeeze3A_113 : i32
    %slice3A_115 = vector.extract_strided_slice %scan3A_101#1 {offsets = [5], sizes = [1], strides = [1]} : vector<16xi32> to vector<1xi32>
    %squeeze3A_116 = vector.extract %slice3A_115[0] : i32 from vector<1xi32>
    %max3A_117 = arith.maxsi %max3A_114, %squeeze3A_116 : i32
    %slice3A_118 = vector.extract_strided_slice %scan3A_101#1 {offsets = [6], sizes = [1], strides = [1]} : vector<16xi32> to vector<1xi32>
    %squeeze3A_119 = vector.extract %slice3A_118[0] : i32 from vector<1xi32>
    %max3A_120 = arith.maxsi %max3A_117, %squeeze3A_119 : i32
    %slice3A_121 = vector.extract_strided_slice %scan3A_101#1 {offsets = [7], sizes = [1], strides = [1]} : vector<16xi32> to vector<1xi32>
    %squeeze3A_122 = vector.extract %slice3A_121[0] : i32 from vector<1xi32>
    %max3A_123 = arith.maxsi %max3A_120, %squeeze3A_122 : i32
    %slice3A_124 = vector.extract_strided_slice %scan3A_101#1 {offsets = [8], sizes = [1], strides = [1]} : vector<16xi32> to vector<1xi32>
    %squeeze3A_125 = vector.extract %slice3A_124[0] : i32 from vector<1xi32>
    %max3A_126 = arith.maxsi %max3A_123, %squeeze3A_125 : i32
    %slice3A_127 = vector.extract_strided_slice %scan3A_101#1 {offsets = [9], sizes = [1], strides = [1]} : vector<16xi32> to vector<1xi32>
    %squeeze3A_128 = vector.extract %slice3A_127[0] : i32 from vector<1xi32>
    %max3A_129 = arith.maxsi %max3A_126, %squeeze3A_128 : i32
    %slice3A_130 = vector.extract_strided_slice %scan3A_101#1 {offsets = [10], sizes = [1], strides = [1]} : vector<16xi32> to vector<1xi32>
    %squeeze3A_131 = vector.extract %slice3A_130[0] : i32 from vector<1xi32>
    %max3A_132 = arith.maxsi %max3A_129, %squeeze3A_131 : i32
    %slice3A_133 = vector.extract_strided_slice %scan3A_101#1 {offsets = [11], sizes = [1], strides = [1]} : vector<16xi32> to vector<1xi32>
    %squeeze3A_134 = vector.extract %slice3A_133[0] : i32 from vector<1xi32>
    %max3A_135 = arith.maxsi %max3A_132, %squeeze3A_134 : i32
    %slice3A_136 = vector.extract_strided_slice %scan3A_101#1 {offsets = [12], sizes = [1], strides = [1]} : vector<16xi32> to vector<1xi32>
    %squeeze3A_137 = vector.extract %slice3A_136[0] : i32 from vector<1xi32>
    %max3A_138 = arith.maxsi %max3A_135, %squeeze3A_137 : i32
    %slice3A_139 = vector.extract_strided_slice %scan3A_101#1 {offsets = [13], sizes = [1], strides = [1]} : vector<16xi32> to vector<1xi32>
    %squeeze3A_140 = vector.extract %slice3A_139[0] : i32 from vector<1xi32>
    %max3A_141 = arith.maxsi %max3A_138, %squeeze3A_140 : i32
    %slice3A_142 = vector.extract_strided_slice %scan3A_101#1 {offsets = [14], sizes = [1], strides = [1]} : vector<16xi32> to vector<1xi32>
    %squeeze3A_143 = vector.extract %slice3A_142[0] : i32 from vector<1xi32>
    %max3A_144 = arith.maxsi %max3A_141, %squeeze3A_143 : i32
    %slice3A_145 = vector.extract_strided_slice %scan3A_101#1 {offsets = [15], sizes = [1], strides = [1]} : vector<16xi32> to vector<1xi32>
    %squeeze3A_146 = vector.extract %slice3A_145[0] : i32 from vector<1xi32>
    %max3A_147 = arith.maxsi %max3A_144, %squeeze3A_146 : i32
    %sub3A = arith.constant 1280 : i32
    %sub3A_148 = arith.subi %sub3A, %max3A_147 : i32
    %jit3A = arith.constant 0 : i32
    %select_n3A = arith.select %eq3A_103, %jit3A, %sub3A_148 : i32
    %eq3A_149 = arith.constant 0 : i32
    %eq3A_150 = arith.cmpi eq, %arg0, %eq3A_149 : i32
    %slice3A_151 = vector.extract_strided_slice %scan3A_101#0 {offsets = [0], sizes = [1], strides = [1]} : vector<16xi32> to vector<1xi32>
    %squeeze3A_152 = vector.extract %slice3A_151[0] : i32 from vector<1xi32>
    %slice3A_153 = vector.extract_strided_slice %scan3A_101#0 {offsets = [1], sizes = [1], strides = [1]} : vector<16xi32> to vector<1xi32>
    %squeeze3A_154 = vector.extract %slice3A_153[0] : i32 from vector<1xi32>
    %max3A_155 = arith.maxsi %squeeze3A_152, %squeeze3A_154 : i32
    %slice3A_156 = vector.extract_strided_slice %scan3A_101#0 {offsets = [2], sizes = [1], strides = [1]} : vector<16xi32> to vector<1xi32>
    %squeeze3A_157 = vector.extract %slice3A_156[0] : i32 from vector<1xi32>
    %max3A_158 = arith.maxsi %max3A_155, %squeeze3A_157 : i32
    %slice3A_159 = vector.extract_strided_slice %scan3A_101#0 {offsets = [3], sizes = [1], strides = [1]} : vector<16xi32> to vector<1xi32>
    %squeeze3A_160 = vector.extract %slice3A_159[0] : i32 from vector<1xi32>
    %max3A_161 = arith.maxsi %max3A_158, %squeeze3A_160 : i32
    %slice3A_162 = vector.extract_strided_slice %scan3A_101#0 {offsets = [4], sizes = [1], strides = [1]} : vector<16xi32> to vector<1xi32>
    %squeeze3A_163 = vector.extract %slice3A_162[0] : i32 from vector<1xi32>
    %max3A_164 = arith.maxsi %max3A_161, %squeeze3A_163 : i32
    %slice3A_165 = vector.extract_strided_slice %scan3A_101#0 {offsets = [5], sizes = [1], strides = [1]} : vector<16xi32> to vector<1xi32>
    %squeeze3A_166 = vector.extract %slice3A_165[0] : i32 from vector<1xi32>
    %max3A_167 = arith.maxsi %max3A_164, %squeeze3A_166 : i32
    %slice3A_168 = vector.extract_strided_slice %scan3A_101#0 {offsets = [6], sizes = [1], strides = [1]} : vector<16xi32> to vector<1xi32>
    %squeeze3A_169 = vector.extract %slice3A_168[0] : i32 from vector<1xi32>
    %max3A_170 = arith.maxsi %max3A_167, %squeeze3A_169 : i32
    %slice3A_171 = vector.extract_strided_slice %scan3A_101#0 {offsets = [7], sizes = [1], strides = [1]} : vector<16xi32> to vector<1xi32>
    %squeeze3A_172 = vector.extract %slice3A_171[0] : i32 from vector<1xi32>
    %max3A_173 = arith.maxsi %max3A_170, %squeeze3A_172 : i32
    %slice3A_174 = vector.extract_strided_slice %scan3A_101#0 {offsets = [8], sizes = [1], strides = [1]} : vector<16xi32> to vector<1xi32>
    %squeeze3A_175 = vector.extract %slice3A_174[0] : i32 from vector<1xi32>
    %max3A_176 = arith.maxsi %max3A_173, %squeeze3A_175 : i32
    %slice3A_177 = vector.extract_strided_slice %scan3A_101#0 {offsets = [9], sizes = [1], strides = [1]} : vector<16xi32> to vector<1xi32>
    %squeeze3A_178 = vector.extract %slice3A_177[0] : i32 from vector<1xi32>
    %max3A_179 = arith.maxsi %max3A_176, %squeeze3A_178 : i32
    %slice3A_180 = vector.extract_strided_slice %scan3A_101#0 {offsets = [10], sizes = [1], strides = [1]} : vector<16xi32> to vector<1xi32>
    %squeeze3A_181 = vector.extract %slice3A_180[0] : i32 from vector<1xi32>
    %max3A_182 = arith.maxsi %max3A_179, %squeeze3A_181 : i32
    %slice3A_183 = vector.extract_strided_slice %scan3A_101#0 {offsets = [11], sizes = [1], strides = [1]} : vector<16xi32> to vector<1xi32>
    %squeeze3A_184 = vector.extract %slice3A_183[0] : i32 from vector<1xi32>
    %max3A_185 = arith.maxsi %max3A_182, %squeeze3A_184 : i32
    %slice3A_186 = vector.extract_strided_slice %scan3A_101#0 {offsets = [12], sizes = [1], strides = [1]} : vector<16xi32> to vector<1xi32>
    %squeeze3A_187 = vector.extract %slice3A_186[0] : i32 from vector<1xi32>
    %max3A_188 = arith.maxsi %max3A_185, %squeeze3A_187 : i32
    %slice3A_189 = vector.extract_strided_slice %scan3A_101#0 {offsets = [13], sizes = [1], strides = [1]} : vector<16xi32> to vector<1xi32>
    %squeeze3A_190 = vector.extract %slice3A_189[0] : i32 from vector<1xi32>
    %max3A_191 = arith.maxsi %max3A_188, %squeeze3A_190 : i32
    %slice3A_192 = vector.extract_strided_slice %scan3A_101#0 {offsets = [14], sizes = [1], strides = [1]} : vector<16xi32> to vector<1xi32>
    %squeeze3A_193 = vector.extract %slice3A_192[0] : i32 from vector<1xi32>
    %max3A_194 = arith.maxsi %max3A_191, %squeeze3A_193 : i32
    %slice3A_195 = vector.extract_strided_slice %scan3A_101#0 {offsets = [15], sizes = [1], strides = [1]} : vector<16xi32> to vector<1xi32>
    %squeeze3A_196 = vector.extract %slice3A_195[0] : i32 from vector<1xi32>
    %max3A_197 = arith.maxsi %max3A_194, %squeeze3A_196 : i32
    %jit3A_198 = arith.constant 1280 : i32
    %select_n3A_199 = arith.select %eq3A_150, %max3A_197, %jit3A_198 : i32
    %broadcast_in_dim3A_200 = arith.constant 1310720 : i32
    %broadcast_in_dim3A_201 = vector.broadcast %broadcast_in_dim3A_200 : i32 to vector<16xi32>
    %scan3A_202 = arith.constant 0 : i32
    %scan3A_203 = arith.constant 0 : i32
    %scan3A_204 = arith.constant 160 : i32
    %scan3A_205 = arith.addi %scan3A_203, %scan3A_204 : i32
    %scan3A_206 = arith.constant 1 : i32
    scf.for %scan3A_221 = %scan3A_203 to %scan3A_205 step %scan3A_206  : i32 {
      %swap3A_222 = arith.index_cast %scan3A_221 : i32 to index
      %swap3A_223 = arith.constant 0 : index
      %swap3A_224 = tpu.vector_load %arg8[%swap3A_222, %swap3A_223] {strides = array<i32>} : memref<161x128xi32, #tpu.memory_space<vmem>>, vector<16xi32>,
      tpu.vector_store %arg8[%swap3A_222, %swap3A_223], %broadcast_in_dim3A_201 {strides = array<i32>} : memref<161x128xi32, #tpu.memory_space<vmem>>, vector<16xi32>,
      %swap3A_225 = arith.index_cast %scan3A_221 : i32 to index
      %swap3A_226 = arith.constant 16 : index
      %swap3A_227 = tpu.vector_load %arg8[%swap3A_225, %swap3A_226] {strides = array<i32>} : memref<161x128xi32, #tpu.memory_space<vmem>>, vector<16xi32>,
      tpu.vector_store %arg8[%swap3A_225, %swap3A_226], %broadcast_in_dim3A_201 {strides = array<i32>} : memref<161x128xi32, #tpu.memory_space<vmem>>, vector<16xi32>,
      %swap3A_228 = arith.index_cast %scan3A_221 : i32 to index
      %swap3A_229 = arith.constant 32 : index
      %swap3A_230 = tpu.vector_load %arg8[%swap3A_228, %swap3A_229] {strides = array<i32>} : memref<161x128xi32, #tpu.memory_space<vmem>>, vector<16xi32>,
      tpu.vector_store %arg8[%swap3A_228, %swap3A_229], %broadcast_in_dim3A_201 {strides = array<i32>} : memref<161x128xi32, #tpu.memory_space<vmem>>, vector<16xi32>,
      %swap3A_231 = arith.index_cast %scan3A_221 : i32 to index
      %swap3A_232 = arith.constant 48 : index
      %swap3A_233 = tpu.vector_load %arg8[%swap3A_231, %swap3A_232] {strides = array<i32>} : memref<161x128xi32, #tpu.memory_space<vmem>>, vector<16xi32>,
      tpu.vector_store %arg8[%swap3A_231, %swap3A_232], %broadcast_in_dim3A_201 {strides = array<i32>} : memref<161x128xi32, #tpu.memory_space<vmem>>, vector<16xi32>,
      %swap3A_234 = arith.index_cast %scan3A_221 : i32 to index
      %swap3A_235 = arith.constant 64 : index
      %swap3A_236 = tpu.vector_load %arg8[%swap3A_234, %swap3A_235] {strides = array<i32>} : memref<161x128xi32, #tpu.memory_space<vmem>>, vector<16xi32>,
      tpu.vector_store %arg8[%swap3A_234, %swap3A_235], %broadcast_in_dim3A_201 {strides = array<i32>} : memref<161x128xi32, #tpu.memory_space<vmem>>, vector<16xi32>,
      %swap3A_237 = arith.index_cast %scan3A_221 : i32 to index
      %swap3A_238 = arith.constant 80 : index
      %swap3A_239 = tpu.vector_load %arg8[%swap3A_237, %swap3A_238] {strides = array<i32>} : memref<161x128xi32, #tpu.memory_space<vmem>>, vector<16xi32>,
      tpu.vector_store %arg8[%swap3A_237, %swap3A_238], %broadcast_in_dim3A_201 {strides = array<i32>} : memref<161x128xi32, #tpu.memory_space<vmem>>, vector<16xi32>,
      %swap3A_240 = arith.index_cast %scan3A_221 : i32 to index
      %swap3A_241 = arith.constant 96 : index
      %swap3A_242 = tpu.vector_load %arg8[%swap3A_240, %swap3A_241] {strides = array<i32>} : memref<161x128xi32, #tpu.memory_space<vmem>>, vector<16xi32>,
      tpu.vector_store %arg8[%swap3A_240, %swap3A_241], %broadcast_in_dim3A_201 {strides = array<i32>} : memref<161x128xi32, #tpu.memory_space<vmem>>, vector<16xi32>,
      %swap3A_243 = arith.index_cast %scan3A_221 : i32 to index
      %swap3A_244 = arith.constant 112 : index
      %swap3A_245 = tpu.vector_load %arg8[%swap3A_243, %swap3A_244] {strides = array<i32>} : memref<161x128xi32, #tpu.memory_space<vmem>>, vector<16xi32>,
      tpu.vector_store %arg8[%swap3A_243, %swap3A_244], %broadcast_in_dim3A_201 {strides = array<i32>} : memref<161x128xi32, #tpu.memory_space<vmem>>, vector<16xi32>,
    }
    %scan3A_207 = arith.constant 160 : i32
    %mul3A_208 = arith.constant 81920 : i32
    %mul3A_209 = arith.muli %arg1, %mul3A_208 : i32
    %scan3A_210 = arith.constant 0 : i32
    %scan3A_211 = arith.constant 160 : i32
    %scan3A_212 = arith.constant 1 : i32
    %scan3A_213 = arith.constant 0 : i32
    %scan3A_214 = arith.constant 0 : i32
    %scan3A_215 = arith.constant 40 : i32
    %scan3A_216 = arith.addi %scan3A_214, %scan3A_215 : i32
    %scan3A_217 = arith.constant 1 : i32
    scf.for %scan3A_221 = %scan3A_214 to %scan3A_216 step %scan3A_217  : i32 {
      %mul3A_222 = arith.constant 5120 : i32
      %mul3A_223 = arith.muli %arg0, %mul3A_222 : i32
      %mul3A_224 = arith.constant 128 : i32
      %mul3A_225 = arith.muli %scan3A_221, %mul3A_224 : i32
      %add3A_226 = arith.addi %mul3A_223, %mul3A_225 : i32
      %mul3A_227 = arith.constant 10240 : i32
      %mul3A_228 = arith.muli %add3A_226, %mul3A_227 : i32
      %add3A_229 = arith.constant 1310720 : i32
      %add3A_230 = arith.addi %mul3A_228, %add3A_229 : i32
      %gt3A = arith.constant 0 : i32
      %gt3A_231 = arith.cmpi sgt, %scan3A_221, %gt3A : i32
      %convert_element_type3A = arith.extui %gt3A_231 : i1 to i32
      %cond3A = arith.constant 0 : i32
      %cond3A_232 = arith.cmpi ne, %convert_element_type3A, %cond3A : i32
      scf.if %cond3A_232 {
        %dma_wait3A_639 = tpu.memref_slice %arg11[%mul3A_209] : memref<1310736xf32, #tpu.memory_space<vmem_shared>> -> memref<81920xf32, #tpu.memory_space<vmem_shared>>
        %dma_wait3A_640 = arith.constant 0 : i32
        %dma_wait3A_641 = tpu.memref_slice %arg3[%dma_wait3A_640] : memref<104857600xf32, #tpu.memory_space<hbm>> -> memref<81920xf32, #tpu.memory_space<hbm>>
        tpu.wait_dma2 semaphore(%arg13 : memref<!tpu.dma_semaphore, #tpu.memory_space<semaphore_mem>>) src(%dma_wait3A_641 : memref<81920xf32, #tpu.memory_space<hbm>>) dst(%dma_wait3A_639 : memref<81920xf32, #tpu.memory_space<vmem_shared>>)
      } else {
      }
      %mul3A_233 = arith.constant 81920 : i32
      %mul3A_234 = arith.muli %arg1, %mul3A_233 : i32
      %add3A_235 = arith.constant 0 : i32
      %add3A_236 = arith.addi %mul3A_234, %add3A_235 : i32
      %dma_start3A = tpu.memref_slice %arg11[%add3A_236] : memref<1310736xf32, #tpu.memory_space<vmem_shared>> -> memref<2048xf32, #tpu.memory_space<vmem_shared>>
      %dma_start3A_237 = tpu.memref_slice %arg11[%add3A_236] : memref<1310736xf32, #tpu.memory_space<vmem_shared>> -> memref<2048xf32, #tpu.memory_space<vmem_shared>>
      tpu.enqueue_dma source(%arg9 : memref<2048xf32, #tpu.memory_space<vmem>>) target(%dma_start3A_237 : memref<2048xf32, #tpu.memory_space<vmem_shared>>) target_semaphore(%arg12 : memref<!tpu.dma_semaphore, #tpu.memory_space<semaphore_mem>>)
      %mul3A_238 = arith.constant 81920 : i32
      %mul3A_239 = arith.muli %arg1, %mul3A_238 : i32
      %add3A_240 = arith.constant 2048 : i32
      %add3A_241 = arith.addi %mul3A_239, %add3A_240 : i32
      %dma_start3A_242 = tpu.memref_slice %arg11[%add3A_241] : memref<1310736xf32, #tpu.memory_space<vmem_shared>> -> memref<2048xf32, #tpu.memory_space<vmem_shared>>
      %dma_start3A_243 = tpu.memref_slice %arg11[%add3A_241] : memref<1310736xf32, #tpu.memory_space<vmem_shared>> -> memref<2048xf32, #tpu.memory_space<vmem_shared>>
      tpu.enqueue_dma source(%arg9 : memref<2048xf32, #tpu.memory_space<vmem>>) target(%dma_start3A_243 : memref<2048xf32, #tpu.memory_space<vmem_shared>>) target_semaphore(%arg12 : memref<!tpu.dma_semaphore, #tpu.memory_space<semaphore_mem>>)
      %mul3A_244 = arith.constant 81920 : i32
      %mul3A_245 = arith.muli %arg1, %mul3A_244 : i32
      %add3A_246 = arith.constant 4096 : i32
      %add3A_247 = arith.addi %mul3A_245, %add3A_246 : i32
      %dma_start3A_248 = tpu.memref_slice %arg11[%add3A_247] : memref<1310736xf32, #tpu.memory_space<vmem_shared>> -> memref<2048xf32, #tpu.memory_space<vmem_shared>>
      %dma_start3A_249 = tpu.memref_slice %arg11[%add3A_247] : memref<1310736xf32, #tpu.memory_space<vmem_shared>> -> memref<2048xf32, #tpu.memory_space<vmem_shared>>
      tpu.enqueue_dma source(%arg9 : memref<2048xf32, #tpu.memory_space<vmem>>) target(%dma_start3A_249 : memref<2048xf32, #tpu.memory_space<vmem_shared>>) target_semaphore(%arg12 : memref<!tpu.dma_semaphore, #tpu.memory_space<semaphore_mem>>)
      %mul3A_250 = arith.constant 81920 : i32
      %mul3A_251 = arith.muli %arg1, %mul3A_250 : i32
      %add3A_252 = arith.constant 6144 : i32
      %add3A_253 = arith.addi %mul3A_251, %add3A_252 : i32
      %dma_start3A_254 = tpu.memref_slice %arg11[%add3A_253] : memref<1310736xf32, #tpu.memory_space<vmem_shared>> -> memref<2048xf32, #tpu.memory_space<vmem_shared>>
      %dma_start3A_255 = tpu.memref_slice %arg11[%add3A_253] : memref<1310736xf32, #tpu.memory_space<vmem_shared>> -> memref<2048xf32, #tpu.memory_space<vmem_shared>>
      tpu.enqueue_dma source(%arg9 : memref<2048xf32, #tpu.memory_space<vmem>>) target(%dma_start3A_255 : memref<2048xf32, #tpu.memory_space<vmem_shared>>) target_semaphore(%arg12 : memref<!tpu.dma_semaphore, #tpu.memory_space<semaphore_mem>>)
      %mul3A_256 = arith.constant 81920 : i32
      %mul3A_257 = arith.muli %arg1, %mul3A_256 : i32
      %add3A_258 = arith.constant 8192 : i32
      %add3A_259 = arith.addi %mul3A_257, %add3A_258 : i32
      %dma_start3A_260 = tpu.memref_slice %arg11[%add3A_259] : memref<1310736xf32, #tpu.memory_space<vmem_shared>> -> memref<2048xf32, #tpu.memory_space<vmem_shared>>
      %dma_start3A_261 = tpu.memref_slice %arg11[%add3A_259] : memref<1310736xf32, #tpu.memory_space<vmem_shared>> -> memref<2048xf32, #tpu.memory_space<vmem_shared>>
      tpu.enqueue_dma source(%arg9 : memref<2048xf32, #tpu.memory_space<vmem>>) target(%dma_start3A_261 : memref<2048xf32, #tpu.memory_space<vmem_shared>>) target_semaphore(%arg12 : memref<!tpu.dma_semaphore, #tpu.memory_space<semaphore_mem>>)
      %mul3A_262 = arith.constant 81920 : i32
      %mul3A_263 = arith.muli %arg1, %mul3A_262 : i32
      %add3A_264 = arith.constant 10240 : i32
      %add3A_265 = arith.addi %mul3A_263, %add3A_264 : i32
      %dma_start3A_266 = tpu.memref_slice %arg11[%add3A_265] : memref<1310736xf32, #tpu.memory_space<vmem_shared>> -> memref<2048xf32, #tpu.memory_space<vmem_shared>>
      %dma_start3A_267 = tpu.memref_slice %arg11[%add3A_265] : memref<1310736xf32, #tpu.memory_space<vmem_shared>> -> memref<2048xf32, #tpu.memory_space<vmem_shared>>
      tpu.enqueue_dma source(%arg9 : memref<2048xf32, #tpu.memory_space<vmem>>) target(%dma_start3A_267 : memref<2048xf32, #tpu.memory_space<vmem_shared>>) target_semaphore(%arg12 : memref<!tpu.dma_semaphore, #tpu.memory_space<semaphore_mem>>)
      %mul3A_268 = arith.constant 81920 : i32
      %mul3A_269 = arith.muli %arg1, %mul3A_268 : i32
      %add3A_270 = arith.constant 12288 : i32
      %add3A_271 = arith.addi %mul3A_269, %add3A_270 : i32
      %dma_start3A_272 = tpu.memref_slice %arg11[%add3A_271] : memref<1310736xf32, #tpu.memory_space<vmem_shared>> -> memref<2048xf32, #tpu.memory_space<vmem_shared>>
      %dma_start3A_273 = tpu.memref_slice %arg11[%add3A_271] : memref<1310736xf32, #tpu.memory_space<vmem_shared>> -> memref<2048xf32, #tpu.memory_space<vmem_shared>>
      tpu.enqueue_dma source(%arg9 : memref<2048xf32, #tpu.memory_space<vmem>>) target(%dma_start3A_273 : memref<2048xf32, #tpu.memory_space<vmem_shared>>) target_semaphore(%arg12 : memref<!tpu.dma_semaphore, #tpu.memory_space<semaphore_mem>>)
      %mul3A_274 = arith.constant 81920 : i32
      %mul3A_275 = arith.muli %arg1, %mul3A_274 : i32
      %add3A_276 = arith.constant 14336 : i32
      %add3A_277 = arith.addi %mul3A_275, %add3A_276 : i32
      %dma_start3A_278 = tpu.memref_slice %arg11[%add3A_277] : memref<1310736xf32, #tpu.memory_space<vmem_shared>> -> memref<2048xf32, #tpu.memory_space<vmem_shared>>
      %dma_start3A_279 = tpu.memref_slice %arg11[%add3A_277] : memref<1310736xf32, #tpu.memory_space<vmem_shared>> -> memref<2048xf32, #tpu.memory_space<vmem_shared>>
      tpu.enqueue_dma source(%arg9 : memref<2048xf32, #tpu.memory_space<vmem>>) target(%dma_start3A_279 : memref<2048xf32, #tpu.memory_space<vmem_shared>>) target_semaphore(%arg12 : memref<!tpu.dma_semaphore, #tpu.memory_space<semaphore_mem>>)
      %mul3A_280 = arith.constant 81920 : i32
      %mul3A_281 = arith.muli %arg1, %mul3A_280 : i32
      %add3A_282 = arith.constant 16384 : i32
      %add3A_283 = arith.addi %mul3A_281, %add3A_282 : i32
      %dma_start3A_284 = tpu.memref_slice %arg11[%add3A_283] : memref<1310736xf32, #tpu.memory_space<vmem_shared>> -> memref<2048xf32, #tpu.memory_space<vmem_shared>>
      %dma_start3A_285 = tpu.memref_slice %arg11[%add3A_283] : memref<1310736xf32, #tpu.memory_space<vmem_shared>> -> memref<2048xf32, #tpu.memory_space<vmem_shared>>
      tpu.enqueue_dma source(%arg9 : memref<2048xf32, #tpu.memory_space<vmem>>) target(%dma_start3A_285 : memref<2048xf32, #tpu.memory_space<vmem_shared>>) target_semaphore(%arg12 : memref<!tpu.dma_semaphore, #tpu.memory_space<semaphore_mem>>)
      %mul3A_286 = arith.constant 81920 : i32
      %mul3A_287 = arith.muli %arg1, %mul3A_286 : i32
      %add3A_288 = arith.constant 18432 : i32
      %add3A_289 = arith.addi %mul3A_287, %add3A_288 : i32
      %dma_start3A_290 = tpu.memref_slice %arg11[%add3A_289] : memref<1310736xf32, #tpu.memory_space<vmem_shared>> -> memref<2048xf32, #tpu.memory_space<vmem_shared>>
      %dma_start3A_291 = tpu.memref_slice %arg11[%add3A_289] : memref<1310736xf32, #tpu.memory_space<vmem_shared>> -> memref<2048xf32, #tpu.memory_space<vmem_shared>>
      tpu.enqueue_dma source(%arg9 : memref<2048xf32, #tpu.memory_space<vmem>>) target(%dma_start3A_291 : memref<2048xf32, #tpu.memory_space<vmem_shared>>) target_semaphore(%arg12 : memref<!tpu.dma_semaphore, #tpu.memory_space<semaphore_mem>>)
      %mul3A_292 = arith.constant 81920 : i32
      %mul3A_293 = arith.muli %arg1, %mul3A_292 : i32
      %add3A_294 = arith.constant 20480 : i32
      %add3A_295 = arith.addi %mul3A_293, %add3A_294 : i32
      %dma_start3A_296 = tpu.memref_slice %arg11[%add3A_295] : memref<1310736xf32, #tpu.memory_space<vmem_shared>> -> memref<2048xf32, #tpu.memory_space<vmem_shared>>
      %dma_start3A_297 = tpu.memref_slice %arg11[%add3A_295] : memref<1310736xf32, #tpu.memory_space<vmem_shared>> -> memref<2048xf32, #tpu.memory_space<vmem_shared>>
      tpu.enqueue_dma source(%arg9 : memref<2048xf32, #tpu.memory_space<vmem>>) target(%dma_start3A_297 : memref<2048xf32, #tpu.memory_space<vmem_shared>>) target_semaphore(%arg12 : memref<!tpu.dma_semaphore, #tpu.memory_space<semaphore_mem>>)
      %mul3A_298 = arith.constant 81920 : i32
      %mul3A_299 = arith.muli %arg1, %mul3A_298 : i32
      %add3A_300 = arith.constant 22528 : i32
      %add3A_301 = arith.addi %mul3A_299, %add3A_300 : i32
      %dma_start3A_302 = tpu.memref_slice %arg11[%add3A_301] : memref<1310736xf32, #tpu.memory_space<vmem_shared>> -> memref<2048xf32, #tpu.memory_space<vmem_shared>>
      %dma_start3A_303 = tpu.memref_slice %arg11[%add3A_301] : memref<1310736xf32, #tpu.memory_space<vmem_shared>> -> memref<2048xf32, #tpu.memory_space<vmem_shared>>
      tpu.enqueue_dma source(%arg9 : memref<2048xf32, #tpu.memory_space<vmem>>) target(%dma_start3A_303 : memref<2048xf32, #tpu.memory_space<vmem_shared>>) target_semaphore(%arg12 : memref<!tpu.dma_semaphore, #tpu.memory_space<semaphore_mem>>)
      %mul3A_304 = arith.constant 81920 : i32
      %mul3A_305 = arith.muli %arg1, %mul3A_304 : i32
      %add3A_306 = arith.constant 24576 : i32
      %add3A_307 = arith.addi %mul3A_305, %add3A_306 : i32
      %dma_start3A_308 = tpu.memref_slice %arg11[%add3A_307] : memref<1310736xf32, #tpu.memory_space<vmem_shared>> -> memref<2048xf32, #tpu.memory_space<vmem_shared>>
      %dma_start3A_309 = tpu.memref_slice %arg11[%add3A_307] : memref<1310736xf32, #tpu.memory_space<vmem_shared>> -> memref<2048xf32, #tpu.memory_space<vmem_shared>>
      tpu.enqueue_dma source(%arg9 : memref<2048xf32, #tpu.memory_space<vmem>>) target(%dma_start3A_309 : memref<2048xf32, #tpu.memory_space<vmem_shared>>) target_semaphore(%arg12 : memref<!tpu.dma_semaphore, #tpu.memory_space<semaphore_mem>>)
      %mul3A_310 = arith.constant 81920 : i32
      %mul3A_311 = arith.muli %arg1, %mul3A_310 : i32
      %add3A_312 = arith.constant 26624 : i32
      %add3A_313 = arith.addi %mul3A_311, %add3A_312 : i32
      %dma_start3A_314 = tpu.memref_slice %arg11[%add3A_313] : memref<1310736xf32, #tpu.memory_space<vmem_shared>> -> memref<2048xf32, #tpu.memory_space<vmem_shared>>
      %dma_start3A_315 = tpu.memref_slice %arg11[%add3A_313] : memref<1310736xf32, #tpu.memory_space<vmem_shared>> -> memref<2048xf32, #tpu.memory_space<vmem_shared>>
      tpu.enqueue_dma source(%arg9 : memref<2048xf32, #tpu.memory_space<vmem>>) target(%dma_start3A_315 : memref<2048xf32, #tpu.memory_space<vmem_shared>>) target_semaphore(%arg12 : memref<!tpu.dma_semaphore, #tpu.memory_space<semaphore_mem>>)
      %mul3A_316 = arith.constant 81920 : i32
      %mul3A_317 = arith.muli %arg1, %mul3A_316 : i32
      %add3A_318 = arith.constant 28672 : i32
      %add3A_319 = arith.addi %mul3A_317, %add3A_318 : i32
      %dma_start3A_320 = tpu.memref_slice %arg11[%add3A_319] : memref<1310736xf32, #tpu.memory_space<vmem_shared>> -> memref<2048xf32, #tpu.memory_space<vmem_shared>>
      %dma_start3A_321 = tpu.memref_slice %arg11[%add3A_319] : memref<1310736xf32, #tpu.memory_space<vmem_shared>> -> memref<2048xf32, #tpu.memory_space<vmem_shared>>
      tpu.enqueue_dma source(%arg9 : memref<2048xf32, #tpu.memory_space<vmem>>) target(%dma_start3A_321 : memref<2048xf32, #tpu.memory_space<vmem_shared>>) target_semaphore(%arg12 : memref<!tpu.dma_semaphore, #tpu.memory_space<semaphore_mem>>)
      %mul3A_322 = arith.constant 81920 : i32
      %mul3A_323 = arith.muli %arg1, %mul3A_322 : i32
      %add3A_324 = arith.constant 30720 : i32
      %add3A_325 = arith.addi %mul3A_323, %add3A_324 : i32
      %dma_start3A_326 = tpu.memref_slice %arg11[%add3A_325] : memref<1310736xf32, #tpu.memory_space<vmem_shared>> -> memref<2048xf32, #tpu.memory_space<vmem_shared>>
      %dma_start3A_327 = tpu.memref_slice %arg11[%add3A_325] : memref<1310736xf32, #tpu.memory_space<vmem_shared>> -> memref<2048xf32, #tpu.memory_space<vmem_shared>>
      tpu.enqueue_dma source(%arg9 : memref<2048xf32, #tpu.memory_space<vmem>>) target(%dma_start3A_327 : memref<2048xf32, #tpu.memory_space<vmem_shared>>) target_semaphore(%arg12 : memref<!tpu.dma_semaphore, #tpu.memory_space<semaphore_mem>>)
      %mul3A_328 = arith.constant 81920 : i32
      %mul3A_329 = arith.muli %arg1, %mul3A_328 : i32
      %add3A_330 = arith.constant 32768 : i32
      %add3A_331 = arith.addi %mul3A_329, %add3A_330 : i32
      %dma_start3A_332 = tpu.memref_slice %arg11[%add3A_331] : memref<1310736xf32, #tpu.memory_space<vmem_shared>> -> memref<2048xf32, #tpu.memory_space<vmem_shared>>
      %dma_start3A_333 = tpu.memref_slice %arg11[%add3A_331] : memref<1310736xf32, #tpu.memory_space<vmem_shared>> -> memref<2048xf32, #tpu.memory_space<vmem_shared>>
      tpu.enqueue_dma source(%arg9 : memref<2048xf32, #tpu.memory_space<vmem>>) target(%dma_start3A_333 : memref<2048xf32, #tpu.memory_space<vmem_shared>>) target_semaphore(%arg12 : memref<!tpu.dma_semaphore, #tpu.memory_space<semaphore_mem>>)
      %mul3A_334 = arith.constant 81920 : i32
      %mul3A_335 = arith.muli %arg1, %mul3A_334 : i32
      %add3A_336 = arith.constant 34816 : i32
      %add3A_337 = arith.addi %mul3A_335, %add3A_336 : i32
      %dma_start3A_338 = tpu.memref_slice %arg11[%add3A_337] : memref<1310736xf32, #tpu.memory_space<vmem_shared>> -> memref<2048xf32, #tpu.memory_space<vmem_shared>>
      %dma_start3A_339 = tpu.memref_slice %arg11[%add3A_337] : memref<1310736xf32, #tpu.memory_space<vmem_shared>> -> memref<2048xf32, #tpu.memory_space<vmem_shared>>
      tpu.enqueue_dma source(%arg9 : memref<2048xf32, #tpu.memory_space<vmem>>) target(%dma_start3A_339 : memref<2048xf32, #tpu.memory_space<vmem_shared>>) target_semaphore(%arg12 : memref<!tpu.dma_semaphore, #tpu.memory_space<semaphore_mem>>)
      %mul3A_340 = arith.constant 81920 : i32
      %mul3A_341 = arith.muli %arg1, %mul3A_340 : i32
      %add3A_342 = arith.constant 36864 : i32
      %add3A_343 = arith.addi %mul3A_341, %add3A_342 : i32
      %dma_start3A_344 = tpu.memref_slice %arg11[%add3A_343] : memref<1310736xf32, #tpu.memory_space<vmem_shared>> -> memref<2048xf32, #tpu.memory_space<vmem_shared>>
      %dma_start3A_345 = tpu.memref_slice %arg11[%add3A_343] : memref<1310736xf32, #tpu.memory_space<vmem_shared>> -> memref<2048xf32, #tpu.memory_space<vmem_shared>>
      tpu.enqueue_dma source(%arg9 : memref<2048xf32, #tpu.memory_space<vmem>>) target(%dma_start3A_345 : memref<2048xf32, #tpu.memory_space<vmem_shared>>) target_semaphore(%arg12 : memref<!tpu.dma_semaphore, #tpu.memory_space<semaphore_mem>>)
      %mul3A_346 = arith.constant 81920 : i32
      %mul3A_347 = arith.muli %arg1, %mul3A_346 : i32
      %add3A_348 = arith.constant 38912 : i32
      %add3A_349 = arith.addi %mul3A_347, %add3A_348 : i32
      %dma_start3A_350 = tpu.memref_slice %arg11[%add3A_349] : memref<1310736xf32, #tpu.memory_space<vmem_shared>> -> memref<2048xf32, #tpu.memory_space<vmem_shared>>
      %dma_start3A_351 = tpu.memref_slice %arg11[%add3A_349] : memref<1310736xf32, #tpu.memory_space<vmem_shared>> -> memref<2048xf32, #tpu.memory_space<vmem_shared>>
      tpu.enqueue_dma source(%arg9 : memref<2048xf32, #tpu.memory_space<vmem>>) target(%dma_start3A_351 : memref<2048xf32, #tpu.memory_space<vmem_shared>>) target_semaphore(%arg12 : memref<!tpu.dma_semaphore, #tpu.memory_space<semaphore_mem>>)
      %mul3A_352 = arith.constant 81920 : i32
      %mul3A_353 = arith.muli %arg1, %mul3A_352 : i32
      %add3A_354 = arith.constant 40960 : i32
      %add3A_355 = arith.addi %mul3A_353, %add3A_354 : i32
      %dma_start3A_356 = tpu.memref_slice %arg11[%add3A_355] : memref<1310736xf32, #tpu.memory_space<vmem_shared>> -> memref<2048xf32, #tpu.memory_space<vmem_shared>>
      %dma_start3A_357 = tpu.memref_slice %arg11[%add3A_355] : memref<1310736xf32, #tpu.memory_space<vmem_shared>> -> memref<2048xf32, #tpu.memory_space<vmem_shared>>
      tpu.enqueue_dma source(%arg9 : memref<2048xf32, #tpu.memory_space<vmem>>) target(%dma_start3A_357 : memref<2048xf32, #tpu.memory_space<vmem_shared>>) target_semaphore(%arg12 : memref<!tpu.dma_semaphore, #tpu.memory_space<semaphore_mem>>)
      %mul3A_358 = arith.constant 81920 : i32
      %mul3A_359 = arith.muli %arg1, %mul3A_358 : i32
      %add3A_360 = arith.constant 43008 : i32
      %add3A_361 = arith.addi %mul3A_359, %add3A_360 : i32
      %dma_start3A_362 = tpu.memref_slice %arg11[%add3A_361] : memref<1310736xf32, #tpu.memory_space<vmem_shared>> -> memref<2048xf32, #tpu.memory_space<vmem_shared>>
      %dma_start3A_363 = tpu.memref_slice %arg11[%add3A_361] : memref<1310736xf32, #tpu.memory_space<vmem_shared>> -> memref<2048xf32, #tpu.memory_space<vmem_shared>>
      tpu.enqueue_dma source(%arg9 : memref<2048xf32, #tpu.memory_space<vmem>>) target(%dma_start3A_363 : memref<2048xf32, #tpu.memory_space<vmem_shared>>) target_semaphore(%arg12 : memref<!tpu.dma_semaphore, #tpu.memory_space<semaphore_mem>>)
      %mul3A_364 = arith.constant 81920 : i32
      %mul3A_365 = arith.muli %arg1, %mul3A_364 : i32
      %add3A_366 = arith.constant 45056 : i32
      %add3A_367 = arith.addi %mul3A_365, %add3A_366 : i32
      %dma_start3A_368 = tpu.memref_slice %arg11[%add3A_367] : memref<1310736xf32, #tpu.memory_space<vmem_shared>> -> memref<2048xf32, #tpu.memory_space<vmem_shared>>
      %dma_start3A_369 = tpu.memref_slice %arg11[%add3A_367] : memref<1310736xf32, #tpu.memory_space<vmem_shared>> -> memref<2048xf32, #tpu.memory_space<vmem_shared>>
      tpu.enqueue_dma source(%arg9 : memref<2048xf32, #tpu.memory_space<vmem>>) target(%dma_start3A_369 : memref<2048xf32, #tpu.memory_space<vmem_shared>>) target_semaphore(%arg12 : memref<!tpu.dma_semaphore, #tpu.memory_space<semaphore_mem>>)
      %mul3A_370 = arith.constant 81920 : i32
      %mul3A_371 = arith.muli %arg1, %mul3A_370 : i32
      %add3A_372 = arith.constant 47104 : i32
      %add3A_373 = arith.addi %mul3A_371, %add3A_372 : i32
      %dma_start3A_374 = tpu.memref_slice %arg11[%add3A_373] : memref<1310736xf32, #tpu.memory_space<vmem_shared>> -> memref<2048xf32, #tpu.memory_space<vmem_shared>>
      %dma_start3A_375 = tpu.memref_slice %arg11[%add3A_373] : memref<1310736xf32, #tpu.memory_space<vmem_shared>> -> memref<2048xf32, #tpu.memory_space<vmem_shared>>
      tpu.enqueue_dma source(%arg9 : memref<2048xf32, #tpu.memory_space<vmem>>) target(%dma_start3A_375 : memref<2048xf32, #tpu.memory_space<vmem_shared>>) target_semaphore(%arg12 : memref<!tpu.dma_semaphore, #tpu.memory_space<semaphore_mem>>)
      %mul3A_376 = arith.constant 81920 : i32
      %mul3A_377 = arith.muli %arg1, %mul3A_376 : i32
      %add3A_378 = arith.constant 49152 : i32
      %add3A_379 = arith.addi %mul3A_377, %add3A_378 : i32
      %dma_start3A_380 = tpu.memref_slice %arg11[%add3A_379] : memref<1310736xf32, #tpu.memory_space<vmem_shared>> -> memref<2048xf32, #tpu.memory_space<vmem_shared>>
      %dma_start3A_381 = tpu.memref_slice %arg11[%add3A_379] : memref<1310736xf32, #tpu.memory_space<vmem_shared>> -> memref<2048xf32, #tpu.memory_space<vmem_shared>>
      tpu.enqueue_dma source(%arg9 : memref<2048xf32, #tpu.memory_space<vmem>>) target(%dma_start3A_381 : memref<2048xf32, #tpu.memory_space<vmem_shared>>) target_semaphore(%arg12 : memref<!tpu.dma_semaphore, #tpu.memory_space<semaphore_mem>>)
      %mul3A_382 = arith.constant 81920 : i32
      %mul3A_383 = arith.muli %arg1, %mul3A_382 : i32
      %add3A_384 = arith.constant 51200 : i32
      %add3A_385 = arith.addi %mul3A_383, %add3A_384 : i32
      %dma_start3A_386 = tpu.memref_slice %arg11[%add3A_385] : memref<1310736xf32, #tpu.memory_space<vmem_shared>> -> memref<2048xf32, #tpu.memory_space<vmem_shared>>
      %dma_start3A_387 = tpu.memref_slice %arg11[%add3A_385] : memref<1310736xf32, #tpu.memory_space<vmem_shared>> -> memref<2048xf32, #tpu.memory_space<vmem_shared>>
      tpu.enqueue_dma source(%arg9 : memref<2048xf32, #tpu.memory_space<vmem>>) target(%dma_start3A_387 : memref<2048xf32, #tpu.memory_space<vmem_shared>>) target_semaphore(%arg12 : memref<!tpu.dma_semaphore, #tpu.memory_space<semaphore_mem>>)
      %mul3A_388 = arith.constant 81920 : i32
      %mul3A_389 = arith.muli %arg1, %mul3A_388 : i32
      %add3A_390 = arith.constant 53248 : i32
      %add3A_391 = arith.addi %mul3A_389, %add3A_390 : i32
      %dma_start3A_392 = tpu.memref_slice %arg11[%add3A_391] : memref<1310736xf32, #tpu.memory_space<vmem_shared>> -> memref<2048xf32, #tpu.memory_space<vmem_shared>>
      %dma_start3A_393 = tpu.memref_slice %arg11[%add3A_391] : memref<1310736xf32, #tpu.memory_space<vmem_shared>> -> memref<2048xf32, #tpu.memory_space<vmem_shared>>
      tpu.enqueue_dma source(%arg9 : memref<2048xf32, #tpu.memory_space<vmem>>) target(%dma_start3A_393 : memref<2048xf32, #tpu.memory_space<vmem_shared>>) target_semaphore(%arg12 : memref<!tpu.dma_semaphore, #tpu.memory_space<semaphore_mem>>)
      %mul3A_394 = arith.constant 81920 : i32
      %mul3A_395 = arith.muli %arg1, %mul3A_394 : i32
      %add3A_396 = arith.constant 55296 : i32
      %add3A_397 = arith.addi %mul3A_395, %add3A_396 : i32
      %dma_start3A_398 = tpu.memref_slice %arg11[%add3A_397] : memref<1310736xf32, #tpu.memory_space<vmem_shared>> -> memref<2048xf32, #tpu.memory_space<vmem_shared>>
      %dma_start3A_399 = tpu.memref_slice %arg11[%add3A_397] : memref<1310736xf32, #tpu.memory_space<vmem_shared>> -> memref<2048xf32, #tpu.memory_space<vmem_shared>>
      tpu.enqueue_dma source(%arg9 : memref<2048xf32, #tpu.memory_space<vmem>>) target(%dma_start3A_399 : memref<2048xf32, #tpu.memory_space<vmem_shared>>) target_semaphore(%arg12 : memref<!tpu.dma_semaphore, #tpu.memory_space<semaphore_mem>>)
      %mul3A_400 = arith.constant 81920 : i32
      %mul3A_401 = arith.muli %arg1, %mul3A_400 : i32
      %add3A_402 = arith.constant 57344 : i32
      %add3A_403 = arith.addi %mul3A_401, %add3A_402 : i32
      %dma_start3A_404 = tpu.memref_slice %arg11[%add3A_403] : memref<1310736xf32, #tpu.memory_space<vmem_shared>> -> memref<2048xf32, #tpu.memory_space<vmem_shared>>
      %dma_start3A_405 = tpu.memref_slice %arg11[%add3A_403] : memref<1310736xf32, #tpu.memory_space<vmem_shared>> -> memref<2048xf32, #tpu.memory_space<vmem_shared>>
      tpu.enqueue_dma source(%arg9 : memref<2048xf32, #tpu.memory_space<vmem>>) target(%dma_start3A_405 : memref<2048xf32, #tpu.memory_space<vmem_shared>>) target_semaphore(%arg12 : memref<!tpu.dma_semaphore, #tpu.memory_space<semaphore_mem>>)
      %mul3A_406 = arith.constant 81920 : i32
      %mul3A_407 = arith.muli %arg1, %mul3A_406 : i32
      %add3A_408 = arith.constant 59392 : i32
      %add3A_409 = arith.addi %mul3A_407, %add3A_408 : i32
      %dma_start3A_410 = tpu.memref_slice %arg11[%add3A_409] : memref<1310736xf32, #tpu.memory_space<vmem_shared>> -> memref<2048xf32, #tpu.memory_space<vmem_shared>>
      %dma_start3A_411 = tpu.memref_slice %arg11[%add3A_409] : memref<1310736xf32, #tpu.memory_space<vmem_shared>> -> memref<2048xf32, #tpu.memory_space<vmem_shared>>
      tpu.enqueue_dma source(%arg9 : memref<2048xf32, #tpu.memory_space<vmem>>) target(%dma_start3A_411 : memref<2048xf32, #tpu.memory_space<vmem_shared>>) target_semaphore(%arg12 : memref<!tpu.dma_semaphore, #tpu.memory_space<semaphore_mem>>)
      %mul3A_412 = arith.constant 81920 : i32
      %mul3A_413 = arith.muli %arg1, %mul3A_412 : i32
      %add3A_414 = arith.constant 61440 : i32
      %add3A_415 = arith.addi %mul3A_413, %add3A_414 : i32
      %dma_start3A_416 = tpu.memref_slice %arg11[%add3A_415] : memref<1310736xf32, #tpu.memory_space<vmem_shared>> -> memref<2048xf32, #tpu.memory_space<vmem_shared>>
      %dma_start3A_417 = tpu.memref_slice %arg11[%add3A_415] : memref<1310736xf32, #tpu.memory_space<vmem_shared>> -> memref<2048xf32, #tpu.memory_space<vmem_shared>>
      tpu.enqueue_dma source(%arg9 : memref<2048xf32, #tpu.memory_space<vmem>>) target(%dma_start3A_417 : memref<2048xf32, #tpu.memory_space<vmem_shared>>) target_semaphore(%arg12 : memref<!tpu.dma_semaphore, #tpu.memory_space<semaphore_mem>>)
      %mul3A_418 = arith.constant 81920 : i32
      %mul3A_419 = arith.muli %arg1, %mul3A_418 : i32
      %add3A_420 = arith.constant 63488 : i32
      %add3A_421 = arith.addi %mul3A_419, %add3A_420 : i32
      %dma_start3A_422 = tpu.memref_slice %arg11[%add3A_421] : memref<1310736xf32, #tpu.memory_space<vmem_shared>> -> memref<2048xf32, #tpu.memory_space<vmem_shared>>
      %dma_start3A_423 = tpu.memref_slice %arg11[%add3A_421] : memref<1310736xf32, #tpu.memory_space<vmem_shared>> -> memref<2048xf32, #tpu.memory_space<vmem_shared>>
      tpu.enqueue_dma source(%arg9 : memref<2048xf32, #tpu.memory_space<vmem>>) target(%dma_start3A_423 : memref<2048xf32, #tpu.memory_space<vmem_shared>>) target_semaphore(%arg12 : memref<!tpu.dma_semaphore, #tpu.memory_space<semaphore_mem>>)
      %mul3A_424 = arith.constant 81920 : i32
      %mul3A_425 = arith.muli %arg1, %mul3A_424 : i32
      %add3A_426 = arith.constant 65536 : i32
      %add3A_427 = arith.addi %mul3A_425, %add3A_426 : i32
      %dma_start3A_428 = tpu.memref_slice %arg11[%add3A_427] : memref<1310736xf32, #tpu.memory_space<vmem_shared>> -> memref<2048xf32, #tpu.memory_space<vmem_shared>>
      %dma_start3A_429 = tpu.memref_slice %arg11[%add3A_427] : memref<1310736xf32, #tpu.memory_space<vmem_shared>> -> memref<2048xf32, #tpu.memory_space<vmem_shared>>
      tpu.enqueue_dma source(%arg9 : memref<2048xf32, #tpu.memory_space<vmem>>) target(%dma_start3A_429 : memref<2048xf32, #tpu.memory_space<vmem_shared>>) target_semaphore(%arg12 : memref<!tpu.dma_semaphore, #tpu.memory_space<semaphore_mem>>)
      %mul3A_430 = arith.constant 81920 : i32
      %mul3A_431 = arith.muli %arg1, %mul3A_430 : i32
      %add3A_432 = arith.constant 67584 : i32
      %add3A_433 = arith.addi %mul3A_431, %add3A_432 : i32
      %dma_start3A_434 = tpu.memref_slice %arg11[%add3A_433] : memref<1310736xf32, #tpu.memory_space<vmem_shared>> -> memref<2048xf32, #tpu.memory_space<vmem_shared>>
      %dma_start3A_435 = tpu.memref_slice %arg11[%add3A_433] : memref<1310736xf32, #tpu.memory_space<vmem_shared>> -> memref<2048xf32, #tpu.memory_space<vmem_shared>>
      tpu.enqueue_dma source(%arg9 : memref<2048xf32, #tpu.memory_space<vmem>>) target(%dma_start3A_435 : memref<2048xf32, #tpu.memory_space<vmem_shared>>) target_semaphore(%arg12 : memref<!tpu.dma_semaphore, #tpu.memory_space<semaphore_mem>>)
      %mul3A_436 = arith.constant 81920 : i32
      %mul3A_437 = arith.muli %arg1, %mul3A_436 : i32
      %add3A_438 = arith.constant 69632 : i32
      %add3A_439 = arith.addi %mul3A_437, %add3A_438 : i32
      %dma_start3A_440 = tpu.memref_slice %arg11[%add3A_439] : memref<1310736xf32, #tpu.memory_space<vmem_shared>> -> memref<2048xf32, #tpu.memory_space<vmem_shared>>
      %dma_start3A_441 = tpu.memref_slice %arg11[%add3A_439] : memref<1310736xf32, #tpu.memory_space<vmem_shared>> -> memref<2048xf32, #tpu.memory_space<vmem_shared>>
      tpu.enqueue_dma source(%arg9 : memref<2048xf32, #tpu.memory_space<vmem>>) target(%dma_start3A_441 : memref<2048xf32, #tpu.memory_space<vmem_shared>>) target_semaphore(%arg12 : memref<!tpu.dma_semaphore, #tpu.memory_space<semaphore_mem>>)
      %mul3A_442 = arith.constant 81920 : i32
      %mul3A_443 = arith.muli %arg1, %mul3A_442 : i32
      %add3A_444 = arith.constant 71680 : i32
      %add3A_445 = arith.addi %mul3A_443, %add3A_444 : i32
      %dma_start3A_446 = tpu.memref_slice %arg11[%add3A_445] : memref<1310736xf32, #tpu.memory_space<vmem_shared>> -> memref<2048xf32, #tpu.memory_space<vmem_shared>>
      %dma_start3A_447 = tpu.memref_slice %arg11[%add3A_445] : memref<1310736xf32, #tpu.memory_space<vmem_shared>> -> memref<2048xf32, #tpu.memory_space<vmem_shared>>
      tpu.enqueue_dma source(%arg9 : memref<2048xf32, #tpu.memory_space<vmem>>) target(%dma_start3A_447 : memref<2048xf32, #tpu.memory_space<vmem_shared>>) target_semaphore(%arg12 : memref<!tpu.dma_semaphore, #tpu.memory_space<semaphore_mem>>)
      %mul3A_448 = arith.constant 81920 : i32
      %mul3A_449 = arith.muli %arg1, %mul3A_448 : i32
      %add3A_450 = arith.constant 73728 : i32
      %add3A_451 = arith.addi %mul3A_449, %add3A_450 : i32
      %dma_start3A_452 = tpu.memref_slice %arg11[%add3A_451] : memref<1310736xf32, #tpu.memory_space<vmem_shared>> -> memref<2048xf32, #tpu.memory_space<vmem_shared>>
      %dma_start3A_453 = tpu.memref_slice %arg11[%add3A_451] : memref<1310736xf32, #tpu.memory_space<vmem_shared>> -> memref<2048xf32, #tpu.memory_space<vmem_shared>>
      tpu.enqueue_dma source(%arg9 : memref<2048xf32, #tpu.memory_space<vmem>>) target(%dma_start3A_453 : memref<2048xf32, #tpu.memory_space<vmem_shared>>) target_semaphore(%arg12 : memref<!tpu.dma_semaphore, #tpu.memory_space<semaphore_mem>>)
      %mul3A_454 = arith.constant 81920 : i32
      %mul3A_455 = arith.muli %arg1, %mul3A_454 : i32
      %add3A_456 = arith.constant 75776 : i32
      %add3A_457 = arith.addi %mul3A_455, %add3A_456 : i32
      %dma_start3A_458 = tpu.memref_slice %arg11[%add3A_457] : memref<1310736xf32, #tpu.memory_space<vmem_shared>> -> memref<2048xf32, #tpu.memory_space<vmem_shared>>
      %dma_start3A_459 = tpu.memref_slice %arg11[%add3A_457] : memref<1310736xf32, #tpu.memory_space<vmem_shared>> -> memref<2048xf32, #tpu.memory_space<vmem_shared>>
      tpu.enqueue_dma source(%arg9 : memref<2048xf32, #tpu.memory_space<vmem>>) target(%dma_start3A_459 : memref<2048xf32, #tpu.memory_space<vmem_shared>>) target_semaphore(%arg12 : memref<!tpu.dma_semaphore, #tpu.memory_space<semaphore_mem>>)
      %mul3A_460 = arith.constant 81920 : i32
      %mul3A_461 = arith.muli %arg1, %mul3A_460 : i32
      %add3A_462 = arith.constant 77824 : i32
      %add3A_463 = arith.addi %mul3A_461, %add3A_462 : i32
      %dma_start3A_464 = tpu.memref_slice %arg11[%add3A_463] : memref<1310736xf32, #tpu.memory_space<vmem_shared>> -> memref<2048xf32, #tpu.memory_space<vmem_shared>>
      %dma_start3A_465 = tpu.memref_slice %arg11[%add3A_463] : memref<1310736xf32, #tpu.memory_space<vmem_shared>> -> memref<2048xf32, #tpu.memory_space<vmem_shared>>
      tpu.enqueue_dma source(%arg9 : memref<2048xf32, #tpu.memory_space<vmem>>) target(%dma_start3A_465 : memref<2048xf32, #tpu.memory_space<vmem_shared>>) target_semaphore(%arg12 : memref<!tpu.dma_semaphore, #tpu.memory_space<semaphore_mem>>)
      %mul3A_466 = arith.constant 81920 : i32
      %mul3A_467 = arith.muli %arg1, %mul3A_466 : i32
      %add3A_468 = arith.constant 79872 : i32
      %add3A_469 = arith.addi %mul3A_467, %add3A_468 : i32
      %dma_start3A_470 = tpu.memref_slice %arg11[%add3A_469] : memref<1310736xf32, #tpu.memory_space<vmem_shared>> -> memref<2048xf32, #tpu.memory_space<vmem_shared>>
      %dma_start3A_471 = tpu.memref_slice %arg11[%add3A_469] : memref<1310736xf32, #tpu.memory_space<vmem_shared>> -> memref<2048xf32, #tpu.memory_space<vmem_shared>>
      tpu.enqueue_dma source(%arg9 : memref<2048xf32, #tpu.memory_space<vmem>>) target(%dma_start3A_471 : memref<2048xf32, #tpu.memory_space<vmem_shared>>) target_semaphore(%arg12 : memref<!tpu.dma_semaphore, #tpu.memory_space<semaphore_mem>>)
      %while3A = arith.subi %select_n3A_199, %select_n3A : i32
      %while3A_472 = arith.addi %select_n3A, %while3A : i32
      %while3A_473 = arith.constant 1 : i32
      %while3A_474 = arith.divsi %while3A, %while3A_473 : i32
      %while3A_475 = arith.muli %while3A_474, %while3A_473 : i32
      %while3A_476 = arith.addi %select_n3A, %while3A_475 : i32
      %while3A_477 = arith.constant 1 : i32
      %while3A_478 = scf.for %while3A_639 = %select_n3A to %while3A_476 step %while3A_477 iter_args(%while3A_640 = %broadcast_in_dim3A_33) -> (vector<16xi32>)  : i32 {
        %mul3A_641 = arith.constant 16 : i32
        %mul3A_642 = arith.muli %while3A_639, %mul3A_641 : i32
        %get3A = arith.index_cast %mul3A_642 : i32 to index
        %get3A_643 = tpu.vector_load %arg7[%get3A] {strides = array<i32>} : memref<20480xi32, #tpu.memory_space<vmem>>, vector<16xi32>,
        %ge3A = vector.broadcast %mul3A_228 : i32 to vector<16xi32>
        %ge3A_644 = arith.cmpi sge, %get3A_643, %ge3A : vector<16xi32>
        %lt3A = vector.broadcast %add3A_230 : i32 to vector<16xi32>
        %lt3A_645 = arith.cmpi slt, %get3A_643, %lt3A : vector<16xi32>
        %and3A = arith.andi %ge3A_644, %lt3A_645 : vector<16xi1>
        %mul3A_646 = arith.constant 16 : i32
        %mul3A_647 = vector.broadcast %mul3A_646 : i32 to vector<16xi32>
        %mul3A_648 = arith.muli %while3A_640, %mul3A_647 : vector<16xi32>
        %add3A_649 = arith.addi %mul3A_648, %iota3A : vector<16xi32>
        %shift_right_arithmetic3A = arith.constant 7 : i32
        %shift_right_arithmetic3A_650 = vector.broadcast %shift_right_arithmetic3A : i32 to vector<16xi32>
        %shift_right_arithmetic3A_651 = arith.shrsi %add3A_649, %shift_right_arithmetic3A_650 : vector<16xi32>
        %and3A_652 = arith.constant 127 : i32
        %and3A_653 = vector.broadcast %and3A_652 : i32 to vector<16xi32>
        %and3A_654 = arith.andi %add3A_649, %and3A_653 : vector<16xi32>
        %broadcast_in_dim3A_655 = vector.broadcast %scan3A_211 : i32 to vector<16xi32>
        %select_n3A_656 = arith.select %and3A, %shift_right_arithmetic3A_651, %broadcast_in_dim3A_655 : vector<16xi1>, vector<16xi32>
        %sub3A_657 = vector.broadcast %mul3A_228 : i32 to vector<16xi32>
        %sub3A_658 = arith.subi %get3A_643, %sub3A_657 : vector<16xi32>
        tpu.vector_store_idx %arg8[%select_n3A_656, %and3A_654], %sub3A_658 : memref<161x128xi32, #tpu.memory_space<vmem>>[vector<16xi32>, vector<16xi32>], vector<16xi32>,
        %broadcast_in_dim3A_659 = vector.broadcast %scan3A_212 : i32 to vector<16xi32>
        %broadcast_in_dim3A_660 = vector.broadcast %scan3A_213 : i32 to vector<16xi32>
        %select_n3A_661 = arith.select %and3A, %broadcast_in_dim3A_659, %broadcast_in_dim3A_660 : vector<16xi1>, vector<16xi32>
        %add3A_662 = arith.addi %while3A_640, %select_n3A_661 : vector<16xi32>
        scf.yield %add3A_662 : vector<16xi32>
      }
      %while3A_479 = arith.constant 1 : i32
      %while3A_480 = scf.for %while3A_639 = %while3A_476 to %while3A_472 step %while3A_479 iter_args(%while3A_640 = %while3A_478) -> (vector<16xi32>)  : i32 {
        %mul3A_641 = arith.constant 16 : i32
        %mul3A_642 = arith.muli %while3A_639, %mul3A_641 : i32
        %get3A = arith.index_cast %mul3A_642 : i32 to index
        %get3A_643 = tpu.vector_load %arg7[%get3A] {strides = array<i32>} : memref<20480xi32, #tpu.memory_space<vmem>>, vector<16xi32>,
        %ge3A = vector.broadcast %mul3A_228 : i32 to vector<16xi32>
        %ge3A_644 = arith.cmpi sge, %get3A_643, %ge3A : vector<16xi32>
        %lt3A = vector.broadcast %add3A_230 : i32 to vector<16xi32>
        %lt3A_645 = arith.cmpi slt, %get3A_643, %lt3A : vector<16xi32>
        %and3A = arith.andi %ge3A_644, %lt3A_645 : vector<16xi1>
        %mul3A_646 = arith.constant 16 : i32
        %mul3A_647 = vector.broadcast %mul3A_646 : i32 to vector<16xi32>
        %mul3A_648 = arith.muli %while3A_640, %mul3A_647 : vector<16xi32>
        %add3A_649 = arith.addi %mul3A_648, %iota3A : vector<16xi32>
        %shift_right_arithmetic3A = arith.constant 7 : i32
        %shift_right_arithmetic3A_650 = vector.broadcast %shift_right_arithmetic3A : i32 to vector<16xi32>
        %shift_right_arithmetic3A_651 = arith.shrsi %add3A_649, %shift_right_arithmetic3A_650 : vector<16xi32>
        %and3A_652 = arith.constant 127 : i32
        %and3A_653 = vector.broadcast %and3A_652 : i32 to vector<16xi32>
        %and3A_654 = arith.andi %add3A_649, %and3A_653 : vector<16xi32>
        %broadcast_in_dim3A_655 = vector.broadcast %scan3A_211 : i32 to vector<16xi32>
        %select_n3A_656 = arith.select %and3A, %shift_right_arithmetic3A_651, %broadcast_in_dim3A_655 : vector<16xi1>, vector<16xi32>
        %sub3A_657 = vector.broadcast %mul3A_228 : i32 to vector<16xi32>
        %sub3A_658 = arith.subi %get3A_643, %sub3A_657 : vector<16xi32>
        tpu.vector_store_idx %arg8[%select_n3A_656, %and3A_654], %sub3A_658 : memref<161x128xi32, #tpu.memory_space<vmem>>[vector<16xi32>, vector<16xi32>], vector<16xi32>,
        %broadcast_in_dim3A_659 = vector.broadcast %scan3A_212 : i32 to vector<16xi32>
        %broadcast_in_dim3A_660 = vector.broadcast %scan3A_213 : i32 to vector<16xi32>
        %select_n3A_661 = arith.select %and3A, %broadcast_in_dim3A_659, %broadcast_in_dim3A_660 : vector<16xi1>, vector<16xi32>
        %add3A_662 = arith.addi %while3A_640, %select_n3A_661 : vector<16xi32>
        scf.yield %add3A_662 : vector<16xi32>
      }
      %slice3A_481 = vector.extract_strided_slice %while3A_480 {offsets = [0], sizes = [1], strides = [1]} : vector<16xi32> to vector<1xi32>
      %squeeze3A_482 = vector.extract %slice3A_481[0] : i32 from vector<1xi32>
      %slice3A_483 = vector.extract_strided_slice %while3A_480 {offsets = [1], sizes = [1], strides = [1]} : vector<16xi32> to vector<1xi32>
      %squeeze3A_484 = vector.extract %slice3A_483[0] : i32 from vector<1xi32>
      %max3A_485 = arith.maxsi %squeeze3A_482, %squeeze3A_484 : i32
      %slice3A_486 = vector.extract_strided_slice %while3A_480 {offsets = [2], sizes = [1], strides = [1]} : vector<16xi32> to vector<1xi32>
      %squeeze3A_487 = vector.extract %slice3A_486[0] : i32 from vector<1xi32>
      %max3A_488 = arith.maxsi %max3A_485, %squeeze3A_487 : i32
      %slice3A_489 = vector.extract_strided_slice %while3A_480 {offsets = [3], sizes = [1], strides = [1]} : vector<16xi32> to vector<1xi32>
      %squeeze3A_490 = vector.extract %slice3A_489[0] : i32 from vector<1xi32>
      %max3A_491 = arith.maxsi %max3A_488, %squeeze3A_490 : i32
      %slice3A_492 = vector.extract_strided_slice %while3A_480 {offsets = [4], sizes = [1], strides = [1]} : vector<16xi32> to vector<1xi32>
      %squeeze3A_493 = vector.extract %slice3A_492[0] : i32 from vector<1xi32>
      %max3A_494 = arith.maxsi %max3A_491, %squeeze3A_493 : i32
      %slice3A_495 = vector.extract_strided_slice %while3A_480 {offsets = [5], sizes = [1], strides = [1]} : vector<16xi32> to vector<1xi32>
      %squeeze3A_496 = vector.extract %slice3A_495[0] : i32 from vector<1xi32>
      %max3A_497 = arith.maxsi %max3A_494, %squeeze3A_496 : i32
      %slice3A_498 = vector.extract_strided_slice %while3A_480 {offsets = [6], sizes = [1], strides = [1]} : vector<16xi32> to vector<1xi32>
      %squeeze3A_499 = vector.extract %slice3A_498[0] : i32 from vector<1xi32>
      %max3A_500 = arith.maxsi %max3A_497, %squeeze3A_499 : i32
      %slice3A_501 = vector.extract_strided_slice %while3A_480 {offsets = [7], sizes = [1], strides = [1]} : vector<16xi32> to vector<1xi32>
      %squeeze3A_502 = vector.extract %slice3A_501[0] : i32 from vector<1xi32>
      %max3A_503 = arith.maxsi %max3A_500, %squeeze3A_502 : i32
      %slice3A_504 = vector.extract_strided_slice %while3A_480 {offsets = [8], sizes = [1], strides = [1]} : vector<16xi32> to vector<1xi32>
      %squeeze3A_505 = vector.extract %slice3A_504[0] : i32 from vector<1xi32>
      %max3A_506 = arith.maxsi %max3A_503, %squeeze3A_505 : i32
      %slice3A_507 = vector.extract_strided_slice %while3A_480 {offsets = [9], sizes = [1], strides = [1]} : vector<16xi32> to vector<1xi32>
      %squeeze3A_508 = vector.extract %slice3A_507[0] : i32 from vector<1xi32>
      %max3A_509 = arith.maxsi %max3A_506, %squeeze3A_508 : i32
      %slice3A_510 = vector.extract_strided_slice %while3A_480 {offsets = [10], sizes = [1], strides = [1]} : vector<16xi32> to vector<1xi32>
      %squeeze3A_511 = vector.extract %slice3A_510[0] : i32 from vector<1xi32>
      %max3A_512 = arith.maxsi %max3A_509, %squeeze3A_511 : i32
      %slice3A_513 = vector.extract_strided_slice %while3A_480 {offsets = [11], sizes = [1], strides = [1]} : vector<16xi32> to vector<1xi32>
      %squeeze3A_514 = vector.extract %slice3A_513[0] : i32 from vector<1xi32>
      %max3A_515 = arith.maxsi %max3A_512, %squeeze3A_514 : i32
      %slice3A_516 = vector.extract_strided_slice %while3A_480 {offsets = [12], sizes = [1], strides = [1]} : vector<16xi32> to vector<1xi32>
      %squeeze3A_517 = vector.extract %slice3A_516[0] : i32 from vector<1xi32>
      %max3A_518 = arith.maxsi %max3A_515, %squeeze3A_517 : i32
      %slice3A_519 = vector.extract_strided_slice %while3A_480 {offsets = [13], sizes = [1], strides = [1]} : vector<16xi32> to vector<1xi32>
      %squeeze3A_520 = vector.extract %slice3A_519[0] : i32 from vector<1xi32>
      %max3A_521 = arith.maxsi %max3A_518, %squeeze3A_520 : i32
      %slice3A_522 = vector.extract_strided_slice %while3A_480 {offsets = [14], sizes = [1], strides = [1]} : vector<16xi32> to vector<1xi32>
      %squeeze3A_523 = vector.extract %slice3A_522[0] : i32 from vector<1xi32>
      %max3A_524 = arith.maxsi %max3A_521, %squeeze3A_523 : i32
      %slice3A_525 = vector.extract_strided_slice %while3A_480 {offsets = [15], sizes = [1], strides = [1]} : vector<16xi32> to vector<1xi32>
      %squeeze3A_526 = vector.extract %slice3A_525[0] : i32 from vector<1xi32>
      %max3A_527 = arith.maxsi %max3A_524, %squeeze3A_526 : i32
      %mul3A_528 = arith.constant 16 : i32
      %mul3A_529 = arith.muli %max3A_527, %mul3A_528 : i32
      %add3A_530 = arith.constant 127 : i32
      %add3A_531 = arith.addi %mul3A_529, %add3A_530 : i32
      %div3A = arith.constant 128 : i32
      %div3A_532 = arith.divsi %add3A_531, %div3A : i32
      %dma_wait3A_533 = tpu.memref_slice %arg11[%add3A_236] : memref<1310736xf32, #tpu.memory_space<vmem_shared>> -> memref<2048xf32, #tpu.memory_space<vmem_shared>>
      %dma_wait3A_534 = tpu.memref_slice %arg11[%add3A_236] : memref<1310736xf32, #tpu.memory_space<vmem_shared>> -> memref<2048xf32, #tpu.memory_space<vmem_shared>>
      tpu.wait_dma2 semaphore(%arg12 : memref<!tpu.dma_semaphore, #tpu.memory_space<semaphore_mem>>) src(%arg9 : memref<2048xf32, #tpu.memory_space<vmem>>) dst(%dma_wait3A_534 : memref<2048xf32, #tpu.memory_space<vmem_shared>>)
      %dma_wait3A_535 = tpu.memref_slice %arg11[%add3A_241] : memref<1310736xf32, #tpu.memory_space<vmem_shared>> -> memref<2048xf32, #tpu.memory_space<vmem_shared>>
      %dma_wait3A_536 = tpu.memref_slice %arg11[%add3A_241] : memref<1310736xf32, #tpu.memory_space<vmem_shared>> -> memref<2048xf32, #tpu.memory_space<vmem_shared>>
      tpu.wait_dma2 semaphore(%arg12 : memref<!tpu.dma_semaphore, #tpu.memory_space<semaphore_mem>>) src(%arg9 : memref<2048xf32, #tpu.memory_space<vmem>>) dst(%dma_wait3A_536 : memref<2048xf32, #tpu.memory_space<vmem_shared>>)
      %dma_wait3A_537 = tpu.memref_slice %arg11[%add3A_247] : memref<1310736xf32, #tpu.memory_space<vmem_shared>> -> memref<2048xf32, #tpu.memory_space<vmem_shared>>
      %dma_wait3A_538 = tpu.memref_slice %arg11[%add3A_247] : memref<1310736xf32, #tpu.memory_space<vmem_shared>> -> memref<2048xf32, #tpu.memory_space<vmem_shared>>
      tpu.wait_dma2 semaphore(%arg12 : memref<!tpu.dma_semaphore, #tpu.memory_space<semaphore_mem>>) src(%arg9 : memref<2048xf32, #tpu.memory_space<vmem>>) dst(%dma_wait3A_538 : memref<2048xf32, #tpu.memory_space<vmem_shared>>)
      %dma_wait3A_539 = tpu.memref_slice %arg11[%add3A_253] : memref<1310736xf32, #tpu.memory_space<vmem_shared>> -> memref<2048xf32, #tpu.memory_space<vmem_shared>>
      %dma_wait3A_540 = tpu.memref_slice %arg11[%add3A_253] : memref<1310736xf32, #tpu.memory_space<vmem_shared>> -> memref<2048xf32, #tpu.memory_space<vmem_shared>>
      tpu.wait_dma2 semaphore(%arg12 : memref<!tpu.dma_semaphore, #tpu.memory_space<semaphore_mem>>) src(%arg9 : memref<2048xf32, #tpu.memory_space<vmem>>) dst(%dma_wait3A_540 : memref<2048xf32, #tpu.memory_space<vmem_shared>>)
      %dma_wait3A_541 = tpu.memref_slice %arg11[%add3A_259] : memref<1310736xf32, #tpu.memory_space<vmem_shared>> -> memref<2048xf32, #tpu.memory_space<vmem_shared>>
      %dma_wait3A_542 = tpu.memref_slice %arg11[%add3A_259] : memref<1310736xf32, #tpu.memory_space<vmem_shared>> -> memref<2048xf32, #tpu.memory_space<vmem_shared>>
      tpu.wait_dma2 semaphore(%arg12 : memref<!tpu.dma_semaphore, #tpu.memory_space<semaphore_mem>>) src(%arg9 : memref<2048xf32, #tpu.memory_space<vmem>>) dst(%dma_wait3A_542 : memref<2048xf32, #tpu.memory_space<vmem_shared>>)
      %dma_wait3A_543 = tpu.memref_slice %arg11[%add3A_265] : memref<1310736xf32, #tpu.memory_space<vmem_shared>> -> memref<2048xf32, #tpu.memory_space<vmem_shared>>
      %dma_wait3A_544 = tpu.memref_slice %arg11[%add3A_265] : memref<1310736xf32, #tpu.memory_space<vmem_shared>> -> memref<2048xf32, #tpu.memory_space<vmem_shared>>
      tpu.wait_dma2 semaphore(%arg12 : memref<!tpu.dma_semaphore, #tpu.memory_space<semaphore_mem>>) src(%arg9 : memref<2048xf32, #tpu.memory_space<vmem>>) dst(%dma_wait3A_544 : memref<2048xf32, #tpu.memory_space<vmem_shared>>)
      %dma_wait3A_545 = tpu.memref_slice %arg11[%add3A_271] : memref<1310736xf32, #tpu.memory_space<vmem_shared>> -> memref<2048xf32, #tpu.memory_space<vmem_shared>>
      %dma_wait3A_546 = tpu.memref_slice %arg11[%add3A_271] : memref<1310736xf32, #tpu.memory_space<vmem_shared>> -> memref<2048xf32, #tpu.memory_space<vmem_shared>>
      tpu.wait_dma2 semaphore(%arg12 : memref<!tpu.dma_semaphore, #tpu.memory_space<semaphore_mem>>) src(%arg9 : memref<2048xf32, #tpu.memory_space<vmem>>) dst(%dma_wait3A_546 : memref<2048xf32, #tpu.memory_space<vmem_shared>>)
      %dma_wait3A_547 = tpu.memref_slice %arg11[%add3A_277] : memref<1310736xf32, #tpu.memory_space<vmem_shared>> -> memref<2048xf32, #tpu.memory_space<vmem_shared>>
      %dma_wait3A_548 = tpu.memref_slice %arg11[%add3A_277] : memref<1310736xf32, #tpu.memory_space<vmem_shared>> -> memref<2048xf32, #tpu.memory_space<vmem_shared>>
      tpu.wait_dma2 semaphore(%arg12 : memref<!tpu.dma_semaphore, #tpu.memory_space<semaphore_mem>>) src(%arg9 : memref<2048xf32, #tpu.memory_space<vmem>>) dst(%dma_wait3A_548 : memref<2048xf32, #tpu.memory_space<vmem_shared>>)
      %dma_wait3A_549 = tpu.memref_slice %arg11[%add3A_283] : memref<1310736xf32, #tpu.memory_space<vmem_shared>> -> memref<2048xf32, #tpu.memory_space<vmem_shared>>
      %dma_wait3A_550 = tpu.memref_slice %arg11[%add3A_283] : memref<1310736xf32, #tpu.memory_space<vmem_shared>> -> memref<2048xf32, #tpu.memory_space<vmem_shared>>
      tpu.wait_dma2 semaphore(%arg12 : memref<!tpu.dma_semaphore, #tpu.memory_space<semaphore_mem>>) src(%arg9 : memref<2048xf32, #tpu.memory_space<vmem>>) dst(%dma_wait3A_550 : memref<2048xf32, #tpu.memory_space<vmem_shared>>)
      %dma_wait3A_551 = tpu.memref_slice %arg11[%add3A_289] : memref<1310736xf32, #tpu.memory_space<vmem_shared>> -> memref<2048xf32, #tpu.memory_space<vmem_shared>>
      %dma_wait3A_552 = tpu.memref_slice %arg11[%add3A_289] : memref<1310736xf32, #tpu.memory_space<vmem_shared>> -> memref<2048xf32, #tpu.memory_space<vmem_shared>>
      tpu.wait_dma2 semaphore(%arg12 : memref<!tpu.dma_semaphore, #tpu.memory_space<semaphore_mem>>) src(%arg9 : memref<2048xf32, #tpu.memory_space<vmem>>) dst(%dma_wait3A_552 : memref<2048xf32, #tpu.memory_space<vmem_shared>>)
      %dma_wait3A_553 = tpu.memref_slice %arg11[%add3A_295] : memref<1310736xf32, #tpu.memory_space<vmem_shared>> -> memref<2048xf32, #tpu.memory_space<vmem_shared>>
      %dma_wait3A_554 = tpu.memref_slice %arg11[%add3A_295] : memref<1310736xf32, #tpu.memory_space<vmem_shared>> -> memref<2048xf32, #tpu.memory_space<vmem_shared>>
      tpu.wait_dma2 semaphore(%arg12 : memref<!tpu.dma_semaphore, #tpu.memory_space<semaphore_mem>>) src(%arg9 : memref<2048xf32, #tpu.memory_space<vmem>>) dst(%dma_wait3A_554 : memref<2048xf32, #tpu.memory_space<vmem_shared>>)
      %dma_wait3A_555 = tpu.memref_slice %arg11[%add3A_301] : memref<1310736xf32, #tpu.memory_space<vmem_shared>> -> memref<2048xf32, #tpu.memory_space<vmem_shared>>
      %dma_wait3A_556 = tpu.memref_slice %arg11[%add3A_301] : memref<1310736xf32, #tpu.memory_space<vmem_shared>> -> memref<2048xf32, #tpu.memory_space<vmem_shared>>
      tpu.wait_dma2 semaphore(%arg12 : memref<!tpu.dma_semaphore, #tpu.memory_space<semaphore_mem>>) src(%arg9 : memref<2048xf32, #tpu.memory_space<vmem>>) dst(%dma_wait3A_556 : memref<2048xf32, #tpu.memory_space<vmem_shared>>)
      %dma_wait3A_557 = tpu.memref_slice %arg11[%add3A_307] : memref<1310736xf32, #tpu.memory_space<vmem_shared>> -> memref<2048xf32, #tpu.memory_space<vmem_shared>>
      %dma_wait3A_558 = tpu.memref_slice %arg11[%add3A_307] : memref<1310736xf32, #tpu.memory_space<vmem_shared>> -> memref<2048xf32, #tpu.memory_space<vmem_shared>>
      tpu.wait_dma2 semaphore(%arg12 : memref<!tpu.dma_semaphore, #tpu.memory_space<semaphore_mem>>) src(%arg9 : memref<2048xf32, #tpu.memory_space<vmem>>) dst(%dma_wait3A_558 : memref<2048xf32, #tpu.memory_space<vmem_shared>>)
      %dma_wait3A_559 = tpu.memref_slice %arg11[%add3A_313] : memref<1310736xf32, #tpu.memory_space<vmem_shared>> -> memref<2048xf32, #tpu.memory_space<vmem_shared>>
      %dma_wait3A_560 = tpu.memref_slice %arg11[%add3A_313] : memref<1310736xf32, #tpu.memory_space<vmem_shared>> -> memref<2048xf32, #tpu.memory_space<vmem_shared>>
      tpu.wait_dma2 semaphore(%arg12 : memref<!tpu.dma_semaphore, #tpu.memory_space<semaphore_mem>>) src(%arg9 : memref<2048xf32, #tpu.memory_space<vmem>>) dst(%dma_wait3A_560 : memref<2048xf32, #tpu.memory_space<vmem_shared>>)
      %dma_wait3A_561 = tpu.memref_slice %arg11[%add3A_319] : memref<1310736xf32, #tpu.memory_space<vmem_shared>> -> memref<2048xf32, #tpu.memory_space<vmem_shared>>
      %dma_wait3A_562 = tpu.memref_slice %arg11[%add3A_319] : memref<1310736xf32, #tpu.memory_space<vmem_shared>> -> memref<2048xf32, #tpu.memory_space<vmem_shared>>
      tpu.wait_dma2 semaphore(%arg12 : memref<!tpu.dma_semaphore, #tpu.memory_space<semaphore_mem>>) src(%arg9 : memref<2048xf32, #tpu.memory_space<vmem>>) dst(%dma_wait3A_562 : memref<2048xf32, #tpu.memory_space<vmem_shared>>)
      %dma_wait3A_563 = tpu.memref_slice %arg11[%add3A_325] : memref<1310736xf32, #tpu.memory_space<vmem_shared>> -> memref<2048xf32, #tpu.memory_space<vmem_shared>>
      %dma_wait3A_564 = tpu.memref_slice %arg11[%add3A_325] : memref<1310736xf32, #tpu.memory_space<vmem_shared>> -> memref<2048xf32, #tpu.memory_space<vmem_shared>>
      tpu.wait_dma2 semaphore(%arg12 : memref<!tpu.dma_semaphore, #tpu.memory_space<semaphore_mem>>) src(%arg9 : memref<2048xf32, #tpu.memory_space<vmem>>) dst(%dma_wait3A_564 : memref<2048xf32, #tpu.memory_space<vmem_shared>>)
      %dma_wait3A_565 = tpu.memref_slice %arg11[%add3A_331] : memref<1310736xf32, #tpu.memory_space<vmem_shared>> -> memref<2048xf32, #tpu.memory_space<vmem_shared>>
      %dma_wait3A_566 = tpu.memref_slice %arg11[%add3A_331] : memref<1310736xf32, #tpu.memory_space<vmem_shared>> -> memref<2048xf32, #tpu.memory_space<vmem_shared>>
      tpu.wait_dma2 semaphore(%arg12 : memref<!tpu.dma_semaphore, #tpu.memory_space<semaphore_mem>>) src(%arg9 : memref<2048xf32, #tpu.memory_space<vmem>>) dst(%dma_wait3A_566 : memref<2048xf32, #tpu.memory_space<vmem_shared>>)
      %dma_wait3A_567 = tpu.memref_slice %arg11[%add3A_337] : memref<1310736xf32, #tpu.memory_space<vmem_shared>> -> memref<2048xf32, #tpu.memory_space<vmem_shared>>
      %dma_wait3A_568 = tpu.memref_slice %arg11[%add3A_337] : memref<1310736xf32, #tpu.memory_space<vmem_shared>> -> memref<2048xf32, #tpu.memory_space<vmem_shared>>
      tpu.wait_dma2 semaphore(%arg12 : memref<!tpu.dma_semaphore, #tpu.memory_space<semaphore_mem>>) src(%arg9 : memref<2048xf32, #tpu.memory_space<vmem>>) dst(%dma_wait3A_568 : memref<2048xf32, #tpu.memory_space<vmem_shared>>)
      %dma_wait3A_569 = tpu.memref_slice %arg11[%add3A_343] : memref<1310736xf32, #tpu.memory_space<vmem_shared>> -> memref<2048xf32, #tpu.memory_space<vmem_shared>>
      %dma_wait3A_570 = tpu.memref_slice %arg11[%add3A_343] : memref<1310736xf32, #tpu.memory_space<vmem_shared>> -> memref<2048xf32, #tpu.memory_space<vmem_shared>>
      tpu.wait_dma2 semaphore(%arg12 : memref<!tpu.dma_semaphore, #tpu.memory_space<semaphore_mem>>) src(%arg9 : memref<2048xf32, #tpu.memory_space<vmem>>) dst(%dma_wait3A_570 : memref<2048xf32, #tpu.memory_space<vmem_shared>>)
      %dma_wait3A_571 = tpu.memref_slice %arg11[%add3A_349] : memref<1310736xf32, #tpu.memory_space<vmem_shared>> -> memref<2048xf32, #tpu.memory_space<vmem_shared>>
      %dma_wait3A_572 = tpu.memref_slice %arg11[%add3A_349] : memref<1310736xf32, #tpu.memory_space<vmem_shared>> -> memref<2048xf32, #tpu.memory_space<vmem_shared>>
      tpu.wait_dma2 semaphore(%arg12 : memref<!tpu.dma_semaphore, #tpu.memory_space<semaphore_mem>>) src(%arg9 : memref<2048xf32, #tpu.memory_space<vmem>>) dst(%dma_wait3A_572 : memref<2048xf32, #tpu.memory_space<vmem_shared>>)
      %dma_wait3A_573 = tpu.memref_slice %arg11[%add3A_355] : memref<1310736xf32, #tpu.memory_space<vmem_shared>> -> memref<2048xf32, #tpu.memory_space<vmem_shared>>
      %dma_wait3A_574 = tpu.memref_slice %arg11[%add3A_355] : memref<1310736xf32, #tpu.memory_space<vmem_shared>> -> memref<2048xf32, #tpu.memory_space<vmem_shared>>
      tpu.wait_dma2 semaphore(%arg12 : memref<!tpu.dma_semaphore, #tpu.memory_space<semaphore_mem>>) src(%arg9 : memref<2048xf32, #tpu.memory_space<vmem>>) dst(%dma_wait3A_574 : memref<2048xf32, #tpu.memory_space<vmem_shared>>)
      %dma_wait3A_575 = tpu.memref_slice %arg11[%add3A_361] : memref<1310736xf32, #tpu.memory_space<vmem_shared>> -> memref<2048xf32, #tpu.memory_space<vmem_shared>>
      %dma_wait3A_576 = tpu.memref_slice %arg11[%add3A_361] : memref<1310736xf32, #tpu.memory_space<vmem_shared>> -> memref<2048xf32, #tpu.memory_space<vmem_shared>>
      tpu.wait_dma2 semaphore(%arg12 : memref<!tpu.dma_semaphore, #tpu.memory_space<semaphore_mem>>) src(%arg9 : memref<2048xf32, #tpu.memory_space<vmem>>) dst(%dma_wait3A_576 : memref<2048xf32, #tpu.memory_space<vmem_shared>>)
      %dma_wait3A_577 = tpu.memref_slice %arg11[%add3A_367] : memref<1310736xf32, #tpu.memory_space<vmem_shared>> -> memref<2048xf32, #tpu.memory_space<vmem_shared>>
      %dma_wait3A_578 = tpu.memref_slice %arg11[%add3A_367] : memref<1310736xf32, #tpu.memory_space<vmem_shared>> -> memref<2048xf32, #tpu.memory_space<vmem_shared>>
      tpu.wait_dma2 semaphore(%arg12 : memref<!tpu.dma_semaphore, #tpu.memory_space<semaphore_mem>>) src(%arg9 : memref<2048xf32, #tpu.memory_space<vmem>>) dst(%dma_wait3A_578 : memref<2048xf32, #tpu.memory_space<vmem_shared>>)
      %dma_wait3A_579 = tpu.memref_slice %arg11[%add3A_373] : memref<1310736xf32, #tpu.memory_space<vmem_shared>> -> memref<2048xf32, #tpu.memory_space<vmem_shared>>
      %dma_wait3A_580 = tpu.memref_slice %arg11[%add3A_373] : memref<1310736xf32, #tpu.memory_space<vmem_shared>> -> memref<2048xf32, #tpu.memory_space<vmem_shared>>
      tpu.wait_dma2 semaphore(%arg12 : memref<!tpu.dma_semaphore, #tpu.memory_space<semaphore_mem>>) src(%arg9 : memref<2048xf32, #tpu.memory_space<vmem>>) dst(%dma_wait3A_580 : memref<2048xf32, #tpu.memory_space<vmem_shared>>)
      %dma_wait3A_581 = tpu.memref_slice %arg11[%add3A_379] : memref<1310736xf32, #tpu.memory_space<vmem_shared>> -> memref<2048xf32, #tpu.memory_space<vmem_shared>>
      %dma_wait3A_582 = tpu.memref_slice %arg11[%add3A_379] : memref<1310736xf32, #tpu.memory_space<vmem_shared>> -> memref<2048xf32, #tpu.memory_space<vmem_shared>>
      tpu.wait_dma2 semaphore(%arg12 : memref<!tpu.dma_semaphore, #tpu.memory_space<semaphore_mem>>) src(%arg9 : memref<2048xf32, #tpu.memory_space<vmem>>) dst(%dma_wait3A_582 : memref<2048xf32, #tpu.memory_space<vmem_shared>>)
      %dma_wait3A_583 = tpu.memref_slice %arg11[%add3A_385] : memref<1310736xf32, #tpu.memory_space<vmem_shared>> -> memref<2048xf32, #tpu.memory_space<vmem_shared>>
      %dma_wait3A_584 = tpu.memref_slice %arg11[%add3A_385] : memref<1310736xf32, #tpu.memory_space<vmem_shared>> -> memref<2048xf32, #tpu.memory_space<vmem_shared>>
      tpu.wait_dma2 semaphore(%arg12 : memref<!tpu.dma_semaphore, #tpu.memory_space<semaphore_mem>>) src(%arg9 : memref<2048xf32, #tpu.memory_space<vmem>>) dst(%dma_wait3A_584 : memref<2048xf32, #tpu.memory_space<vmem_shared>>)
      %dma_wait3A_585 = tpu.memref_slice %arg11[%add3A_391] : memref<1310736xf32, #tpu.memory_space<vmem_shared>> -> memref<2048xf32, #tpu.memory_space<vmem_shared>>
      %dma_wait3A_586 = tpu.memref_slice %arg11[%add3A_391] : memref<1310736xf32, #tpu.memory_space<vmem_shared>> -> memref<2048xf32, #tpu.memory_space<vmem_shared>>
      tpu.wait_dma2 semaphore(%arg12 : memref<!tpu.dma_semaphore, #tpu.memory_space<semaphore_mem>>) src(%arg9 : memref<2048xf32, #tpu.memory_space<vmem>>) dst(%dma_wait3A_586 : memref<2048xf32, #tpu.memory_space<vmem_shared>>)
      %dma_wait3A_587 = tpu.memref_slice %arg11[%add3A_397] : memref<1310736xf32, #tpu.memory_space<vmem_shared>> -> memref<2048xf32, #tpu.memory_space<vmem_shared>>
      %dma_wait3A_588 = tpu.memref_slice %arg11[%add3A_397] : memref<1310736xf32, #tpu.memory_space<vmem_shared>> -> memref<2048xf32, #tpu.memory_space<vmem_shared>>
      tpu.wait_dma2 semaphore(%arg12 : memref<!tpu.dma_semaphore, #tpu.memory_space<semaphore_mem>>) src(%arg9 : memref<2048xf32, #tpu.memory_space<vmem>>) dst(%dma_wait3A_588 : memref<2048xf32, #tpu.memory_space<vmem_shared>>)
      %dma_wait3A_589 = tpu.memref_slice %arg11[%add3A_403] : memref<1310736xf32, #tpu.memory_space<vmem_shared>> -> memref<2048xf32, #tpu.memory_space<vmem_shared>>
      %dma_wait3A_590 = tpu.memref_slice %arg11[%add3A_403] : memref<1310736xf32, #tpu.memory_space<vmem_shared>> -> memref<2048xf32, #tpu.memory_space<vmem_shared>>
      tpu.wait_dma2 semaphore(%arg12 : memref<!tpu.dma_semaphore, #tpu.memory_space<semaphore_mem>>) src(%arg9 : memref<2048xf32, #tpu.memory_space<vmem>>) dst(%dma_wait3A_590 : memref<2048xf32, #tpu.memory_space<vmem_shared>>)
      %dma_wait3A_591 = tpu.memref_slice %arg11[%add3A_409] : memref<1310736xf32, #tpu.memory_space<vmem_shared>> -> memref<2048xf32, #tpu.memory_space<vmem_shared>>
      %dma_wait3A_592 = tpu.memref_slice %arg11[%add3A_409] : memref<1310736xf32, #tpu.memory_space<vmem_shared>> -> memref<2048xf32, #tpu.memory_space<vmem_shared>>
      tpu.wait_dma2 semaphore(%arg12 : memref<!tpu.dma_semaphore, #tpu.memory_space<semaphore_mem>>) src(%arg9 : memref<2048xf32, #tpu.memory_space<vmem>>) dst(%dma_wait3A_592 : memref<2048xf32, #tpu.memory_space<vmem_shared>>)
      %dma_wait3A_593 = tpu.memref_slice %arg11[%add3A_415] : memref<1310736xf32, #tpu.memory_space<vmem_shared>> -> memref<2048xf32, #tpu.memory_space<vmem_shared>>
      %dma_wait3A_594 = tpu.memref_slice %arg11[%add3A_415] : memref<1310736xf32, #tpu.memory_space<vmem_shared>> -> memref<2048xf32, #tpu.memory_space<vmem_shared>>
      tpu.wait_dma2 semaphore(%arg12 : memref<!tpu.dma_semaphore, #tpu.memory_space<semaphore_mem>>) src(%arg9 : memref<2048xf32, #tpu.memory_space<vmem>>) dst(%dma_wait3A_594 : memref<2048xf32, #tpu.memory_space<vmem_shared>>)
      %dma_wait3A_595 = tpu.memref_slice %arg11[%add3A_421] : memref<1310736xf32, #tpu.memory_space<vmem_shared>> -> memref<2048xf32, #tpu.memory_space<vmem_shared>>
      %dma_wait3A_596 = tpu.memref_slice %arg11[%add3A_421] : memref<1310736xf32, #tpu.memory_space<vmem_shared>> -> memref<2048xf32, #tpu.memory_space<vmem_shared>>
      tpu.wait_dma2 semaphore(%arg12 : memref<!tpu.dma_semaphore, #tpu.memory_space<semaphore_mem>>) src(%arg9 : memref<2048xf32, #tpu.memory_space<vmem>>) dst(%dma_wait3A_596 : memref<2048xf32, #tpu.memory_space<vmem_shared>>)
      %dma_wait3A_597 = tpu.memref_slice %arg11[%add3A_427] : memref<1310736xf32, #tpu.memory_space<vmem_shared>> -> memref<2048xf32, #tpu.memory_space<vmem_shared>>
      %dma_wait3A_598 = tpu.memref_slice %arg11[%add3A_427] : memref<1310736xf32, #tpu.memory_space<vmem_shared>> -> memref<2048xf32, #tpu.memory_space<vmem_shared>>
      tpu.wait_dma2 semaphore(%arg12 : memref<!tpu.dma_semaphore, #tpu.memory_space<semaphore_mem>>) src(%arg9 : memref<2048xf32, #tpu.memory_space<vmem>>) dst(%dma_wait3A_598 : memref<2048xf32, #tpu.memory_space<vmem_shared>>)
      %dma_wait3A_599 = tpu.memref_slice %arg11[%add3A_433] : memref<1310736xf32, #tpu.memory_space<vmem_shared>> -> memref<2048xf32, #tpu.memory_space<vmem_shared>>
      %dma_wait3A_600 = tpu.memref_slice %arg11[%add3A_433] : memref<1310736xf32, #tpu.memory_space<vmem_shared>> -> memref<2048xf32, #tpu.memory_space<vmem_shared>>
      tpu.wait_dma2 semaphore(%arg12 : memref<!tpu.dma_semaphore, #tpu.memory_space<semaphore_mem>>) src(%arg9 : memref<2048xf32, #tpu.memory_space<vmem>>) dst(%dma_wait3A_600 : memref<2048xf32, #tpu.memory_space<vmem_shared>>)
      %dma_wait3A_601 = tpu.memref_slice %arg11[%add3A_439] : memref<1310736xf32, #tpu.memory_space<vmem_shared>> -> memref<2048xf32, #tpu.memory_space<vmem_shared>>
      %dma_wait3A_602 = tpu.memref_slice %arg11[%add3A_439] : memref<1310736xf32, #tpu.memory_space<vmem_shared>> -> memref<2048xf32, #tpu.memory_space<vmem_shared>>
      tpu.wait_dma2 semaphore(%arg12 : memref<!tpu.dma_semaphore, #tpu.memory_space<semaphore_mem>>) src(%arg9 : memref<2048xf32, #tpu.memory_space<vmem>>) dst(%dma_wait3A_602 : memref<2048xf32, #tpu.memory_space<vmem_shared>>)
      %dma_wait3A_603 = tpu.memref_slice %arg11[%add3A_445] : memref<1310736xf32, #tpu.memory_space<vmem_shared>> -> memref<2048xf32, #tpu.memory_space<vmem_shared>>
      %dma_wait3A_604 = tpu.memref_slice %arg11[%add3A_445] : memref<1310736xf32, #tpu.memory_space<vmem_shared>> -> memref<2048xf32, #tpu.memory_space<vmem_shared>>
      tpu.wait_dma2 semaphore(%arg12 : memref<!tpu.dma_semaphore, #tpu.memory_space<semaphore_mem>>) src(%arg9 : memref<2048xf32, #tpu.memory_space<vmem>>) dst(%dma_wait3A_604 : memref<2048xf32, #tpu.memory_space<vmem_shared>>)
      %dma_wait3A_605 = tpu.memref_slice %arg11[%add3A_451] : memref<1310736xf32, #tpu.memory_space<vmem_shared>> -> memref<2048xf32, #tpu.memory_space<vmem_shared>>
      %dma_wait3A_606 = tpu.memref_slice %arg11[%add3A_451] : memref<1310736xf32, #tpu.memory_space<vmem_shared>> -> memref<2048xf32, #tpu.memory_space<vmem_shared>>
      tpu.wait_dma2 semaphore(%arg12 : memref<!tpu.dma_semaphore, #tpu.memory_space<semaphore_mem>>) src(%arg9 : memref<2048xf32, #tpu.memory_space<vmem>>) dst(%dma_wait3A_606 : memref<2048xf32, #tpu.memory_space<vmem_shared>>)
      %dma_wait3A_607 = tpu.memref_slice %arg11[%add3A_457] : memref<1310736xf32, #tpu.memory_space<vmem_shared>> -> memref<2048xf32, #tpu.memory_space<vmem_shared>>
      %dma_wait3A_608 = tpu.memref_slice %arg11[%add3A_457] : memref<1310736xf32, #tpu.memory_space<vmem_shared>> -> memref<2048xf32, #tpu.memory_space<vmem_shared>>
      tpu.wait_dma2 semaphore(%arg12 : memref<!tpu.dma_semaphore, #tpu.memory_space<semaphore_mem>>) src(%arg9 : memref<2048xf32, #tpu.memory_space<vmem>>) dst(%dma_wait3A_608 : memref<2048xf32, #tpu.memory_space<vmem_shared>>)
      %dma_wait3A_609 = tpu.memref_slice %arg11[%add3A_463] : memref<1310736xf32, #tpu.memory_space<vmem_shared>> -> memref<2048xf32, #tpu.memory_space<vmem_shared>>
      %dma_wait3A_610 = tpu.memref_slice %arg11[%add3A_463] : memref<1310736xf32, #tpu.memory_space<vmem_shared>> -> memref<2048xf32, #tpu.memory_space<vmem_shared>>
      tpu.wait_dma2 semaphore(%arg12 : memref<!tpu.dma_semaphore, #tpu.memory_space<semaphore_mem>>) src(%arg9 : memref<2048xf32, #tpu.memory_space<vmem>>) dst(%dma_wait3A_610 : memref<2048xf32, #tpu.memory_space<vmem_shared>>)
      %dma_wait3A_611 = tpu.memref_slice %arg11[%add3A_469] : memref<1310736xf32, #tpu.memory_space<vmem_shared>> -> memref<2048xf32, #tpu.memory_space<vmem_shared>>
      %dma_wait3A_612 = tpu.memref_slice %arg11[%add3A_469] : memref<1310736xf32, #tpu.memory_space<vmem_shared>> -> memref<2048xf32, #tpu.memory_space<vmem_shared>>
      tpu.wait_dma2 semaphore(%arg12 : memref<!tpu.dma_semaphore, #tpu.memory_space<semaphore_mem>>) src(%arg9 : memref<2048xf32, #tpu.memory_space<vmem>>) dst(%dma_wait3A_612 : memref<2048xf32, #tpu.memory_space<vmem_shared>>)
      %barrier3A = arith.constant 0 : index
      tpu.barrier barrier_id(%barrier3A)
      %while3A_613 = arith.constant 0 : i32
      %while3A_614 = arith.constant 0 : i32
      %while3A_615 = arith.subi %div3A_532, %while3A_614 : i32
      %while3A_616 = arith.addi %while3A_614, %while3A_615 : i32
      %while3A_617 = arith.constant 1 : i32
      %while3A_618 = arith.divsi %while3A_615, %while3A_617 : i32
      %while3A_619 = arith.muli %while3A_618, %while3A_617 : i32
      %while3A_620 = arith.addi %while3A_614, %while3A_619 : i32
      %while3A_621 = arith.constant 1 : i32
      scf.for %while3A_639 = %while3A_614 to %while3A_620 step %while3A_621  : i32 {
        %dma_start3A_640 = arith.constant 0 : i32
        %dma_start3A_641 = tpu.memref_slice %arg8[%while3A_639, %dma_start3A_640] : memref<161x128xi32, #tpu.memory_space<vmem>> -> memref<1x128xi32, #tpu.memory_space<vmem>>
        %dma_start3A_642 = tpu.memref_squeeze %dma_start3A_641 : memref<1x128xi32, #tpu.memory_space<vmem>> -> memref<128xi32, #tpu.memory_space<vmem>>
        %dma_start3A_643 = arith.constant 0 : i32
        %dma_start3A_644 = tpu.memref_slice %arg11[%dma_start3A_643] : memref<1310736xf32, #tpu.memory_space<vmem_shared>> -> memref<1310736xf32, #tpu.memory_space<vmem_shared>>
        tpu.enqueue_indirect_dma source(%arg10 : memref<128xf32, #tpu.memory_space<vmem>>) target(%dma_start3A_644 : memref<1310736xf32, #tpu.memory_space<vmem_shared>>) offsets(%dma_start3A_642 : memref<128xi32, #tpu.memory_space<vmem>>) semaphore(%arg12 : memref<!tpu.dma_semaphore, #tpu.memory_space<semaphore_mem>>) {add = true}
        %dma_wait3A_645 = arith.constant 0 : i32
        %dma_wait3A_646 = tpu.memref_slice %arg8[%while3A_639, %dma_wait3A_645] : memref<161x128xi32, #tpu.memory_space<vmem>> -> memref<1x128xi32, #tpu.memory_space<vmem>>
        %dma_wait3A_647 = tpu.memref_squeeze %dma_wait3A_646 : memref<1x128xi32, #tpu.memory_space<vmem>> -> memref<128xi32, #tpu.memory_space<vmem>>
        %dma_wait3A_648 = arith.constant 0 : i32
        %dma_wait3A_649 = tpu.memref_slice %arg11[%dma_wait3A_648] : memref<1310736xf32, #tpu.memory_space<vmem_shared>> -> memref<1310736xf32, #tpu.memory_space<vmem_shared>>
        tpu.wait_indirect_dma semaphore(%arg12 : memref<!tpu.dma_semaphore, #tpu.memory_space<semaphore_mem>>) src(%arg10 : memref<128xf32, #tpu.memory_space<vmem>>) dst(%dma_wait3A_649 : memref<1310736xf32, #tpu.memory_space<vmem_shared>>)
      }
      %while3A_622 = arith.constant 1 : i32
      scf.for %while3A_639 = %while3A_620 to %while3A_616 step %while3A_622  : i32 {
        %dma_start3A_640 = arith.constant 0 : i32
        %dma_start3A_641 = tpu.memref_slice %arg8[%while3A_639, %dma_start3A_640] : memref<161x128xi32, #tpu.memory_space<vmem>> -> memref<1x128xi32, #tpu.memory_space<vmem>>
        %dma_start3A_642 = tpu.memref_squeeze %dma_start3A_641 : memref<1x128xi32, #tpu.memory_space<vmem>> -> memref<128xi32, #tpu.memory_space<vmem>>
        %dma_start3A_643 = arith.constant 0 : i32
        %dma_start3A_644 = tpu.memref_slice %arg11[%dma_start3A_643] : memref<1310736xf32, #tpu.memory_space<vmem_shared>> -> memref<1310736xf32, #tpu.memory_space<vmem_shared>>
        tpu.enqueue_indirect_dma source(%arg10 : memref<128xf32, #tpu.memory_space<vmem>>) target(%dma_start3A_644 : memref<1310736xf32, #tpu.memory_space<vmem_shared>>) offsets(%dma_start3A_642 : memref<128xi32, #tpu.memory_space<vmem>>) semaphore(%arg12 : memref<!tpu.dma_semaphore, #tpu.memory_space<semaphore_mem>>) {add = true}
        %dma_wait3A_645 = arith.constant 0 : i32
        %dma_wait3A_646 = tpu.memref_slice %arg8[%while3A_639, %dma_wait3A_645] : memref<161x128xi32, #tpu.memory_space<vmem>> -> memref<1x128xi32, #tpu.memory_space<vmem>>
        %dma_wait3A_647 = tpu.memref_squeeze %dma_wait3A_646 : memref<1x128xi32, #tpu.memory_space<vmem>> -> memref<128xi32, #tpu.memory_space<vmem>>
        %dma_wait3A_648 = arith.constant 0 : i32
        %dma_wait3A_649 = tpu.memref_slice %arg11[%dma_wait3A_648] : memref<1310736xf32, #tpu.memory_space<vmem_shared>> -> memref<1310736xf32, #tpu.memory_space<vmem_shared>>
        tpu.wait_indirect_dma semaphore(%arg12 : memref<!tpu.dma_semaphore, #tpu.memory_space<semaphore_mem>>) src(%arg10 : memref<128xf32, #tpu.memory_space<vmem>>) dst(%dma_wait3A_649 : memref<1310736xf32, #tpu.memory_space<vmem_shared>>)
      }
      %barrier3A_623 = arith.constant 0 : index
      tpu.barrier barrier_id(%barrier3A_623)
      %mul3A_624 = arith.constant 81920 : i32
      %mul3A_625 = arith.muli %arg1, %mul3A_624 : i32
      %add3A_626 = arith.addi %mul3A_228, %mul3A_625 : i32
      %dma_start3A_627 = tpu.memref_slice %arg3[%add3A_626] : memref<104857600xf32, #tpu.memory_space<hbm>> -> memref<81920xf32, #tpu.memory_space<hbm>>
      %dma_start3A_628 = tpu.memref_slice %arg11[%mul3A_209] : memref<1310736xf32, #tpu.memory_space<vmem_shared>> -> memref<81920xf32, #tpu.memory_space<vmem_shared>>
      tpu.enqueue_dma source(%dma_start3A_628 : memref<81920xf32, #tpu.memory_space<vmem_shared>>) target(%dma_start3A_627 : memref<81920xf32, #tpu.memory_space<hbm>>) target_semaphore(%arg13 : memref<!tpu.dma_semaphore, #tpu.memory_space<semaphore_mem>>)
      %while3A_629 = arith.constant 0 : i32
      %while3A_630 = arith.constant 0 : i32
      %while3A_631 = arith.subi %div3A_532, %while3A_630 : i32
      %while3A_632 = arith.addi %while3A_630, %while3A_631 : i32
      %while3A_633 = arith.constant 1 : i32
      %while3A_634 = arith.divsi %while3A_631, %while3A_633 : i32
      %while3A_635 = arith.muli %while3A_634, %while3A_633 : i32
      %while3A_636 = arith.addi %while3A_630, %while3A_635 : i32
      %while3A_637 = arith.constant 1 : i32
      scf.for %while3A_639 = %while3A_630 to %while3A_636 step %while3A_637  : i32 {
        %swap3A_640 = arith.index_cast %while3A_639 : i32 to index
        %swap3A_641 = arith.constant 0 : index
        %swap3A_642 = tpu.vector_load %arg8[%swap3A_640, %swap3A_641] {strides = array<i32>} : memref<161x128xi32, #tpu.memory_space<vmem>>, vector<16xi32>,
        tpu.vector_store %arg8[%swap3A_640, %swap3A_641], %broadcast_in_dim3A_201 {strides = array<i32>} : memref<161x128xi32, #tpu.memory_space<vmem>>, vector<16xi32>,
        %swap3A_643 = arith.index_cast %while3A_639 : i32 to index
        %swap3A_644 = arith.constant 16 : index
        %swap3A_645 = tpu.vector_load %arg8[%swap3A_643, %swap3A_644] {strides = array<i32>} : memref<161x128xi32, #tpu.memory_space<vmem>>, vector<16xi32>,
        tpu.vector_store %arg8[%swap3A_643, %swap3A_644], %broadcast_in_dim3A_201 {strides = array<i32>} : memref<161x128xi32, #tpu.memory_space<vmem>>, vector<16xi32>,
        %swap3A_646 = arith.index_cast %while3A_639 : i32 to index
        %swap3A_647 = arith.constant 32 : index
        %swap3A_648 = tpu.vector_load %arg8[%swap3A_646, %swap3A_647] {strides = array<i32>} : memref<161x128xi32, #tpu.memory_space<vmem>>, vector<16xi32>,
        tpu.vector_store %arg8[%swap3A_646, %swap3A_647], %broadcast_in_dim3A_201 {strides = array<i32>} : memref<161x128xi32, #tpu.memory_space<vmem>>, vector<16xi32>,
        %swap3A_649 = arith.index_cast %while3A_639 : i32 to index
        %swap3A_650 = arith.constant 48 : index
        %swap3A_651 = tpu.vector_load %arg8[%swap3A_649, %swap3A_650] {strides = array<i32>} : memref<161x128xi32, #tpu.memory_space<vmem>>, vector<16xi32>,
        tpu.vector_store %arg8[%swap3A_649, %swap3A_650], %broadcast_in_dim3A_201 {strides = array<i32>} : memref<161x128xi32, #tpu.memory_space<vmem>>, vector<16xi32>,
        %swap3A_652 = arith.index_cast %while3A_639 : i32 to index
        %swap3A_653 = arith.constant 64 : index
        %swap3A_654 = tpu.vector_load %arg8[%swap3A_652, %swap3A_653] {strides = array<i32>} : memref<161x128xi32, #tpu.memory_space<vmem>>, vector<16xi32>,
        tpu.vector_store %arg8[%swap3A_652, %swap3A_653], %broadcast_in_dim3A_201 {strides = array<i32>} : memref<161x128xi32, #tpu.memory_space<vmem>>, vector<16xi32>,
        %swap3A_655 = arith.index_cast %while3A_639 : i32 to index
        %swap3A_656 = arith.constant 80 : index
        %swap3A_657 = tpu.vector_load %arg8[%swap3A_655, %swap3A_656] {strides = array<i32>} : memref<161x128xi32, #tpu.memory_space<vmem>>, vector<16xi32>,
        tpu.vector_store %arg8[%swap3A_655, %swap3A_656], %broadcast_in_dim3A_201 {strides = array<i32>} : memref<161x128xi32, #tpu.memory_space<vmem>>, vector<16xi32>,
        %swap3A_658 = arith.index_cast %while3A_639 : i32 to index
        %swap3A_659 = arith.constant 96 : index
        %swap3A_660 = tpu.vector_load %arg8[%swap3A_658, %swap3A_659] {strides = array<i32>} : memref<161x128xi32, #tpu.memory_space<vmem>>, vector<16xi32>,
        tpu.vector_store %arg8[%swap3A_658, %swap3A_659], %broadcast_in_dim3A_201 {strides = array<i32>} : memref<161x128xi32, #tpu.memory_space<vmem>>, vector<16xi32>,
        %swap3A_661 = arith.index_cast %while3A_639 : i32 to index
        %swap3A_662 = arith.constant 112 : index
        %swap3A_663 = tpu.vector_load %arg8[%swap3A_661, %swap3A_662] {strides = array<i32>} : memref<161x128xi32, #tpu.memory_space<vmem>>, vector<16xi32>,
        tpu.vector_store %arg8[%swap3A_661, %swap3A_662], %broadcast_in_dim3A_201 {strides = array<i32>} : memref<161x128xi32, #tpu.memory_space<vmem>>, vector<16xi32>,
      }
      %while3A_638 = arith.constant 1 : i32
      scf.for %while3A_639 = %while3A_636 to %while3A_632 step %while3A_638  : i32 {
        %swap3A_640 = arith.index_cast %while3A_639 : i32 to index
        %swap3A_641 = arith.constant 0 : index
        %swap3A_642 = tpu.vector_load %arg8[%swap3A_640, %swap3A_641] {strides = array<i32>} : memref<161x128xi32, #tpu.memory_space<vmem>>, vector<16xi32>,
        tpu.vector_store %arg8[%swap3A_640, %swap3A_641], %broadcast_in_dim3A_201 {strides = array<i32>} : memref<161x128xi32, #tpu.memory_space<vmem>>, vector<16xi32>,
        %swap3A_643 = arith.index_cast %while3A_639 : i32 to index
        %swap3A_644 = arith.constant 16 : index
        %swap3A_645 = tpu.vector_load %arg8[%swap3A_643, %swap3A_644] {strides = array<i32>} : memref<161x128xi32, #tpu.memory_space<vmem>>, vector<16xi32>,
        tpu.vector_store %arg8[%swap3A_643, %swap3A_644], %broadcast_in_dim3A_201 {strides = array<i32>} : memref<161x128xi32, #tpu.memory_space<vmem>>, vector<16xi32>,
        %swap3A_646 = arith.index_cast %while3A_639 : i32 to index
        %swap3A_647 = arith.constant 32 : index
        %swap3A_648 = tpu.vector_load %arg8[%swap3A_646, %swap3A_647] {strides = array<i32>} : memref<161x128xi32, #tpu.memory_space<vmem>>, vector<16xi32>,
        tpu.vector_store %arg8[%swap3A_646, %swap3A_647], %broadcast_in_dim3A_201 {strides = array<i32>} : memref<161x128xi32, #tpu.memory_space<vmem>>, vector<16xi32>,
        %swap3A_649 = arith.index_cast %while3A_639 : i32 to index
        %swap3A_650 = arith.constant 48 : index
        %swap3A_651 = tpu.vector_load %arg8[%swap3A_649, %swap3A_650] {strides = array<i32>} : memref<161x128xi32, #tpu.memory_space<vmem>>, vector<16xi32>,
        tpu.vector_store %arg8[%swap3A_649, %swap3A_650], %broadcast_in_dim3A_201 {strides = array<i32>} : memref<161x128xi32, #tpu.memory_space<vmem>>, vector<16xi32>,
        %swap3A_652 = arith.index_cast %while3A_639 : i32 to index
        %swap3A_653 = arith.constant 64 : index
        %swap3A_654 = tpu.vector_load %arg8[%swap3A_652, %swap3A_653] {strides = array<i32>} : memref<161x128xi32, #tpu.memory_space<vmem>>, vector<16xi32>,
        tpu.vector_store %arg8[%swap3A_652, %swap3A_653], %broadcast_in_dim3A_201 {strides = array<i32>} : memref<161x128xi32, #tpu.memory_space<vmem>>, vector<16xi32>,
        %swap3A_655 = arith.index_cast %while3A_639 : i32 to index
        %swap3A_656 = arith.constant 80 : index
        %swap3A_657 = tpu.vector_load %arg8[%swap3A_655, %swap3A_656] {strides = array<i32>} : memref<161x128xi32, #tpu.memory_space<vmem>>, vector<16xi32>,
        tpu.vector_store %arg8[%swap3A_655, %swap3A_656], %broadcast_in_dim3A_201 {strides = array<i32>} : memref<161x128xi32, #tpu.memory_space<vmem>>, vector<16xi32>,
        %swap3A_658 = arith.index_cast %while3A_639 : i32 to index
        %swap3A_659 = arith.constant 96 : index
        %swap3A_660 = tpu.vector_load %arg8[%swap3A_658, %swap3A_659] {strides = array<i32>} : memref<161x128xi32, #tpu.memory_space<vmem>>, vector<16xi32>,
        tpu.vector_store %arg8[%swap3A_658, %swap3A_659], %broadcast_in_dim3A_201 {strides = array<i32>} : memref<161x128xi32, #tpu.memory_space<vmem>>, vector<16xi32>,
        %swap3A_661 = arith.index_cast %while3A_639 : i32 to index
        %swap3A_662 = arith.constant 112 : index
        %swap3A_663 = tpu.vector_load %arg8[%swap3A_661, %swap3A_662] {strides = array<i32>} : memref<161x128xi32, #tpu.memory_space<vmem>>, vector<16xi32>,
        tpu.vector_store %arg8[%swap3A_661, %swap3A_662], %broadcast_in_dim3A_201 {strides = array<i32>} : memref<161x128xi32, #tpu.memory_space<vmem>>, vector<16xi32>,
      }
    }
    %scan3A_218 = arith.constant 40 : i32
    %dma_wait3A = tpu.memref_slice %arg11[%mul3A_209] : memref<1310736xf32, #tpu.memory_space<vmem_shared>> -> memref<81920xf32, #tpu.memory_space<vmem_shared>>
    %dma_wait3A_219 = arith.constant 0 : i32
    %dma_wait3A_220 = tpu.memref_slice %arg3[%dma_wait3A_219] : memref<104857600xf32, #tpu.memory_space<hbm>> -> memref<81920xf32, #tpu.memory_space<hbm>>
    tpu.wait_dma2 semaphore(%arg13 : memref<!tpu.dma_semaphore, #tpu.memory_space<semaphore_mem>>) src(%dma_wait3A_220 : memref<81920xf32, #tpu.memory_space<hbm>>) dst(%dma_wait3A : memref<81920xf32, #tpu.memory_space<vmem_shared>>)
    return
  }
}

module attributes {stable_mosaic.version = 14 : i64} {
  func.func @_mm1_body(%arg0: i32, %arg1: memref<256x10240xf32, #tpu.memory_space<vmem>>, %arg2: memref<10240x256xbf16, #tpu.memory_space<vmem>>, %arg3: memref<256x256xf32, #tpu.memory_space<vmem>>, %arg4: memref<256x256xf32, #tpu.memory_space<vmem>>, %arg5: memref<256x10240xbf16, #tpu.memory_space<vmem>>) attributes {dimension_semantics = [#tpu.dimension_semantics<arbitrary>], iteration_bounds = array<i64: 40>, scalar_prefetch = 0 : i64, scratch_operands = 0 : i64, tpu.core_type = #tpu.core_type<tc>, window_params = [{transform_indices = @transform_0, window_bounds = array<i64: 256, 10240>}, {pipeline_mode = #tpu.pipeline_mode<synchronous>, transform_indices = @transform_1, window_bounds = array<i64: 10240, 256>}, {transform_indices = @transform_2, window_bounds = array<i64: 256, 256>}, {transform_indices = @transform_3, window_bounds = array<i64: 256, 256>}, {transform_indices = @transform_4, window_bounds = array<i64: 256, 10240>}]} {
    %get3A = arith.constant 0 : index
    %get3A_0 = arith.constant 0 : index
    %get3A_1 = vector.load %arg1[%get3A, %get3A_0] : memref<256x10240xf32, #tpu.memory_space<vmem>>, vector<256x10240xf32>
    %min3A = arith.constant 1.000000e+00 : f32
    %min3A_2 = vector.broadcast %min3A : f32 to vector<256x10240xf32>
    %min3A_3 = arith.minimumf %get3A_1, %min3A_2 : vector<256x10240xf32>
    %convert_element_type3A = arith.truncf %min3A_3 : vector<256x10240xf32> to vector<256x10240xbf16>
    %swap3A = arith.constant 0 : index
    %swap3A_4 = arith.constant 0 : index
    %swap3A_5 = vector.load %arg5[%swap3A, %swap3A_4] : memref<256x10240xbf16, #tpu.memory_space<vmem>>, vector<256x10240xbf16>
    tpu.vector_store %arg5[%swap3A, %swap3A_4], %convert_element_type3A {strides = array<i32>} : memref<256x10240xbf16, #tpu.memory_space<vmem>>, vector<256x10240xbf16>,
    %get3A_6 = arith.constant 0 : index
    %get3A_7 = arith.constant 0 : index
    %get3A_8 = vector.load %arg3[%get3A_6, %get3A_7] : memref<256x256xf32, #tpu.memory_space<vmem>>, vector<256x256xf32>
    %get3A_9 = arith.constant 0 : index
    %get3A_10 = arith.constant 0 : index
    %get3A_11 = vector.load %arg2[%get3A_9, %get3A_10] : memref<10240x256xbf16, #tpu.memory_space<vmem>>, vector<10240x256xbf16>
    %dot_general3A = arith.constant dense<0.000000e+00> : vector<256x256xf32>
    %dot_general3A_12 = tpu.matmul %convert_element_type3A, %get3A_11, %dot_general3A {dimension_numbers = #tpu.dot_dimension_numbers<[1], [0], [0], [1], [0, 0, 1, 1], [], []>, transpose_lhs_hint = false} : vector<256x10240xbf16>, vector<10240x256xbf16>, vector<256x256xf32> -> vector<256x256xf32>
    %add3A = arith.addf %get3A_8, %dot_general3A_12 : vector<256x256xf32>
    %swap3A_13 = arith.constant 0 : index
    %swap3A_14 = arith.constant 0 : index
    %swap3A_15 = vector.load %arg4[%swap3A_13, %swap3A_14] : memref<256x256xf32, #tpu.memory_space<vmem>>, vector<256x256xf32>
    tpu.vector_store %arg4[%swap3A_13, %swap3A_14], %add3A {strides = array<i32>} : memref<256x256xf32, #tpu.memory_space<vmem>>, vector<256x256xf32>,
    return
  }
  func.func @transform_0(%arg0: i32) -> (i32, i32) {
    %c0_i32 = arith.constant 0 : i32
    %c0_i32_0 = arith.constant 0 : i32
    return %arg0, %c0_i32 : i32, i32
  }
  func.func @transform_1(%arg0: i32) -> (i32, i32) {
    %c0_i32 = arith.constant 0 : i32
    %c0_i32_0 = arith.constant 0 : i32
    %c0_i32_1 = arith.constant 0 : i32
    return %c0_i32, %c0_i32_0 : i32, i32
  }
  func.func @transform_2(%arg0: i32) -> (i32, i32) {
    %c0_i32 = arith.constant 0 : i32
    %c0_i32_0 = arith.constant 0 : i32
    return %arg0, %c0_i32 : i32, i32
  }
  func.func @transform_3(%arg0: i32) -> (i32, i32) {
    %c0_i32 = arith.constant 0 : i32
    %c0_i32_0 = arith.constant 0 : i32
    return %arg0, %c0_i32 : i32, i32
  }
  func.func @transform_4(%arg0: i32) -> (i32, i32) {
    %c0_i32 = arith.constant 0 : i32
    %c0_i32_0 = arith.constant 0 : i32
    return %arg0, %c0_i32 : i32, i32
  }
}

module attributes {stable_mosaic.version = 14 : i64} {
  func.func @_mm23_body(%arg0: i32, %arg1: i32, %arg2: memref<256x10240xbf16, #tpu.memory_space<vmem>>, %arg3: memref<10240x256xf32, #tpu.memory_space<vmem>>, %arg4: memref<256x256xf32, #tpu.memory_space<vmem>>, %arg5: memref<10240x256xf32, #tpu.memory_space<vmem>>, %arg6: memref<10240x256xbf16, #tpu.memory_space<vmem>>) attributes {dimension_semantics = [#tpu.dimension_semantics<arbitrary>, #tpu.dimension_semantics<arbitrary>], iteration_bounds = array<i64: 2, 40>, scalar_prefetch = 0 : i64, scratch_operands = 2 : i64, tpu.core_type = #tpu.core_type<tc>, window_params = [{transform_indices = @transform_0, window_bounds = array<i64: 256, 10240>}, {pipeline_mode = #tpu.pipeline_mode<synchronous>, transform_indices = @transform_1, window_bounds = array<i64: 10240, 256>}, {transform_indices = @transform_2, window_bounds = array<i64: 256, 256>}]} {
    %eq3A = arith.constant 0 : i32
    %eq3A_0 = arith.cmpi eq, %arg0, %eq3A : i32
    %eq3A_1 = arith.constant 0 : i32
    %eq3A_2 = arith.cmpi eq, %arg1, %eq3A_1 : i32
    %and3A = arith.andi %eq3A_0, %eq3A_2 : i1
    %convert_element_type3A = arith.extui %and3A : i1 to i32
    %cond3A = arith.constant 0 : i32
    %cond3A_3 = arith.cmpi ne, %convert_element_type3A, %cond3A : i32
    scf.if %cond3A_3 {
      %get3A_29 = arith.constant 0 : index
      %get3A_30 = arith.constant 0 : index
      %get3A_31 = vector.load %arg3[%get3A_29, %get3A_30] : memref<10240x256xf32, #tpu.memory_space<vmem>>, vector<10240x256xf32>
      %swap3A_32 = arith.constant 0 : index
      %swap3A_33 = arith.constant 0 : index
      %swap3A_34 = vector.load %arg5[%swap3A_32, %swap3A_33] : memref<10240x256xf32, #tpu.memory_space<vmem>>, vector<10240x256xf32>
      tpu.vector_store %arg5[%swap3A_32, %swap3A_33], %get3A_31 {strides = array<i32>} : memref<10240x256xf32, #tpu.memory_space<vmem>>, vector<10240x256xf32>,
      %get3A_35 = arith.constant 0 : index
      %get3A_36 = arith.constant 0 : index
      %get3A_37 = vector.load %arg3[%get3A_35, %get3A_36] : memref<10240x256xf32, #tpu.memory_space<vmem>>, vector<10240x256xf32>
      %convert_element_type3A_38 = arith.truncf %get3A_37 : vector<10240x256xf32> to vector<10240x256xbf16>
      %swap3A_39 = arith.constant 0 : index
      %swap3A_40 = arith.constant 0 : index
      %swap3A_41 = vector.load %arg6[%swap3A_39, %swap3A_40] : memref<10240x256xbf16, #tpu.memory_space<vmem>>, vector<10240x256xbf16>
      tpu.vector_store %arg6[%swap3A_39, %swap3A_40], %convert_element_type3A_38 {strides = array<i32>} : memref<10240x256xbf16, #tpu.memory_space<vmem>>, vector<10240x256xbf16>,
    } else {
    }
    %eq3A_4 = arith.constant 1 : i32
    %eq3A_5 = arith.cmpi eq, %arg0, %eq3A_4 : i32
    %eq3A_6 = arith.constant 0 : i32
    %eq3A_7 = arith.cmpi eq, %arg1, %eq3A_6 : i32
    %and3A_8 = arith.andi %eq3A_5, %eq3A_7 : i1
    %convert_element_type3A_9 = arith.extui %and3A_8 : i1 to i32
    %cond3A_10 = arith.constant 0 : i32
    %cond3A_11 = arith.cmpi ne, %convert_element_type3A_9, %cond3A_10 : i32
    scf.if %cond3A_11 {
      %get3A_29 = arith.constant 0 : index
      %get3A_30 = arith.constant 0 : index
      %get3A_31 = vector.load %arg5[%get3A_29, %get3A_30] : memref<10240x256xf32, #tpu.memory_space<vmem>>, vector<10240x256xf32>
      %convert_element_type3A_32 = arith.truncf %get3A_31 : vector<10240x256xf32> to vector<10240x256xbf16>
      %swap3A_33 = arith.constant 0 : index
      %swap3A_34 = arith.constant 0 : index
      %swap3A_35 = vector.load %arg6[%swap3A_33, %swap3A_34] : memref<10240x256xbf16, #tpu.memory_space<vmem>>, vector<10240x256xbf16>
      tpu.vector_store %arg6[%swap3A_33, %swap3A_34], %convert_element_type3A_32 {strides = array<i32>} : memref<10240x256xbf16, #tpu.memory_space<vmem>>, vector<10240x256xbf16>,
    } else {
    }
    %mul3A = arith.constant 256 : i32
    %mul3A_12 = arith.muli %arg1, %mul3A : i32
    %get3A = arith.index_cast %mul3A_12 : i32 to index
    %get3A_13 = arith.constant 0 : index
    %get3A_14 = vector.load %arg5[%get3A, %get3A_13] : memref<10240x256xf32, #tpu.memory_space<vmem>>, vector<256x256xf32>
    %get3A_15 = arith.constant 0 : index
    %get3A_16 = arith.constant 0 : index
    %get3A_17 = vector.load %arg2[%get3A_15, %get3A_16] : memref<256x10240xbf16, #tpu.memory_space<vmem>>, vector<256x10240xbf16>
    %get3A_18 = arith.constant 0 : index
    %get3A_19 = arith.constant 0 : index
    %get3A_20 = vector.load %arg6[%get3A_18, %get3A_19] : memref<10240x256xbf16, #tpu.memory_space<vmem>>, vector<10240x256xbf16>
    %dot_general3A = arith.constant dense<0.000000e+00> : vector<256x256xf32>
    %dot_general3A_21 = tpu.matmul %get3A_17, %get3A_20, %dot_general3A {dimension_numbers = #tpu.dot_dimension_numbers<[1], [0], [0], [1], [0, 0, 1, 1], [], []>, transpose_lhs_hint = false} : vector<256x10240xbf16>, vector<10240x256xbf16>, vector<256x256xf32> -> vector<256x256xf32>
    %add3A = arith.addf %get3A_14, %dot_general3A_21 : vector<256x256xf32>
    %mul3A_22 = arith.constant 256 : i32
    %mul3A_23 = arith.muli %arg1, %mul3A_22 : i32
    %swap3A = arith.index_cast %mul3A_23 : i32 to index
    %swap3A_24 = arith.constant 0 : index
    %swap3A_25 = vector.load %arg5[%swap3A, %swap3A_24] : memref<10240x256xf32, #tpu.memory_space<vmem>>, vector<256x256xf32>
    tpu.vector_store %arg5[%swap3A, %swap3A_24], %add3A {strides = array<i32>} : memref<10240x256xf32, #tpu.memory_space<vmem>>, vector<256x256xf32>,
    %swap3A_26 = arith.constant 0 : index
    %swap3A_27 = arith.constant 0 : index
    %swap3A_28 = vector.load %arg4[%swap3A_26, %swap3A_27] : memref<256x256xf32, #tpu.memory_space<vmem>>, vector<256x256xf32>
    tpu.vector_store %arg4[%swap3A_26, %swap3A_27], %add3A {strides = array<i32>} : memref<256x256xf32, #tpu.memory_space<vmem>>, vector<256x256xf32>,
    return
  }
  func.func @transform_0(%arg0: i32, %arg1: i32) -> (i32, i32) {
    %c0_i32 = arith.constant 0 : i32
    %c0_i32_0 = arith.constant 0 : i32
    return %arg1, %c0_i32 : i32, i32
  }
  func.func @transform_1(%arg0: i32, %arg1: i32) -> (i32, i32) {
    %c0_i32 = arith.constant 0 : i32
    %c0_i32_0 = arith.constant 0 : i32
    %c0_i32_1 = arith.constant 0 : i32
    return %c0_i32, %c0_i32_0 : i32, i32
  }
  func.func @transform_2(%arg0: i32, %arg1: i32) -> (i32, i32) {
    %c0_i32 = arith.constant 0 : i32
    %c0_i32_0 = arith.constant 0 : i32
    return %arg1, %c0_i32 : i32, i32
  }
}

</mosaic_0001>

<sc_bundles>
// kernel: kernel.5.cloned.1.call-start
scs
__scs_entry_jumppad:
0x0: {  	(pc) =	sbr.rel $0x88, $3  }
0x1: {  	(tag) =	ssettag $0x0;
	lr =	simm.s32 $0x1  }
0x2: {  	[smem:$0x3F9F] =	sst lr;
	_ =	strace $0xD0000000  }
0x3: {  	_ = 	snop  }
0x4: {  	_ = 	snop  }
0x5: {  	_ = 	snop  }
0x6: {  	_ = 	snop  }
0x7: {  	_ = 	snop  }
__scs_overlays_trampoline_lowered:
0x8: {  	[smem:$0x3FAE] =	sst s0  }
0x9: {  	[smem:$0x3FAF] =	sst s1  }
0xa: {  	[smem:$0x3FB0] =	sst s2  }
0xb: {  	[smem:$0x3FB1] =	sst s3  }
0xc: {  	[smem:$0x3FB2] =	sst s4  }
0xd: {  	[smem:$0x3FB3] =	sst s5  }
0xe: {  	[smem:$0x3FB4] =	sst s6  }
0xf: {  	[smem:$0x3FB5] =	sst s7  }
0x10: {  	[smem:$0x3FB6] =	sst s8  }
0x11: {  	[smem:$0x3FB7] =	sst s9;
	s0 =	simm.s32 @!p0 $0x0  }
0x12: {  	s1 =	sld [smem:$0x3F9D];
	s0 =	simm.s32 @p0 $0x1  }
0x13: {  	[smem:$0x3FB8] =	sst s0;
	s0 =	simm.s32 @!p1 $0x0  }
0x14: {  	s2 =	sld [smem:$0x3F9C];
	s0 =	simm.s32 @p1 $0x1  }
0x15: {  	[smem:$0x3FB9] =	sst s0;
	s0 =	simm.s32 @!p2 $0x0  }
0x16: {  	s3 =	sld [smem:$0x3FDB];
	s0 =	simm.s32 @p2 $0x1  }
0x17: {  	s4 =	simm.s32 $0x1BF5;
	[smem:$0x3FBB] =	sst s0  }
0x18: {  	s0 =	sld [smem:$0x3F9E];
	_ =	swait.ge [sflag:s4], $0x0  }
0x19: {  	s7 =	sld [smem:$0x3F9F]  }
0x1a: {  	s8 =	sadd.s32 $0xFFFFE003, lr  }
0x1b: {  	s9 =	sadd.s32 $0xFFFFFEF7, lr;
	s5 =	simm.s32 $0xFFFFFFFF;
	p2 =	slt.u32 s8, $0xFFFFF086  }
0x1c: {  	p1 =	slt.u32 s9, $0xF7A;
	s5 =	simm.s32 @!p2 $0x0  }
0x1d: {  	s5 =	simm.s32 @p1 $0x1;
	p0 =	seq.s32 s7, s2  }
0x1e: {  	s7 =	smul.u32 @!p0 $0xF7A, s2;
	p2 =	seq.s32 @!p0 s5, $0x0  }
0x1f: {  	s9 =	smul.u32 $0xF7A, s1;
	s8 =	simm.s32 @!p0 $0x1BF5;
	p2 =	por !p2, p0  }
0x20: {  	[sflag:s8] =	ssyncset.s32 @!p0 $0xFFFFF086;
	s6 =	sadd.s32 @!p0 s3, s7;
	s7 =	simm.s32 @!p0 $0x108  }
0x21: {  	s3 =	sadd.s32 s3, s9;
	s6 =	sadd.s32 @!p0 $0x88, s6;
	s7 =	simm.s32 @p2 $0x1082  }
0x22: {  	[simem:s7], [sflag:s8] =	dma.local @!p0 [hbm:s6], $0xF7A  }
0x23: {  	s9 =	sor.u32 $0xD0000000, s2;
	s6 =	simm.s32 $0x108;
	_ =	swait.ge @!p0 [sflag:s8], $0x0  }
0x24: {  	s3 =	sadd.s32 $0x88, s3;
	s6 =	simm.s32 @!p1 $0x1082;
	[sflag:s4] =	ssyncset.s32 $0xFFFFF086  }
0x25: {  	[simem:s6], [sflag:s4] =	dma.local [hbm:s3], $0xF7A  }
0x26: {  	[smem:$0x3F9F] =	sst s1;
	(tag) =	ssettag s2;
	_ =	strace s9  }
0x27: {  	s1 =	sld [smem:$0x3FAF]  }
0x28: {  	s2 =	sld [smem:$0x3FB0]  }
0x29: {  	s4 =	sld [smem:$0x3FB2]  }
0x2a: {  	p0 =	seq.s32 s5, $0x0;
	s5 =	sld [smem:$0x3FB3]  }
0x2b: {  	s6 =	sld [smem:$0x3FB4]  }
0x2c: {  	s7 =	sld [smem:$0x3FB5]  }
0x2d: {  	s3 =	simm.s32 $0x108;
	s8 =	sld [smem:$0x3FB6]  }
0x2e: {  	s3 =	simm.s32 @!p0 $0x1082;
	s9 =	sld [smem:$0x3FB7]  }
0x2f: {  	lr =	sadd.s32 s0, s3;
	s0 =	sld [smem:$0x3FAE]  }
0x30: {  	s3 =	sld [smem:$0x3FB1]  }
0x31: {  	[smem:$0x3FBA] =	sst s10  }
0x32: {  	s10 =	sld [smem:$0x3FB8];
	_ =	sdelay $0x3  }
0x33: {  	p0 =	seq.s32 s10, $0x1;
	s10 =	sld [smem:$0x3FBA];
	_ =	sdelay $0x3  }
0x34: {  	[smem:$0x3FBA] =	sst s10  }
0x35: {  	s10 =	sld [smem:$0x3FB9];
	_ =	sdelay $0x3  }
0x36: {  	p1 =	seq.s32 s10, $0x1;
	s10 =	sld [smem:$0x3FBA];
	_ =	sdelay $0x3  }
0x37: {  	[smem:$0x3FBA] =	sst s10  }
0x38: {  	s10 =	sld [smem:$0x3FBB]  }
0x39: {  	_ = 	snop;
	(pc) =	sbr.ind lr, $3  }
0x3a: {  	_ = 	snop  }
0x3b: {  	_ = 	snop  }
0x3c: {  	p2 =	seq.s32 s10, $0x1;
	s10 =	sld [smem:$0x3FBA]  }
0x3d: {  	_ =	shalt  }
0x3e: {  	_ =	shalt  }
0x3f: {  	_ =	shalt  }
0x40: {  	_ =	shalt  }
0x41: {  	_ =	shalt  }
0x42: {  	_ =	shalt  }
0x43: {  	_ =	shalt  }
0x44: {  	_ =	shalt  }
0x45: {  	_ =	shalt  }
0x46: {  	_ =	shalt  }
0x47: {  	_ =	shalt  }
0x48: {  	_ =	shalt  }
0x49: {  	_ =	shalt  }
0x4a: {  	_ =	shalt  }
0x4b: {  	_ =	shalt  }
0x4c: {  	_ =	shalt  }
0x4d: {  	_ =	shalt  }
0x4e: {  	_ =	shalt  }
0x4f: {  	_ =	shalt  }
0x50: {  	_ =	shalt  }
0x51: {  	_ =	shalt  }
0x52: {  	_ =	shalt  }
0x53: {  	_ =	shalt  }
0x54: {  	_ =	shalt  }
0x55: {  	_ =	shalt  }
0x56: {  	_ =	shalt  }
0x57: {  	_ =	shalt  }
0x58: {  	_ =	shalt  }
0x59: {  	_ =	shalt  }
0x5a: {  	_ =	shalt  }
0x5b: {  	_ =	shalt  }
0x5c: {  	_ =	shalt  }
0x5d: {  	_ =	shalt  }
0x5e: {  	_ =	shalt  }
0x5f: {  	_ =	shalt  }
0x60: {  	_ =	shalt  }
0x61: {  	_ =	shalt  }
0x62: {  	_ =	shalt  }
0x63: {  	_ =	shalt  }
0x64: {  	_ =	shalt  }
0x65: {  	_ =	shalt  }
0x66: {  	_ =	shalt  }
0x67: {  	_ =	shalt  }
0x68: {  	_ =	shalt  }
0x69: {  	_ =	shalt  }
0x6a: {  	_ =	shalt  }
0x6b: {  	_ =	shalt  }
0x6c: {  	_ =	shalt  }
0x6d: {  	_ =	shalt  }
0x6e: {  	_ =	shalt  }
0x6f: {  	_ =	shalt  }
0x70: {  	_ =	shalt  }
0x71: {  	_ =	shalt  }
0x72: {  	_ =	shalt  }
0x73: {  	_ =	shalt  }
0x74: {  	_ =	shalt  }
0x75: {  	_ =	shalt  }
0x76: {  	_ =	shalt  }
0x77: {  	_ =	shalt  }
0x78: {  	_ =	shalt  }
0x79: {  	_ =	shalt  }
0x7a: {  	_ =	shalt  }
0x7b: {  	_ =	shalt  }
0x7c: {  	_ =	shalt  }
0x7d: {  	_ =	shalt  }
0x7e: {  	_ =	shalt  }
0x7f: {  	_ =	shalt  }
0x80: {  	_ =	shalt  }
0x81: {  	_ =	shalt  }
0x82: {  	_ =	shalt  }
0x83: {  	_ =	shalt  }
0x84: {  	_ =	shalt  }
0x85: {  	_ =	shalt  }
0x86: {  	_ =	shalt  }
0x87: {  	_ =	shalt  }
.Lfunc_end0:
.L_simem_size_0:
called_computation_lowered:
.L_overlay_start_0:
0x88: {  	s2 =	sld [smem:$0x3FD9]  }
0x89: {  	s3 =	sld [smem:$0x3FFE];
	_ =	sdelay $0x1  }
0x8a: {  	s1 =	srdreg.scid  }
0x8b: {  	s0 =	sand.u32 $0x1, s1  }
0x8c: {  	s16 =	sshll.u32 s0, $0xA;
	s2 =	sadd.s32 s3, s2  }
0x8d: {  	s2 =	sadd.s32 s2, s16  }
0x8e: {  	[smem:$0x3FC6] =	sst s2  }
0x8f: {  	_ = 	snop  }
0x90: {  	(tm) =	ssettm $0x1  }
0x91: {  	s17 =	sld [smem:$0x3FFB];
	_ =	sdelay $0x3  }
0x92: {  	_ =	strace s17  }
0x93: {  	s2 =	sld [smem:$0x3FFC];
	_ =	sdelay $0x3  }
0x94: {  	_ =	strace s2  }
0x95: {  	s2 =	sld [smem:$0x3FFD];
	_ =	sdelay $0x3  }
0x96: {  	_ =	strace s2  }
0x97: {  	_ =	strace $0x8FFFFFFF  }
0x98: {  	s18 =	sld [smem:$0x3FDB];
	_ =	sdelay $0x1  }
0x99: {  	s19 =	simm.s32 $_scs_section_size  }
0x9a: {  	s4 =	simm.s32 $_size__tile_overlayer_lowered;
	s5 =	simm.s32 $_tile_overlayer_lowered  }
0x9b: {  	s22 =	simm.s32 $0x1BFF;
	s21 =	sshll.u32 s5, $0x1;
	s2 =	sadd.s32 s19, s18  }
0x9c: {  	s6 =	simm.s32 $0x0;
	s20 =	sshll.u32 s4, $0x1;
	s4 =	sadd.s32 s21, s2  }
0x9d: {  	[timem:s6], [sflag:s22] =	dma.local [hbm:s4], s20  }
0x9e: {  	_ =	swait.ge [sflag:s22], s20  }
0x9f: {  	s3 =	ssub.s32 $0x0, s20;
	[sflag:s22] =	ssyncset.done $0x0  }
0xa0: {  	[sflag:s22] =	ssyncadd.s32 s3;
	_ =	sdelay $0x1  }
0xa1: {  	s23 =	simm.s32 $0x1B8B  }
0xa2: {  	_ =	swait.ge [sflag:s23], $0x1  }
0xa3: {  	[sflag:s23] =	ssyncset.done $0x0  }
0xa4: {  	s25 =	simm.s32 $0x1B8E;
	s24 =	sld [smem:$0x3FFE];
	[sflag:s23] =	ssyncadd.s32 $0xFFFFFFFF  }
0xa5: {  	s26 =	simm.s32 $execute0_lowered;
	[smem:$0x3FD2] =	sst s25  }
0xa6: {  	s4 =	sshll.u32 s26, $0x1;
	_ =	strace $0x80000046;
	[dreg:$0x1] =	wrdreg $0xFFFFFFFF  }
0xa7: {  	s28 =	simm.s32 $_size_execute0_lowered;
	s2 =	sadd.s32 s2, s4;
	[dreg:$0x0] =	wrdreg $0x0  }
0xa8: {  	s4 =	sshll.u32 s28, $0x1;
	[dreg:$0x2] =	wrdreg s2  }
0xa9: {  	[dreg:$0x3] =	wrdreg s4  }
0xaa: {  	[dreg:$0x4] =	wrdreg $0xC0  }
0xab: {  	_ =	task [dreg:s6], $0x5FFFF  }
0xac: {  	[dreg:$0x1] =	wrdreg $0xFFFFFFFF  }
0xad: {  	[dreg:$0x0] =	wrdreg $0x60  }
0xae: {  	[dreg:$0x2] =	wrdreg s24  }
0xaf: {  	[dreg:$0x3] =	wrdreg $0xBC800  }
0xb0: {  	[dreg:$0x4] =	wrdreg $0x9  }
0xb1: {  	_ =	task.clear_ibuf [dreg:s6], $0x5FFFF;
	_ =	strace $0x90000046  }
0xb2: {  	s29 =	simm.s32 $0x9;
	_ =	strace $0x80000048  }
0xb3: {  	_ =	swait.ge [sflag:s29], $0x1  }
0xb4: {  	[sflag:s29] =	ssyncadd.s32 $0xFFFFFFFF  }
0xb5: {  	_ =	strace $0x90000048  }
0xb6: {  	_ =	sfence  }
0xb7: {  	s30 =	sld [smem:$0x0];
	_ =	sdelay $0x2  }
0xb8: {  	s31 =	sshll.u32 s1, $0xD;
	s1 =	sshrl.u32 s1, $0x2  }
0xb9: {  	s3 =	sand.u32 $0x4000, s31;
	s1 =	sadd.s32 s1, s30  }
0xba: {  	s0 =	sor.u32 s3, s0;
	s1 =	sshll.u32 s1, $0x11  }
0xbb: {  	s0 =	sor.u32 s1, s0  }
0xbc: {  	s0 =	sadd.s32 $0x8F2B, s0  }
0xbd: {  	[sflag:s0] =	ssyncadd.remote.s32 $0x1  }
0xbe: {  	_ =	sfence.sel $0xFFFF  }
0xbf: {  	[dreg:$0x0] =	wrdreg $0xFFFFFFFF;
	(pc) =	sbr.abs _section_cstart, $3  }
0xc0: {  	[dreg:$0x1] =	wrdreg $0xFFFFFFFF  }
0xc1: {  	_ =	task.clear_ibuf [dreg:s6], $0x2FFFF;
	_ =	strace $0x9FFFFFFF  }
0xc2: {  	(tm) =	ssettm $0x7FFFFFFF  }
0xc3: {  	_ =	shalt  }
tec
execute0_lowered:
.L_overlay_start_1:
0x0: {  	(tag) =	ssettag $0x1  }
0x1: {  	s0 =	rddreg [dreg:$0x0];
	s6 =	stileid.u32  }
0x2: {  	s1 =	srdreg.scid;
	s8 =	simm.s32 $0x0;
	s3 =	smul.u32 $0x2710, s6  }
0x3: {  	s1 =	sand.u32 $0x1, s1;
	[smem:$0x7FF] =	sst s8;
	s6 =	smul.u32 $0x14000, s6  }
0x4: {  	s2 =	rddreg [dreg:$0x1];
	_ =	strace $0x80000047;
	s12 =	smul.u32 $0x1400, s1  }
0x5: {  	s3 =	sshrl.u32 s3, $0x3;
	[dreg:$0xa] =	wrdreg s6;
	s16 =	sadd.s32 s6, s2  }
0x6: {  	s3 =	sadd.s32 s3, s0;
	s0 =	sadd.s32 $0xA800, s0;
	[dreg:$0x10] =	wrdreg s12  }
0x7: {  	s13 =	sadd.s32 $0x800, s16;
	[dreg:$0x4] =	wrdreg s0  }
0x8: {  	s14 =	sadd.s32 $0x1000, s16;
	[dreg:$0x11] =	wrdreg s13  }
0x9: {  	s15 =	sadd.s32 $0x1800, s16;
	[dreg:$0x12] =	wrdreg s14  }
0xa: {  	s17 =	sadd.s32 $0x2000, s16;
	[dreg:$0x13] =	wrdreg s15  }
0xb: {  	s18 =	sadd.s32 $0x2800, s16;
	[dreg:$0x14] =	wrdreg s17  }
0xc: {  	s19 =	sadd.s32 $0x3000, s16;
	[dreg:$0x15] =	wrdreg s18  }
0xd: {  	s4 =	ssub.s32 $0x2, s1;
	s20 =	sadd.s32 $0x3800, s16;
	[dreg:$0x16] =	wrdreg s19  }
0xe: {  	p0 =	seq.s32 s1, $0x0;
	s21 =	sadd.s32 $0x4000, s16;
	[dreg:$0x17] =	wrdreg s20  }
0xf: {  	s5 =	sshrl.u32 s4, $0x1;
	s1 =	sadd.s32 $0x7000, s16;
	[dreg:$0x19] =	wrdreg s21  }
0x10: {  	s22 =	ssub.s32 s4, s5;
	s4 =	sadd.s32 $0x8000, s16;
	[dreg:$0x1f] =	wrdreg s1  }
0x11: {  	s6 =	sadd.s32 $0x9000, s16;
	[smem:$0x7E9] =	sst s4  }
0x12: {  	s12 =	sadd.s32 $0xB800, s16;
	[smem:$0x7EB] =	sst s6  }
0x13: {  	s23 =	sadd.s32 $0xA00, s3;
	[smem:$0x7F0] =	sst s12  }
0x14: {  	s24 =	sadd.s32 $0x5820, s3;
	[dreg:$0x5] =	wrdreg s23  }
0x15: {  	s25 =	sadd.s32 $0xAFA, s3;
	[dreg:$0x6] =	wrdreg s24  }
0x16: {  	s26 =	sadd.s32 $0x591A, s3;
	[dreg:$0x7] =	wrdreg s25  }
0x17: {  	s5 =	sadd.s32 $0xBF4, s3;
	[dreg:$0x8] =	wrdreg s26  }
0x18: {  	s7 =	sadd.s32 $0x5A14, s3;
	[dreg:$0x9] =	wrdreg s5  }
0x19: {  	s9 =	sadd.s32 $0xCEE, s3;
	[dreg:$0xb] =	wrdreg s7  }
0x1a: {  	s10 =	sadd.s32 $0x5B0E, s3;
	[dreg:$0xc] =	wrdreg s9  }
0x1b: {  	s11 =	sadd.s32 $0xDE8, s3;
	[dreg:$0xd] =	wrdreg s10  }
0x1c: {  	s3 =	sadd.s32 $0x5C08, s3;
	[dreg:$0xe] =	wrdreg s11  }
0x1d: {  	s0 =	smax.u32 s22, $0x1;
	[dreg:$0xf] =	wrdreg s3  }
0x1e: {  	s22 =	sadd.s32 $0x4800, s16;
	[dreg:$0x18] =	wrdreg s0  }
0x1f: {  	s13 =	sadd.s32 $0xC000, s16;
	[dreg:$0x1a] =	wrdreg s22  }
0x20: {  	s14 =	sadd.s32 $0xC800, s16;
	[smem:$0x7F1] =	sst s13  }
0x21: {  	s15 =	sadd.s32 $0xD000, s16;
	[smem:$0x7F2] =	sst s14  }
0x22: {  	s17 =	sadd.s32 $0xD800, s16;
	[smem:$0x7F3] =	sst s15  }
0x23: {  	s18 =	sadd.s32 $0xE000, s16;
	[smem:$0x7F4] =	sst s17  }
0x24: {  	s19 =	sadd.s32 $0xE800, s16;
	[smem:$0x7F5] =	sst s18  }
0x25: {  	s20 =	sadd.s32 $0xF000, s16;
	[smem:$0x7F6] =	sst s19  }
0x26: {  	s21 =	sadd.s32 $0xF800, s16;
	[smem:$0x7F7] =	sst s20  }
0x27: {  	s23 =	sadd.s32 $0x5000, s16;
	[smem:$0x7F8] =	sst s21  }
0x28: {  	s24 =	sadd.s32 $0x5800, s16;
	[dreg:$0x1b] =	wrdreg s23  }
0x29: {  	s25 =	sadd.s32 $0x6000, s16;
	[dreg:$0x1c] =	wrdreg s24  }
0x2a: {  	s26 =	sadd.s32 $0x6800, s16;
	[dreg:$0x1d] =	wrdreg s25  }
0x2b: {  	s3 =	sadd.s32 $0x7800, s16;
	[dreg:$0x1e] =	wrdreg s26  }
0x2c: {  	s30 =	simm.s32 $0x1000;
	s5 =	sadd.s32 $0x8800, s16;
	[smem:$0x7E8] =	sst s3  }
0x2d: {  	s31 =	simm.s32 $0xB400;
	s7 =	sadd.s32 $0x9800, s16;
	[smem:$0x7EA] =	sst s5  }
0x2e: {  	s28 =	sadd.s32 $0x13000, s16;
	s9 =	sadd.s32 $0xA000, s16;
	[smem:$0x7EC] =	sst s7  }
0x2f: {  	s29 =	sadd.s32 $0x13800, s16;
	s10 =	sadd.s32 $0xA800, s16;
	[smem:$0x7ED] =	sst s9  }
0x30: {  	s4 =	simm.s32 $0x3;
	s11 =	sadd.s32 $0xB000, s16;
	[smem:$0x7EE] =	sst s10  }
0x31: {  	s6 =	simm.s32 $0x80;
	s22 =	sadd.s32 $0x10000, s16;
	[smem:$0x7EF] =	sst s11  }
.Ltmp0:
0x32: {  	[smem:$0x7F9] =	sst s22;
	s23 =	sadd.s32 $0x10800, s16;
	(pc) =	sbr.rel .LBB2_1-.Ltmp0, $4  }
0x33: {  	s0 =	simm.s32 $0x6000;
	s24 =	sadd.s32 $0x11000, s16;
	[smem:$0x7FA] =	sst s23  }
0x34: {  	s25 =	sadd.s32 $0x11800, s16;
	s26 =	sadd.s32 $0x12000, s16;
	[smem:$0x7FB] =	sst s24  }
0x35: {  	v0 =	vimm.f32 $0.0e+00;
	v1 =	vimm.f32 $1.000000000e+00;
	v2 =	vimm.s32 $0x6400000;
	s9 =	simm.s32 $0x800;
	s5 =	simm.s32 $0x1;
	[smem:$0x7FC] =	sst s25  }
0x36: {  	v3 =	vlaneseq.u32;
	v4 =	vimm.s32 $0x0;
	v5 =	vimm.s32 $0x140000;
	s7 =	simm.s32 $0xBC00;
	[smem:$0x7FD] =	sst s26;
	s26 =	sadd.s32 $0x12800, s16  }
.LBB2_30:
0x37: {  	s3 =	simm.s32 $0x2  }
0x38: {  	_ =	swait.ge [sflag:s3], $0x2800  }
0x39: {  	s8 =	rddreg [dreg:$0x3]  }
0x3a: {  	s1 =	rddreg [dreg:$0x18];
	s8 =	sadd.s32 $0x1, s8  }
0x3b: {  	p1 =	sne.s32 s8, s1  }
.Ltmp1:
0x3c: {  	_ = 	snop;
	(pc) =	sbr.rel @!p1 .LBB2_31-.Ltmp1, $3  }
0x3d: {  	_ =	sdelay $0x1  }
0x3e: {  	[sflag:s3] =	ssyncset.done $0x0  }
0x3f: {  	s4 =	simm.s32 $0x3;
	s9 =	simm.s32 $0x800;
	[sflag:s3] =	ssyncadd.s32 $0xFFFFD800  }
.LBB2_1:
0x40: {  	s1 =	simm.s32 $0x40;
	s3 =	simm.s32 $0x0  }
.LBB2_2:
0x41: {  	p1 =	sne.s32 s1, $0x1FC0;
	[tilespmem:s3+$0xB400] =	vst v0;
	s3 =	smov.u32 s1;
	s1 =	sadd.s32 $0x40, s1  }
.Ltmp2:
0x42: {  	(pc) =	sbr.rel @p1 .LBB2_2-.Ltmp2, $2  }
0x43: {  	_ =	sdelay $0x2  }
0x44: {  	s3 =	sshra.s32 s3, $0x2  }
0x45: {  	[tilespmem:s3+$0xB400] =	vst v0  }
0x46: {  	[tilespmem:$0xBC00] =	vst v1  }
0x47: {  	[tilespmem:$0xBC10] =	vst v1  }
0x48: {  	[tilespmem:$0xBC20] =	vst v1  }
0x49: {  	[tilespmem:$0xBC30] =	vst v1  }
0x4a: {  	[tilespmem:$0xBC40] =	vst v1  }
0x4b: {  	[tilespmem:$0xBC50] =	vst v1  }
0x4c: {  	[tilespmem:$0xBC60] =	vst v1  }
0x4d: {  	s1 =	simm.s32 $0x40;
	s3 =	simm.s32 $0x0;
	[tilespmem:$0xBC70] =	vst v1  }
.LBB2_4:
0x4e: {  	p1 =	sne.s32 s1, $0x13FC0;
	[tilespmem:s3+$0x1000] =	vst v2;
	s3 =	smov.u32 s1;
	s1 =	sadd.s32 $0x40, s1  }
.Ltmp3:
0x4f: {  	(pc) =	sbr.rel @p1 .LBB2_4-.Ltmp3, $2  }
0x50: {  	_ =	sdelay $0x2  }
0x51: {  	s3 =	sshra.s32 s3, $0x2  }
0x52: {  	[tilespmem:s3+$0x1000] =	vst v2;
	s1 =	simm.s32 $0x0;
	s24 =	rddreg [dreg:$0x5]  }
0x53: {  	[tilespmem:s1], [sflag:$0x3] =	stream.linear.gather [hbm4b:s24+s1], $0x7D0, $0x38;
	[tilespmem:$0x1FC88] =	vst v63  }
0x54: {  	_ =	swait.ge [sflag:s4], $0x7D0  }
0x55: {  	[sflag:s4] =	ssyncset.done $0x0  }
0x56: {  	s25 =	rddreg [dreg:$0x6];
	[sflag:s4] =	ssyncadd.s32 $0xFFFFF830  }
0x57: {  	[tilespmem:s9], [sflag:$0x3] =	stream.linear.gather [hbm4b:s25+s1], $0x7D0, $0x38;
	[tilespmem:$0x1FC88] =	vst v63  }
0x58: {  	_ =	swait.ge [sflag:s4], $0x7D0  }
0x59: {  	[sflag:s4] =	ssyncset.done $0x0  }
0x5a: {  	v6 =	vimm.s32 $0x0;
	s3 =	simm.s32 $0x0;
	v7 =	vimm.s32 $0x0;
	s1 =	simm.s32 $0x40;
	[sflag:s4] =	ssyncadd.s32 $0xFFFFF830  }
.LBB2_6:
0x5b: {  	p1 =	sne.s32 s1, $0x1F00;
	v8 =	vld [tilespmem:s3+$0x800];
	_ =	sdelay $0x1  }
0x5c: {  	v9 =	vld [tilespmem:s3+$0x0];
	_ =	sdelay $0x2  }
0x5d: {  	v10 =	vmul.u32 $0x2800, v8;
	_ =	sdelay $0x1  }
0x5e: {  	v11 =	vshll.u32 v6, $0x4;
	v10 =	vadd.s32 v9, v10  }
0x5f: {  	v12 =	vshll.u32 v7, $0x4;
	v9 =	vmul.u32 $0x2800, v9;
	vm0 =	vge.s32 v10, $0x3200000  }
0x60: {  	v12 =	vsub.s32 $0x4FF0, v12;
	vm1 =	vlt.s32 v10, $0x3200000;
	v13 =	vsel vm0, $0x1, v4  }
0x61: {  	v8 =	vadd.s32 v8, v9;
	v9 =	vsel vm1, $0x1, v4;
	v7 =	vadd.s32 v13, v7  }
0x62: {  	v6 =	vadd.s32 v9, v6;
	vm0 =	vlt.s32 v8, $0x3200000;
	v9 =	vshll.u32 v7, $0x4  }
0x63: {  	v11 =	vsel vm1, v11, v12;
	v12 =	vshll.u32 v6, $0x4;
	v9 =	vsub.s32 $0x4FF0, v9  }
0x64: {  	v11 =	vor.u32 v3, v11;
	vm1 =	vge.s32 v8, $0x3200000;
	v9 =	vsel vm0, v12, v9  }
0x65: {  	v13 =	vsel vm1, $0x1, v4;
	v12 =	vsel vm0, $0x1, v4;
	v9 =	vor.u32 v3, v9  }
.Ltmp4:
0x66: {  	v7 =	vadd.s32 v13, v7;
	v6 =	vadd.s32 v12, v6;
	(pc) =	sbr.rel @p1 .LBB2_6-.Ltmp4, $3  }
0x67: {  	_ =	sdelay $0x1  }
0x68: {  	[tilespmem:v11+s30+$0x0] =	vst.idx.msk $0xffff, v10  }
0x69: {  	s3 =	sshra.s32 s1, $0x2;
	s1 =	sadd.s32 $0x40, s1;
	[tilespmem:v9+s30+$0x0] =	vst.idx.msk $0xffff, v8  }
0x6a: {  	v8 =	vld [tilespmem:s3+$0x800];
	_ =	sdelay $0x1  }
0x6b: {  	v9 =	vld [tilespmem:s3+$0x0];
	_ =	sdelay $0x2  }
0x6c: {  	v10 =	vmul.u32 $0x2800, v8;
	_ =	sdelay $0x1  }
0x6d: {  	v11 =	vshll.u32 v6, $0x4;
	v10 =	vadd.s32 v9, v10  }
0x6e: {  	v12 =	vshll.u32 v7, $0x4;
	v9 =	vmul.u32 $0x2800, v9;
	vm0 =	vge.s32 v10, $0x3200000  }
0x6f: {  	v12 =	vsub.s32 $0x4FF0, v12;
	vm1 =	vlt.s32 v10, $0x3200000;
	v13 =	vsel vm0, $0x1, v4  }
0x70: {  	v8 =	vadd.s32 v8, v9;
	v60 =	vsel vm1, $0x1, v4;
	v7 =	vadd.s32 v13, v7  }
0x71: {  	v11 =	vsel vm1, v11, v12;
	v6 =	vadd.s32 v60, v6;
	v61 =	vshll.u32 v7, $0x4  }
0x72: {  	vm14 =	vlt.s32 v8, $0x3200000;
	v62 =	vshll.u32 v6, $0x4;
	v9 =	vsub.s32 $0x4FF0, v61  }
0x73: {  	v11 =	vor.u32 v3, v11;
	v9 =	vsel vm14, v62, v9  }
0x74: {  	v9 =	vor.u32 v3, v9;
	_ =	sdelay $0x3  }
0x75: {  	[tilespmem:v11+s30+$0x0] =	vst.idx.msk $0xffff, v10  }
0x76: {  	s1 =	simm.s32 $0x0;
	s24 =	rddreg [dreg:$0x7];
	[tilespmem:v9+s30+$0x0] =	vst.idx.msk $0xffff, v8  }
0x77: {  	[tilespmem:s1], [sflag:$0x3] =	stream.linear.gather [hbm4b:s24+s1], $0x7D0, $0x38;
	[tilespmem:$0x1FC88] =	vst v63  }
0x78: {  	_ =	swait.ge [sflag:s4], $0x7D0  }
0x79: {  	[sflag:s4] =	ssyncset.done $0x0  }
0x7a: {  	s25 =	rddreg [dreg:$0x8];
	[sflag:s4] =	ssyncadd.s32 $0xFFFFF830  }
0x7b: {  	[tilespmem:s9], [sflag:$0x3] =	stream.linear.gather [hbm4b:s25+s1], $0x7D0, $0x38;
	[tilespmem:$0x1FC88] =	vst v63  }
0x7c: {  	vm15 =	vge.s32 v8, $0x3200000;
	_ =	swait.ge [sflag:s4], $0x7D0  }
0x7d: {  	v63 =	vsel vm15, $0x1, v4;
	v8 =	vsel vm14, $0x1, v4;
	[sflag:s4] =	ssyncset.done $0x0  }
0x7e: {  	s3 =	simm.s32 $0x0;
	v7 =	vadd.s32 v63, v7;
	v6 =	vadd.s32 v8, v6;
	s1 =	simm.s32 $0x40;
	[sflag:s4] =	ssyncadd.s32 $0xFFFFF830  }
.LBB2_8:
0x7f: {  	p1 =	sne.s32 s1, $0x1F00;
	v8 =	vld [tilespmem:s3+$0x800];
	_ =	sdelay $0x1  }
0x80: {  	v9 =	vld [tilespmem:s3+$0x0];
	_ =	sdelay $0x2  }
0x81: {  	v10 =	vmul.u32 $0x2800, v8;
	_ =	sdelay $0x1  }
0x82: {  	v11 =	vshll.u32 v6, $0x4;
	v10 =	vadd.s32 v9, v10  }
0x83: {  	v12 =	vshll.u32 v7, $0x4;
	v9 =	vmul.u32 $0x2800, v9;
	vm0 =	vge.s32 v10, $0x3200000  }
0x84: {  	v12 =	vsub.s32 $0x4FF0, v12;
	vm1 =	vlt.s32 v10, $0x3200000;
	v13 =	vsel vm0, $0x1, v4  }
0x85: {  	v8 =	vadd.s32 v8, v9;
	v9 =	vsel vm1, $0x1, v4;
	v7 =	vadd.s32 v13, v7  }
0x86: {  	v6 =	vadd.s32 v9, v6;
	vm0 =	vlt.s32 v8, $0x3200000;
	v9 =	vshll.u32 v7, $0x4  }
0x87: {  	v11 =	vsel vm1, v11, v12;
	v12 =	vshll.u32 v6, $0x4;
	v9 =	vsub.s32 $0x4FF0, v9  }
0x88: {  	v11 =	vor.u32 v3, v11;
	vm1 =	vge.s32 v8, $0x3200000;
	v9 =	vsel vm0, v12, v9  }
0x89: {  	v13 =	vsel vm1, $0x1, v4;
	v12 =	vsel vm0, $0x1, v4;
	v9 =	vor.u32 v3, v9  }
.Ltmp5:
0x8a: {  	v7 =	vadd.s32 v13, v7;
	v6 =	vadd.s32 v12, v6;
	(pc) =	sbr.rel @p1 .LBB2_8-.Ltmp5, $3  }
0x8b: {  	_ =	sdelay $0x1  }
0x8c: {  	[tilespmem:v11+s30+$0x0] =	vst.idx.msk $0xffff, v10  }
0x8d: {  	s3 =	sshra.s32 s1, $0x2;
	s1 =	sadd.s32 $0x40, s1;
	[tilespmem:v9+s30+$0x0] =	vst.idx.msk $0xffff, v8  }
0x8e: {  	v8 =	vld [tilespmem:s3+$0x800];
	_ =	sdelay $0x1  }
0x8f: {  	v9 =	vld [tilespmem:s3+$0x0];
	_ =	sdelay $0x2  }
0x90: {  	v10 =	vmul.u32 $0x2800, v8;
	_ =	sdelay $0x1  }
0x91: {  	v11 =	vshll.u32 v6, $0x4;
	v10 =	vadd.s32 v9, v10  }
0x92: {  	v12 =	vshll.u32 v7, $0x4;
	v9 =	vmul.u32 $0x2800, v9;
	vm0 =	vge.s32 v10, $0x3200000  }
0x93: {  	v12 =	vsub.s32 $0x4FF0, v12;
	vm1 =	vlt.s32 v10, $0x3200000;
	v13 =	vsel vm0, $0x1, v4  }
0x94: {  	v8 =	vadd.s32 v8, v9;
	v60 =	vsel vm1, $0x1, v4;
	v7 =	vadd.s32 v13, v7  }
0x95: {  	v11 =	vsel vm1, v11, v12;
	v6 =	vadd.s32 v60, v6;
	v61 =	vshll.u32 v7, $0x4  }
0x96: {  	vm14 =	vlt.s32 v8, $0x3200000;
	v62 =	vshll.u32 v6, $0x4;
	v9 =	vsub.s32 $0x4FF0, v61  }
0x97: {  	v11 =	vor.u32 v3, v11;
	v9 =	vsel vm14, v62, v9  }
0x98: {  	v9 =	vor.u32 v3, v9;
	_ =	sdelay $0x3  }
0x99: {  	[tilespmem:v11+s30+$0x0] =	vst.idx.msk $0xffff, v10  }
0x9a: {  	s1 =	simm.s32 $0x0;
	s24 =	rddreg [dreg:$0x9];
	[tilespmem:v9+s30+$0x0] =	vst.idx.msk $0xffff, v8  }
0x9b: {  	[tilespmem:s1], [sflag:$0x3] =	stream.linear.gather [hbm4b:s24+s1], $0x7D0, $0x38;
	[tilespmem:$0x1FC88] =	vst v63  }
0x9c: {  	_ =	swait.ge [sflag:s4], $0x7D0  }
0x9d: {  	[sflag:s4] =	ssyncset.done $0x0  }
0x9e: {  	s25 =	rddreg [dreg:$0xb];
	[sflag:s4] =	ssyncadd.s32 $0xFFFFF830  }
0x9f: {  	[tilespmem:s9], [sflag:$0x3] =	stream.linear.gather [hbm4b:s25+s1], $0x7D0, $0x38;
	[tilespmem:$0x1FC88] =	vst v63  }
0xa0: {  	vm15 =	vge.s32 v8, $0x3200000;
	_ =	swait.ge [sflag:s4], $0x7D0  }
0xa1: {  	v63 =	vsel vm15, $0x1, v4;
	v8 =	vsel vm14, $0x1, v4;
	[sflag:s4] =	ssyncset.done $0x0  }
0xa2: {  	s3 =	simm.s32 $0x0;
	v7 =	vadd.s32 v63, v7;
	v6 =	vadd.s32 v8, v6;
	s1 =	simm.s32 $0x40;
	[sflag:s4] =	ssyncadd.s32 $0xFFFFF830  }
.LBB2_10:
0xa3: {  	p1 =	sne.s32 s1, $0x1F00;
	v8 =	vld [tilespmem:s3+$0x800];
	_ =	sdelay $0x1  }
0xa4: {  	v9 =	vld [tilespmem:s3+$0x0];
	_ =	sdelay $0x2  }
0xa5: {  	v10 =	vmul.u32 $0x2800, v8;
	_ =	sdelay $0x1  }
0xa6: {  	v11 =	vshll.u32 v6, $0x4;
	v10 =	vadd.s32 v9, v10  }
0xa7: {  	v12 =	vshll.u32 v7, $0x4;
	v9 =	vmul.u32 $0x2800, v9;
	vm0 =	vge.s32 v10, $0x3200000  }
0xa8: {  	v12 =	vsub.s32 $0x4FF0, v12;
	vm1 =	vlt.s32 v10, $0x3200000;
	v13 =	vsel vm0, $0x1, v4  }
0xa9: {  	v8 =	vadd.s32 v8, v9;
	v9 =	vsel vm1, $0x1, v4;
	v7 =	vadd.s32 v13, v7  }
0xaa: {  	v6 =	vadd.s32 v9, v6;
	vm0 =	vlt.s32 v8, $0x3200000;
	v9 =	vshll.u32 v7, $0x4  }
0xab: {  	v11 =	vsel vm1, v11, v12;
	v12 =	vshll.u32 v6, $0x4;
	v9 =	vsub.s32 $0x4FF0, v9  }
0xac: {  	v11 =	vor.u32 v3, v11;
	vm1 =	vge.s32 v8, $0x3200000;
	v9 =	vsel vm0, v12, v9  }
0xad: {  	v13 =	vsel vm1, $0x1, v4;
	v12 =	vsel vm0, $0x1, v4;
	v9 =	vor.u32 v3, v9  }
.Ltmp6:
0xae: {  	v7 =	vadd.s32 v13, v7;
	v6 =	vadd.s32 v12, v6;
	(pc) =	sbr.rel @p1 .LBB2_10-.Ltmp6, $3  }
0xaf: {  	_ =	sdelay $0x1  }
0xb0: {  	[tilespmem:v11+s30+$0x0] =	vst.idx.msk $0xffff, v10  }
0xb1: {  	s3 =	sshra.s32 s1, $0x2;
	s1 =	sadd.s32 $0x40, s1;
	[tilespmem:v9+s30+$0x0] =	vst.idx.msk $0xffff, v8  }
0xb2: {  	v8 =	vld [tilespmem:s3+$0x800];
	_ =	sdelay $0x1  }
0xb3: {  	v9 =	vld [tilespmem:s3+$0x0];
	_ =	sdelay $0x2  }
0xb4: {  	v10 =	vmul.u32 $0x2800, v8;
	_ =	sdelay $0x1  }
0xb5: {  	v11 =	vshll.u32 v6, $0x4;
	v10 =	vadd.s32 v9, v10  }
0xb6: {  	v12 =	vshll.u32 v7, $0x4;
	v9 =	vmul.u32 $0x2800, v9;
	vm0 =	vge.s32 v10, $0x3200000  }
0xb7: {  	v12 =	vsub.s32 $0x4FF0, v12;
	vm1 =	vlt.s32 v10, $0x3200000;
	v13 =	vsel vm0, $0x1, v4  }
0xb8: {  	v8 =	vadd.s32 v8, v9;
	v60 =	vsel vm1, $0x1, v4;
	v7 =	vadd.s32 v13, v7  }
0xb9: {  	v11 =	vsel vm1, v11, v12;
	v6 =	vadd.s32 v60, v6;
	v61 =	vshll.u32 v7, $0x4  }
0xba: {  	vm14 =	vlt.s32 v8, $0x3200000;
	v62 =	vshll.u32 v6, $0x4;
	v9 =	vsub.s32 $0x4FF0, v61  }
0xbb: {  	v11 =	vor.u32 v3, v11;
	v9 =	vsel vm14, v62, v9  }
0xbc: {  	v9 =	vor.u32 v3, v9;
	_ =	sdelay $0x3  }
0xbd: {  	[tilespmem:v11+s30+$0x0] =	vst.idx.msk $0xffff, v10  }
0xbe: {  	s1 =	simm.s32 $0x0;
	s24 =	rddreg [dreg:$0xc];
	[tilespmem:v9+s30+$0x0] =	vst.idx.msk $0xffff, v8  }
0xbf: {  	[tilespmem:s1], [sflag:$0x3] =	stream.linear.gather [hbm4b:s24+s1], $0x7D0, $0x38;
	[tilespmem:$0x1FC88] =	vst v63  }
0xc0: {  	_ =	swait.ge [sflag:s4], $0x7D0  }
0xc1: {  	[sflag:s4] =	ssyncset.done $0x0  }
0xc2: {  	s25 =	rddreg [dreg:$0xd];
	[sflag:s4] =	ssyncadd.s32 $0xFFFFF830  }
0xc3: {  	[tilespmem:s9], [sflag:$0x3] =	stream.linear.gather [hbm4b:s25+s1], $0x7D0, $0x38;
	[tilespmem:$0x1FC88] =	vst v63  }
0xc4: {  	vm15 =	vge.s32 v8, $0x3200000;
	_ =	swait.ge [sflag:s4], $0x7D0  }
0xc5: {  	v63 =	vsel vm15, $0x1, v4;
	v8 =	vsel vm14, $0x1, v4;
	[sflag:s4] =	ssyncset.done $0x0  }
0xc6: {  	s3 =	simm.s32 $0x0;
	v7 =	vadd.s32 v63, v7;
	v6 =	vadd.s32 v8, v6;
	s1 =	simm.s32 $0x40;
	[sflag:s4] =	ssyncadd.s32 $0xFFFFF830  }
.LBB2_12:
0xc7: {  	p1 =	sne.s32 s1, $0x1F00;
	v8 =	vld [tilespmem:s3+$0x800];
	_ =	sdelay $0x1  }
0xc8: {  	v9 =	vld [tilespmem:s3+$0x0];
	_ =	sdelay $0x2  }
0xc9: {  	v10 =	vmul.u32 $0x2800, v8;
	_ =	sdelay $0x1  }
0xca: {  	v11 =	vshll.u32 v6, $0x4;
	v10 =	vadd.s32 v9, v10  }
0xcb: {  	v12 =	vshll.u32 v7, $0x4;
	v9 =	vmul.u32 $0x2800, v9;
	vm0 =	vge.s32 v10, $0x3200000  }
0xcc: {  	v12 =	vsub.s32 $0x4FF0, v12;
	vm1 =	vlt.s32 v10, $0x3200000;
	v13 =	vsel vm0, $0x1, v4  }
0xcd: {  	v8 =	vadd.s32 v8, v9;
	v9 =	vsel vm1, $0x1, v4;
	v7 =	vadd.s32 v13, v7  }
0xce: {  	v6 =	vadd.s32 v9, v6;
	vm0 =	vlt.s32 v8, $0x3200000;
	v9 =	vshll.u32 v7, $0x4  }
0xcf: {  	v11 =	vsel vm1, v11, v12;
	v12 =	vshll.u32 v6, $0x4;
	v9 =	vsub.s32 $0x4FF0, v9  }
0xd0: {  	v11 =	vor.u32 v3, v11;
	vm1 =	vge.s32 v8, $0x3200000;
	v9 =	vsel vm0, v12, v9  }
0xd1: {  	v13 =	vsel vm1, $0x1, v4;
	v12 =	vsel vm0, $0x1, v4;
	v9 =	vor.u32 v3, v9  }
.Ltmp7:
0xd2: {  	v7 =	vadd.s32 v13, v7;
	v6 =	vadd.s32 v12, v6;
	(pc) =	sbr.rel @p1 .LBB2_12-.Ltmp7, $3  }
0xd3: {  	_ =	sdelay $0x1  }
0xd4: {  	[tilespmem:v11+s30+$0x0] =	vst.idx.msk $0xffff, v10  }
0xd5: {  	s3 =	sshra.s32 s1, $0x2;
	s1 =	sadd.s32 $0x40, s1;
	[tilespmem:v9+s30+$0x0] =	vst.idx.msk $0xffff, v8  }
0xd6: {  	v8 =	vld [tilespmem:s3+$0x800];
	_ =	sdelay $0x1  }
0xd7: {  	v9 =	vld [tilespmem:s3+$0x0];
	_ =	sdelay $0x2  }
0xd8: {  	v10 =	vmul.u32 $0x2800, v8;
	_ =	sdelay $0x1  }
0xd9: {  	v11 =	vshll.u32 v6, $0x4;
	v10 =	vadd.s32 v9, v10  }
0xda: {  	v12 =	vshll.u32 v7, $0x4;
	v9 =	vmul.u32 $0x2800, v9;
	vm0 =	vge.s32 v10, $0x3200000  }
0xdb: {  	v12 =	vsub.s32 $0x4FF0, v12;
	vm1 =	vlt.s32 v10, $0x3200000;
	v13 =	vsel vm0, $0x1, v4  }
0xdc: {  	v8 =	vadd.s32 v8, v9;
	v60 =	vsel vm1, $0x1, v4;
	v7 =	vadd.s32 v13, v7  }
0xdd: {  	v11 =	vsel vm1, v11, v12;
	v6 =	vadd.s32 v60, v6;
	v61 =	vshll.u32 v7, $0x4  }
0xde: {  	vm14 =	vlt.s32 v8, $0x3200000;
	v62 =	vshll.u32 v6, $0x4;
	v9 =	vsub.s32 $0x4FF0, v61  }
0xdf: {  	v11 =	vor.u32 v3, v11;
	v9 =	vsel vm14, v62, v9  }
0xe0: {  	v9 =	vor.u32 v3, v9;
	_ =	sdelay $0x3  }
0xe1: {  	[tilespmem:v11+s30+$0x0] =	vst.idx.msk $0xffff, v10  }
0xe2: {  	s1 =	simm.s32 $0x0;
	s24 =	rddreg [dreg:$0xe];
	[tilespmem:v9+s30+$0x0] =	vst.idx.msk $0xffff, v8  }
0xe3: {  	[tilespmem:s1], [sflag:$0x3] =	stream.linear.gather [hbm4b:s24+s1], $0x7D0, $0x38;
	[tilespmem:$0x1FC88] =	vst v63  }
0xe4: {  	_ =	swait.ge [sflag:s4], $0x7D0  }
0xe5: {  	[sflag:s4] =	ssyncset.done $0x0  }
0xe6: {  	s25 =	rddreg [dreg:$0xf];
	[sflag:s4] =	ssyncadd.s32 $0xFFFFF830  }
0xe7: {  	[tilespmem:s9], [sflag:$0x3] =	stream.linear.gather [hbm4b:s25+s1], $0x7D0, $0x38;
	[tilespmem:$0x1FC88] =	vst v63  }
0xe8: {  	vm15 =	vge.s32 v8, $0x3200000;
	_ =	swait.ge [sflag:s4], $0x7D0  }
0xe9: {  	v63 =	vsel vm15, $0x1, v4;
	v8 =	vsel vm14, $0x1, v4;
	[sflag:s4] =	ssyncset.done $0x0  }
0xea: {  	s3 =	simm.s32 $0x0;
	v7 =	vadd.s32 v63, v7;
	v6 =	vadd.s32 v8, v6;
	s1 =	simm.s32 $0x40;
	[sflag:s4] =	ssyncadd.s32 $0xFFFFF830  }
.LBB2_14:
0xeb: {  	p1 =	sne.s32 s1, $0x1F00;
	v8 =	vld [tilespmem:s3+$0x800];
	_ =	sdelay $0x1  }
0xec: {  	v9 =	vld [tilespmem:s3+$0x0];
	_ =	sdelay $0x2  }
0xed: {  	v10 =	vmul.u32 $0x2800, v8;
	_ =	sdelay $0x1  }
0xee: {  	v11 =	vshll.u32 v6, $0x4;
	v10 =	vadd.s32 v9, v10  }
0xef: {  	v12 =	vshll.u32 v7, $0x4;
	v9 =	vmul.u32 $0x2800, v9;
	vm0 =	vge.s32 v10, $0x3200000  }
0xf0: {  	v12 =	vsub.s32 $0x4FF0, v12;
	vm1 =	vlt.s32 v10, $0x3200000;
	v13 =	vsel vm0, $0x1, v4  }
0xf1: {  	v8 =	vadd.s32 v8, v9;
	v9 =	vsel vm1, $0x1, v4;
	v7 =	vadd.s32 v13, v7  }
0xf2: {  	v6 =	vadd.s32 v9, v6;
	vm0 =	vlt.s32 v8, $0x3200000;
	v9 =	vshll.u32 v7, $0x4  }
0xf3: {  	v11 =	vsel vm1, v11, v12;
	v12 =	vshll.u32 v6, $0x4;
	v9 =	vsub.s32 $0x4FF0, v9  }
0xf4: {  	v11 =	vor.u32 v3, v11;
	vm1 =	vge.s32 v8, $0x3200000;
	v9 =	vsel vm0, v12, v9  }
0xf5: {  	v13 =	vsel vm1, $0x1, v4;
	v12 =	vsel vm0, $0x1, v4;
	v9 =	vor.u32 v3, v9  }
.Ltmp8:
0xf6: {  	v7 =	vadd.s32 v13, v7;
	v6 =	vadd.s32 v12, v6;
	(pc) =	sbr.rel @p1 .LBB2_14-.Ltmp8, $3  }
0xf7: {  	_ =	sdelay $0x1  }
0xf8: {  	[tilespmem:v11+s30+$0x0] =	vst.idx.msk $0xffff, v10  }
0xf9: {  	s3 =	sshra.s32 s1, $0x2;
	s1 =	sadd.s32 $0x40, s1;
	[tilespmem:v9+s30+$0x0] =	vst.idx.msk $0xffff, v8  }
0xfa: {  	v8 =	vld [tilespmem:s3+$0x800];
	_ =	sdelay $0x1  }
0xfb: {  	v9 =	vld [tilespmem:s3+$0x0];
	_ =	sdelay $0x2  }
0xfc: {  	v10 =	vmul.u32 $0x2800, v8;
	_ =	sdelay $0x1  }
0xfd: {  	v11 =	vshll.u32 v6, $0x4;
	v10 =	vadd.s32 v9, v10  }
0xfe: {  	v12 =	vshll.u32 v7, $0x4;
	v9 =	vmul.u32 $0x2800, v9;
	vm0 =	vge.s32 v10, $0x3200000  }
0xff: {  	v12 =	vsub.s32 $0x4FF0, v12;
	vm1 =	vlt.s32 v10, $0x3200000;
	v13 =	vsel vm0, $0x1, v4  }
0x100: {  	v8 =	vadd.s32 v8, v9;
	v59 =	vsel vm1, $0x1, v4;
	v7 =	vadd.s32 v13, v7  }
0x101: {  	v11 =	vsel vm1, v11, v12;
	v6 =	vadd.s32 v59, v6;
	v60 =	vshll.u32 v7, $0x4  }
0x102: {  	vm14 =	vlt.s32 v8, $0x3200000;
	v61 =	vshll.u32 v6, $0x4;
	v9 =	vsub.s32 $0x4FF0, v60  }
0x103: {  	v11 =	vor.u32 v3, v11;
	v9 =	vsel vm14, v61, v9  }
0x104: {  	v9 =	vor.u32 v3, v9;
	_ =	sdelay $0x2  }
0x105: {  	vm15 =	vge.s32 v8, $0x3200000  }
0x106: {  	v62 =	vsel vm14, $0x1, v4;
	v63 =	vsel vm15, $0x1, v4;
	[tilespmem:v11+s30+$0x0] =	vst.idx.msk $0xffff, v10  }
0x107: {  	[dreg:$0x3] =	wrdreg s8;
	s9 =	simm.s32 $0x0;
	s1 =	simm.s32 $0x200;
	v6 =	vadd.s32 v62, v6;
	v7 =	vadd.s32 v63, v7;
	[tilespmem:v9+s30+$0x0] =	vst.idx.msk $0xffff, v8  }
.LBB2_16:
0x108: {  	p1 =	sne.s32 s1, $0x13E00;
	[tilespmem:s9+$0x6070] =	vst v5  }
0x109: {  	[tilespmem:s9+$0x6000] =	vst v5  }
0x10a: {  	[tilespmem:s9+$0x6010] =	vst v5  }
.Ltmp9:
0x10b: {  	[tilespmem:s9+$0x6020] =	vst v5;
	(pc) =	sbr.rel @p1 .LBB2_16-.Ltmp9, $4  }
0x10c: {  	[tilespmem:s9+$0x6030] =	vst v5  }
0x10d: {  	[tilespmem:s9+$0x6040] =	vst v5  }
0x10e: {  	[tilespmem:s9+$0x6050] =	vst v5  }
0x10f: {  	[tilespmem:s9+$0x6060] =	vst v5;
	s9 =	sshra.s32 s1, $0x2;
	s1 =	sadd.s32 $0x200, s1  }
0x110: {  	(v2sf) =	vpush v7, $0x0  }
0x111: {  	(v2sf) =	vpush v7, $0x1  }
0x112: {  	(v2sf) =	vpush v7, $0x2  }
0x113: {  	(v2sf) =	vpush v7, $0x3  }
0x114: {  	(v2sf) =	vpush v7, $0x4  }
0x115: {  	(v2sf) =	vpush v7, $0x5  }
0x116: {  	(v2sf) =	vpush v7, $0x6  }
0x117: {  	(v2sf) =	vpush v7, $0x7  }
0x118: {  	(v2sf) =	vpush v7, $0x8  }
0x119: {  	(v2sf) =	vpush v7, $0x9  }
0x11a: {  	(v2sf) =	vpush v7, $0xA  }
0x11b: {  	(v2sf) =	vpush v7, $0xB  }
0x11c: {  	(v2sf) =	vpush v7, $0xC  }
0x11d: {  	(v2sf) =	vpush v7, $0xD  }
0x11e: {  	(v2sf) =	vpush v7, $0xE  }
0x11f: {  	s13 =	spop (v2sf);
	(v2sf) =	vpush v7, $0xF  }
0x120: {  	s14 =	spop (v2sf);
	(v2sf) =	vpush v6, $0x0  }
0x121: {  	s15 =	spop (v2sf);
	(v2sf) =	vpush v6, $0x1  }
0x122: {  	s17 =	spop (v2sf)  }
0x123: {  	(v2sf) =	vpush v6, $0x2;
	s18 =	spop (v2sf)  }
0x124: {  	s19 =	spop (v2sf)  }
0x125: {  	(v2sf) =	vpush v6, $0x3;
	s20 =	spop (v2sf)  }
0x126: {  	s21 =	spop (v2sf)  }
0x127: {  	(v2sf) =	vpush v6, $0x4;
	s22 =	spop (v2sf)  }
0x128: {  	s12 =	spop (v2sf)  }
0x129: {  	(v2sf) =	vpush v6, $0x5;
	s11 =	spop (v2sf)  }
0x12a: {  	s10 =	spop (v2sf)  }
0x12b: {  	(v2sf) =	vpush v6, $0x6;
	s8 =	spop (v2sf)  }
0x12c: {  	s4 =	spop (v2sf)  }
0x12d: {  	(v2sf) =	vpush v6, $0x7;
	s3 =	spop (v2sf)  }
0x12e: {  	p1 =	sgt.s32 s13, s14;
	s1 =	spop (v2sf)  }
0x12f: {  	s14 =	smov.u32 @p1 s13;
	(v2sf) =	vpush v6, $0x8;
	s13 =	spop (v2sf)  }
0x130: {  	p1 =	sgt.s32 s14, s15;
	s23 =	spop (v2sf)  }
0x131: {  	s15 =	smov.u32 @p1 s14;
	(v2sf) =	vpush v6, $0x9;
	p1 =	sgt.s32 s13, s23  }
0x132: {  	s23 =	smov.u32 @p1 s13;
	p1 =	sgt.s32 s15, s17;
	s13 =	spop (v2sf)  }
0x133: {  	(v2sf) =	vpush v6, $0xA;
	s17 =	smov.u32 @p1 s15;
	p1 =	sgt.s32 s23, s13  }
0x134: {  	s14 =	spop (v2sf);
	s13 =	smov.u32 @p1 s23;
	p1 =	sgt.s32 s17, s18  }
0x135: {  	(v2sf) =	vpush v6, $0xB;
	s18 =	smov.u32 @p1 s17;
	p1 =	sgt.s32 s13, s14  }
0x136: {  	s14 =	smov.u32 @p1 s13;
	p1 =	sgt.s32 s18, s19;
	s13 =	spop (v2sf)  }
0x137: {  	(v2sf) =	vpush v6, $0xC;
	s19 =	smov.u32 @p1 s18;
	p1 =	sgt.s32 s14, s13  }
0x138: {  	s13 =	smov.u32 @p1 s14;
	p1 =	sgt.s32 s19, s20;
	s14 =	spop (v2sf)  }
0x139: {  	(v2sf) =	vpush v6, $0xD;
	s20 =	smov.u32 @p1 s19;
	p1 =	sgt.s32 s13, s14  }
0x13a: {  	s14 =	smov.u32 @p1 s13;
	p1 =	sgt.s32 s20, s21;
	s13 =	spop (v2sf)  }
0x13b: {  	(v2sf) =	vpush v6, $0xE;
	s21 =	smov.u32 @p1 s20;
	p1 =	sgt.s32 s14, s13  }
0x13c: {  	(v2sf) =	vpush v6, $0xF;
	s13 =	smov.u32 @p1 s14;
	p1 =	sgt.s32 s21, s22;
	s14 =	spop (v2sf)  }
0x13d: {  	s22 =	smov.u32 @p1 s21;
	p1 =	sgt.s32 s13, s14  }
0x13e: {  	s14 =	smov.u32 @p1 s13;
	s13 =	spop (v2sf);
	p1 =	sgt.s32 s22, s12  }
0x13f: {  	s12 =	smov.u32 @p1 s22;
	p1 =	sgt.s32 s14, s13  }
0x140: {  	s13 =	smov.u32 @p1 s14;
	s14 =	spop (v2sf);
	p1 =	sgt.s32 s12, s11  }
0x141: {  	s11 =	smov.u32 @p1 s12;
	p1 =	sgt.s32 s13, s14  }
0x142: {  	s12 =	spop (v2sf);
	s14 =	smov.u32 @p1 s13;
	p1 =	sgt.s32 s11, s10  }
0x143: {  	s10 =	smov.u32 @p1 s11;
	p1 =	sgt.s32 s14, s12  }
0x144: {  	s11 =	spop (v2sf);
	s12 =	smov.u32 @p1 s14;
	p1 =	sgt.s32 s10, s8  }
0x145: {  	s8 =	smov.u32 @p1 s10;
	p1 =	sgt.s32 s12, s11  }
0x146: {  	s10 =	spop (v2sf);
	s11 =	smov.u32 @p1 s12;
	p1 =	sgt.s32 s8, s4  }
0x147: {  	s4 =	smov.u32 @p1 s8;
	p1 =	sgt.s32 s11, s10  }
0x148: {  	s8 =	spop (v2sf);
	s10 =	smov.u32 @p1 s11;
	p1 =	sgt.s32 s4, s3  }
0x149: {  	[tilespmem:s9+$0x6070] =	vst v5;
	s3 =	smov.u32 @p1 s4;
	p1 =	sgt.s32 s10, s8  }
0x14a: {  	[tilespmem:s9+$0x6000] =	vst v5;
	s4 =	spop (v2sf);
	s8 =	smov.u32 @p1 s10;
	p1 =	sgt.s32 s3, s1  }
0x14b: {  	[tilespmem:s9+$0x6010] =	vst v5;
	s1 =	smov.u32 @p1 s3;
	p1 =	sgt.s32 s8, s4;
	s3 =	spop (v2sf)  }
.Ltmp10:
0x14c: {  	[tilespmem:s9+$0x6020] =	vst v5;
	s4 =	smov.u32 @p1 s8;
	s1 =	ssub.s32 $0x500, s1;
	(pc) =	sbr.rel .LBB2_18-.Ltmp10, $4  }
0x14d: {  	[tilespmem:s9+$0x6030] =	vst v5;
	p1 =	sgt.s32 s4, s3;
	s1 =	simm.s32 @p0 $0x0  }
0x14e: {  	[tilespmem:s9+$0x6040] =	vst v5;
	s3 =	smov.u32 @p1 s4;
	s25 =	sshll.u32 s1, $0x6  }
0x14f: {  	[tilespmem:s9+$0x6050] =	vst v5;
	s11 =	simm.s32 $0x0;
	s3 =	simm.s32 @!p0 $0x500;
	s4 =	sshra.s32 s25, $0x2  }
0x150: {  	[tilespmem:s9+$0x6060] =	vst v5;
	s8 =	ssub.s32 s3, s1;
	s9 =	sadd.s32 $0x1000, s4;
	p1 =	sle.s32 s3, s1  }
.LBB2_28:
0x151: {  	s1 =	rddreg [dreg:$0xa]  }
0x152: {  	[bflag:$0x0] =	sbarrier.arrive $0xFFFF;
	s3 =	stileid.u32;
	s1 =	sadd.s32 s1, s12  }
0x153: {  	s3 =	sshll.u32 s3, $0x6;
	s4 =	rddreg [dreg:$0x4];
	s1 =	sshrl.u32 s1, $0x3  }
0x154: {  	s25 =	sshrl.u32 s16, $0x3;
	s3 =	sor.u32 $0x1C02, s3;
	s1 =	sadd.s32 s4, s1  }
0x155: {  	[hbm:s1], [sflag:s3] =	dma.local [spmem:s25], $0x2800  }
.LBB2_29:
0x156: {  	s11 =	sadd.s32 $0x1, s11  }
0x157: {  	p2 =	sne.s32 s11, $0x28  }
.Ltmp11:
0x158: {  	_ = 	snop;
	(pc) =	sbr.rel @!p2 .LBB2_30-.Ltmp11, $1  }
0x159: {  	_ =	sdelay $0x3  }
.LBB2_18:
0x15a: {  	p2 =	seq.s32 s11, $0x0  }
0x15b: {  	s1 =	simm.s32 @!p2 $0x2  }
0x15c: {  	_ =	swait.ge @!p2 [sflag:s1], $0x2800  }
0x15d: {  	[sflag:s1] =	ssyncset.done @!p2 $0x0  }
0x15e: {  	s21 =	rddreg [dreg:$0x11];
	[sflag:s1] =	ssyncadd.s32 @!p2 $0xFFFFD800  }
0x15f: {  	[spmem:s16] =	stream.linear.scatter [tilespmem:s31], [sflag:$0x1], $0x800, $0x38;
	[tilespmem:$0x1FC88] =	vst v63  }
0x160: {  	s22 =	rddreg [dreg:$0x12]  }
0x161: {  	[spmem:s21] =	stream.linear.scatter [tilespmem:s31], [sflag:$0x1], $0x800, $0x38;
	[tilespmem:$0x1FC88] =	vst v63  }
0x162: {  	s23 =	rddreg [dreg:$0x13]  }
0x163: {  	[spmem:s22] =	stream.linear.scatter [tilespmem:s31], [sflag:$0x1], $0x800, $0x38;
	[tilespmem:$0x1FC88] =	vst v63  }
0x164: {  	s24 =	rddreg [dreg:$0x14]  }
0x165: {  	[spmem:s23] =	stream.linear.scatter [tilespmem:s31], [sflag:$0x1], $0x800, $0x38;
	[tilespmem:$0x1FC88] =	vst v63  }
0x166: {  	s25 =	rddreg [dreg:$0x15]  }
0x167: {  	[spmem:s24] =	stream.linear.scatter [tilespmem:s31], [sflag:$0x1], $0x800, $0x38;
	[tilespmem:$0x1FC88] =	vst v63  }
0x168: {  	s3 =	rddreg [dreg:$0x16]  }
0x169: {  	[spmem:s25] =	stream.linear.scatter [tilespmem:s31], [sflag:$0x1], $0x800, $0x38;
	[tilespmem:$0x1FC88] =	vst v63  }
0x16a: {  	s4 =	rddreg [dreg:$0x17]  }
0x16b: {  	[spmem:s3] =	stream.linear.scatter [tilespmem:s31], [sflag:$0x1], $0x800, $0x38;
	[tilespmem:$0x1FC88] =	vst v63  }
0x16c: {  	s10 =	rddreg [dreg:$0x19]  }
0x16d: {  	[spmem:s4] =	stream.linear.scatter [tilespmem:s31], [sflag:$0x1], $0x800, $0x38;
	[tilespmem:$0x1FC88] =	vst v63  }
0x16e: {  	s12 =	rddreg [dreg:$0x1a]  }
0x16f: {  	[spmem:s10] =	stream.linear.scatter [tilespmem:s31], [sflag:$0x1], $0x800, $0x38;
	[tilespmem:$0x1FC88] =	vst v63  }
0x170: {  	s13 =	rddreg [dreg:$0x1b]  }
0x171: {  	[spmem:s12] =	stream.linear.scatter [tilespmem:s31], [sflag:$0x1], $0x800, $0x38;
	[tilespmem:$0x1FC88] =	vst v63  }
0x172: {  	s14 =	rddreg [dreg:$0x1c]  }
0x173: {  	[spmem:s13] =	stream.linear.scatter [tilespmem:s31], [sflag:$0x1], $0x800, $0x38;
	[tilespmem:$0x1FC88] =	vst v63  }
0x174: {  	s15 =	rddreg [dreg:$0x1d]  }
0x175: {  	[spmem:s14] =	stream.linear.scatter [tilespmem:s31], [sflag:$0x1], $0x800, $0x38;
	[tilespmem:$0x1FC88] =	vst v63  }
0x176: {  	s17 =	rddreg [dreg:$0x1e]  }
0x177: {  	[spmem:s15] =	stream.linear.scatter [tilespmem:s31], [sflag:$0x1], $0x800, $0x38;
	[tilespmem:$0x1FC88] =	vst v63  }
0x178: {  	s18 =	rddreg [dreg:$0x1f]  }
0x179: {  	[spmem:s17] =	stream.linear.scatter [tilespmem:s31], [sflag:$0x1], $0x800, $0x38;
	[tilespmem:$0x1FC88] =	vst v63  }
0x17a: {  	s19 =	sld [smem:$0x7E8]  }
0x17b: {  	[spmem:s18] =	stream.linear.scatter [tilespmem:s31], [sflag:$0x1], $0x800, $0x38;
	[tilespmem:$0x1FC88] =	vst v63  }
0x17c: {  	s20 =	sld [smem:$0x7E9]  }
0x17d: {  	[spmem:s19] =	stream.linear.scatter [tilespmem:s31], [sflag:$0x1], $0x800, $0x38;
	[tilespmem:$0x1FC88] =	vst v63  }
0x17e: {  	s21 =	sld [smem:$0x7EA]  }
0x17f: {  	[spmem:s20] =	stream.linear.scatter [tilespmem:s31], [sflag:$0x1], $0x800, $0x38;
	[tilespmem:$0x1FC88] =	vst v63  }
0x180: {  	s22 =	sld [smem:$0x7EB]  }
0x181: {  	[spmem:s21] =	stream.linear.scatter [tilespmem:s31], [sflag:$0x1], $0x800, $0x38;
	[tilespmem:$0x1FC88] =	vst v63  }
0x182: {  	s23 =	sld [smem:$0x7EC]  }
0x183: {  	[spmem:s22] =	stream.linear.scatter [tilespmem:s31], [sflag:$0x1], $0x800, $0x38;
	[tilespmem:$0x1FC88] =	vst v63  }
0x184: {  	s24 =	sld [smem:$0x7ED]  }
0x185: {  	[spmem:s23] =	stream.linear.scatter [tilespmem:s31], [sflag:$0x1], $0x800, $0x38;
	[tilespmem:$0x1FC88] =	vst v63  }
0x186: {  	s25 =	sld [smem:$0x7EE]  }
0x187: {  	[spmem:s24] =	stream.linear.scatter [tilespmem:s31], [sflag:$0x1], $0x800, $0x38;
	[tilespmem:$0x1FC88] =	vst v63  }
0x188: {  	s3 =	sld [smem:$0x7EF]  }
0x189: {  	[spmem:s25] =	stream.linear.scatter [tilespmem:s31], [sflag:$0x1], $0x800, $0x38;
	[tilespmem:$0x1FC88] =	vst v63  }
0x18a: {  	s4 =	sld [smem:$0x7F0]  }
0x18b: {  	[spmem:s3] =	stream.linear.scatter [tilespmem:s31], [sflag:$0x1], $0x800, $0x38;
	[tilespmem:$0x1FC88] =	vst v63  }
0x18c: {  	s10 =	sld [smem:$0x7F1]  }
0x18d: {  	[spmem:s4] =	stream.linear.scatter [tilespmem:s31], [sflag:$0x1], $0x800, $0x38;
	[tilespmem:$0x1FC88] =	vst v63  }
0x18e: {  	s12 =	sld [smem:$0x7F2]  }
0x18f: {  	[spmem:s10] =	stream.linear.scatter [tilespmem:s31], [sflag:$0x1], $0x800, $0x38;
	[tilespmem:$0x1FC88] =	vst v63  }
0x190: {  	s13 =	sld [smem:$0x7F3]  }
0x191: {  	[spmem:s12] =	stream.linear.scatter [tilespmem:s31], [sflag:$0x1], $0x800, $0x38;
	[tilespmem:$0x1FC88] =	vst v63  }
0x192: {  	s14 =	sld [smem:$0x7F4]  }
0x193: {  	[spmem:s13] =	stream.linear.scatter [tilespmem:s31], [sflag:$0x1], $0x800, $0x38;
	[tilespmem:$0x1FC88] =	vst v63  }
0x194: {  	s15 =	sld [smem:$0x7F5]  }
0x195: {  	[spmem:s14] =	stream.linear.scatter [tilespmem:s31], [sflag:$0x1], $0x800, $0x38;
	[tilespmem:$0x1FC88] =	vst v63  }
0x196: {  	s17 =	sld [smem:$0x7F6]  }
0x197: {  	[spmem:s15] =	stream.linear.scatter [tilespmem:s31], [sflag:$0x1], $0x800, $0x38;
	[tilespmem:$0x1FC88] =	vst v63  }
0x198: {  	s18 =	sld [smem:$0x7F7]  }
0x199: {  	[spmem:s17] =	stream.linear.scatter [tilespmem:s31], [sflag:$0x1], $0x800, $0x38;
	[tilespmem:$0x1FC88] =	vst v63  }
0x19a: {  	s19 =	sld [smem:$0x7F8]  }
0x19b: {  	[spmem:s18] =	stream.linear.scatter [tilespmem:s31], [sflag:$0x1], $0x800, $0x38;
	[tilespmem:$0x1FC88] =	vst v63  }
0x19c: {  	s20 =	sld [smem:$0x7F9]  }
0x19d: {  	[spmem:s19] =	stream.linear.scatter [tilespmem:s31], [sflag:$0x1], $0x800, $0x38;
	[tilespmem:$0x1FC88] =	vst v63  }
0x19e: {  	s21 =	sld [smem:$0x7FA]  }
0x19f: {  	[spmem:s20] =	stream.linear.scatter [tilespmem:s31], [sflag:$0x1], $0x800, $0x38;
	[tilespmem:$0x1FC88] =	vst v63  }
0x1a0: {  	s22 =	sld [smem:$0x7FB]  }
0x1a1: {  	[spmem:s21] =	stream.linear.scatter [tilespmem:s31], [sflag:$0x1], $0x800, $0x38;
	[tilespmem:$0x1FC88] =	vst v63  }
0x1a2: {  	s23 =	sld [smem:$0x7FC]  }
0x1a3: {  	[spmem:s22] =	stream.linear.scatter [tilespmem:s31], [sflag:$0x1], $0x800, $0x38;
	[tilespmem:$0x1FC88] =	vst v63  }
0x1a4: {  	s24 =	sld [smem:$0x7FD]  }
0x1a5: {  	[spmem:s23] =	stream.linear.scatter [tilespmem:s31], [sflag:$0x1], $0x800, $0x38;
	[tilespmem:$0x1FC88] =	vst v63  }
0x1a6: {  	_ = 	snop  }
0x1a7: {  	[spmem:s24] =	stream.linear.scatter [tilespmem:s31], [sflag:$0x1], $0x800, $0x38;
	[tilespmem:$0x1FC88] =	vst v63  }
0x1a8: {  	_ = 	snop  }
0x1a9: {  	[spmem:s26] =	stream.linear.scatter [tilespmem:s31], [sflag:$0x1], $0x800, $0x38;
	[tilespmem:$0x1FC88] =	vst v63  }
.Ltmp12:
0x1aa: {  	s25 =	sshll.u32 s11, $0x7;
	s3 =	rddreg [dreg:$0x10];
	(pc) =	sbr.rel @p1 .LBB2_22-.Ltmp12, $4  }
0x1ab: {  	s1 =	sadd.s32 s3, s25  }
0x1ac: {  	[spmem:s28] =	stream.linear.scatter [tilespmem:s31], [sflag:$0x1], $0x800, $0x38;
	[tilespmem:$0x1FC88] =	vst v63  }
0x1ad: {  	s12 =	smul.u32 $0x2800, s1  }
0x1ae: {  	v6 =	vimm.s32 $0x0;
	[spmem:s29] =	stream.linear.scatter [tilespmem:s31], [sflag:$0x1], $0x800, $0x38;
	[tilespmem:$0x1FC88] =	vst v63  }
0x1af: {  	p2 =	sne.s32 s8, $0x1  }
.Ltmp13:
0x1b0: {  	_ = 	snop;
	(pc) =	sbr.rel @!p2 .LBB2_21-.Ltmp13, $3  }
0x1b1: {  	_ =	sdelay $0x1  }
0x1b2: {  	s1 =	sadd.s32 $0x140000, s12  }
0x1b3: {  	v6 =	vmov s12;
	v7 =	vimm.s32 $0x0;
	v9 =	vld [tilespmem:s9+$0x0];
	s3 =	smov.u32 s9;
	v8 =	vmov s1;
	s1 =	sadd.s32 $0xFFFFFFFF, s8  }
.LBB2_20:
0x1b4: {  	p2 =	sne.s32 s1, $0x1;
	_ =	sdelay $0x3  }
0x1b5: {  	v10 =	vshll.u32 v7, $0x4;
	vm0 =	vge.s32 v9, v6;
	vm1 =	vlt.s32 v9, v8  }
0x1b6: {  	v11 =	vor.u32 v3, v10;
	v10 =	vand.u32 $0xFFFFFF80, v10;
	vm0 =	vmand vm0, vm1  }
0x1b7: {  	v11 =	vand.u32 $0x7F, v11;
	v10 =	vnsel vm0, $0x5000, v10;
	v12 =	vsel vm0, $0x1, v4  }
0x1b8: {  	v9 =	vsub.s32 v9, v6;
	v10 =	vor.u32 v11, v10;
	v7 =	vadd.s32 v12, v7;
	_ =	sdelay $0x1  }
.Ltmp14:
0x1b9: {  	(pc) =	sbr.rel @p2 .LBB2_20-.Ltmp14, $3  }
0x1ba: {  	_ =	sdelay $0x1  }
0x1bb: {  	s3 =	sadd.s32 $0x10, s3;
	[tilespmem:v10+s0+$0x0] =	vst.idx.msk $0xffff, v9  }
0x1bc: {  	s1 =	sadd.s32 $0xFFFFFFFF, s1;
	v9 =	vld [tilespmem:s3+$0x0]  }
.LBB2_21:
0x1bd: {  	_ =	sdelay $0x3  }
0x1be: {  	vm0 =	vge.s32 v9, v6;
	vm1 =	vlt.s32 v9, v8;
	v8 =	vshll.u32 v7, $0x4  }
0x1bf: {  	vm0 =	vmand vm0, vm1;
	v10 =	vor.u32 v3, v8;
	v8 =	vand.u32 $0xFFFFFF80, v8  }
0x1c0: {  	v10 =	vand.u32 $0x7F, v10;
	v8 =	vnsel vm0, $0x5000, v8  }
0x1c1: {  	v8 =	vor.u32 v10, v8;
	_ =	sdelay $0x3  }
0x1c2: {  	v63 =	vsub.s32 v9, v6;
	v62 =	vsel vm0, $0x1, v4  }
0x1c3: {  	v6 =	vadd.s32 v62, v7;
	[tilespmem:v8+s0+$0x0] =	vst.idx.msk $0xffff, v63  }
.LBB2_22:
0x1c4: {  	(v2sf) =	vpush v6, $0x0  }
0x1c5: {  	(v2sf) =	vpush v6, $0x1  }
0x1c6: {  	(v2sf) =	vpush v6, $0x2  }
0x1c7: {  	(v2sf) =	vpush v6, $0x3  }
0x1c8: {  	(v2sf) =	vpush v6, $0x4  }
0x1c9: {  	(v2sf) =	vpush v6, $0x5  }
0x1ca: {  	(v2sf) =	vpush v6, $0x6  }
0x1cb: {  	(v2sf) =	vpush v6, $0x7  }
0x1cc: {  	(v2sf) =	vpush v6, $0x8  }
0x1cd: {  	(v2sf) =	vpush v6, $0x9  }
0x1ce: {  	(v2sf) =	vpush v6, $0xA  }
0x1cf: {  	(v2sf) =	vpush v6, $0xB  }
0x1d0: {  	(v2sf) =	vpush v6, $0xC  }
0x1d1: {  	(v2sf) =	vpush v6, $0xD  }
0x1d2: {  	(v2sf) =	vpush v6, $0xE  }
0x1d3: {  	s24 =	spop (v2sf);
	(v2sf) =	vpush v6, $0xF  }
0x1d4: {  	s23 =	spop (v2sf)  }
0x1d5: {  	s22 =	spop (v2sf)  }
0x1d6: {  	s21 =	spop (v2sf)  }
0x1d7: {  	s20 =	spop (v2sf)  }
0x1d8: {  	s19 =	spop (v2sf)  }
0x1d9: {  	s18 =	spop (v2sf)  }
0x1da: {  	s17 =	spop (v2sf)  }
0x1db: {  	s10 =	spop (v2sf)  }
0x1dc: {  	s4 =	spop (v2sf)  }
0x1dd: {  	s1 =	spop (v2sf)  }
0x1de: {  	s3 =	spop (v2sf)  }
0x1df: {  	s25 =	spop (v2sf)  }
0x1e0: {  	s15 =	spop (v2sf)  }
0x1e1: {  	s14 =	spop (v2sf)  }
0x1e2: {  	s13 =	spop (v2sf)  }
0x1e3: {  	_ =	swait.ge [sflag:s5], $0x800  }
0x1e4: {  	[sflag:s5] =	ssyncset.done $0x0  }
0x1e5: {  	[sflag:s5] =	ssyncadd.s32 $0xFFFFF800  }
0x1e6: {  	_ =	swait.ge [sflag:s5], $0x800  }
0x1e7: {  	[sflag:s5] =	ssyncset.done $0x0  }
0x1e8: {  	[sflag:s5] =	ssyncadd.s32 $0xFFFFF800  }
0x1e9: {  	_ =	swait.ge [sflag:s5], $0x800  }
0x1ea: {  	[sflag:s5] =	ssyncset.done $0x0  }
0x1eb: {  	[sflag:s5] =	ssyncadd.s32 $0xFFFFF800  }
0x1ec: {  	_ =	swait.ge [sflag:s5], $0x800  }
0x1ed: {  	[sflag:s5] =	ssyncset.done $0x0  }
0x1ee: {  	[sflag:s5] =	ssyncadd.s32 $0xFFFFF800  }
0x1ef: {  	_ =	swait.ge [sflag:s5], $0x800  }
0x1f0: {  	[sflag:s5] =	ssyncset.done $0x0  }
0x1f1: {  	[sflag:s5] =	ssyncadd.s32 $0xFFFFF800  }
0x1f2: {  	_ =	swait.ge [sflag:s5], $0x800  }
0x1f3: {  	[sflag:s5] =	ssyncset.done $0x0  }
0x1f4: {  	[sflag:s5] =	ssyncadd.s32 $0xFFFFF800  }
0x1f5: {  	_ =	swait.ge [sflag:s5], $0x800  }
0x1f6: {  	[sflag:s5] =	ssyncset.done $0x0  }
0x1f7: {  	[sflag:s5] =	ssyncadd.s32 $0xFFFFF800  }
0x1f8: {  	_ =	swait.ge [sflag:s5], $0x800  }
0x1f9: {  	[sflag:s5] =	ssyncset.done $0x0  }
0x1fa: {  	[sflag:s5] =	ssyncadd.s32 $0xFFFFF800  }
0x1fb: {  	_ =	swait.ge [sflag:s5], $0x800  }
0x1fc: {  	[sflag:s5] =	ssyncset.done $0x0  }
0x1fd: {  	[sflag:s5] =	ssyncadd.s32 $0xFFFFF800  }
0x1fe: {  	_ =	swait.ge [sflag:s5], $0x800  }
0x1ff: {  	[sflag:s5] =	ssyncset.done $0x0  }
0x200: {  	[sflag:s5] =	ssyncadd.s32 $0xFFFFF800  }
0x201: {  	_ =	swait.ge [sflag:s5], $0x800  }
0x202: {  	[sflag:s5] =	ssyncset.done $0x0  }
0x203: {  	[sflag:s5] =	ssyncadd.s32 $0xFFFFF800  }
0x204: {  	_ =	swait.ge [sflag:s5], $0x800  }
0x205: {  	[sflag:s5] =	ssyncset.done $0x0  }
0x206: {  	[sflag:s5] =	ssyncadd.s32 $0xFFFFF800  }
0x207: {  	_ =	swait.ge [sflag:s5], $0x800  }
0x208: {  	[sflag:s5] =	ssyncset.done $0x0  }
0x209: {  	[sflag:s5] =	ssyncadd.s32 $0xFFFFF800  }
0x20a: {  	_ =	swait.ge [sflag:s5], $0x800  }
0x20b: {  	[sflag:s5] =	ssyncset.done $0x0  }
0x20c: {  	[sflag:s5] =	ssyncadd.s32 $0xFFFFF800  }
0x20d: {  	_ =	swait.ge [sflag:s5], $0x800  }
0x20e: {  	[sflag:s5] =	ssyncset.done $0x0  }
0x20f: {  	[sflag:s5] =	ssyncadd.s32 $0xFFFFF800  }
0x210: {  	_ =	swait.ge [sflag:s5], $0x800  }
0x211: {  	[sflag:s5] =	ssyncset.done $0x0  }
0x212: {  	[sflag:s5] =	ssyncadd.s32 $0xFFFFF800  }
0x213: {  	_ =	swait.ge [sflag:s5], $0x800  }
0x214: {  	[sflag:s5] =	ssyncset.done $0x0  }
0x215: {  	[sflag:s5] =	ssyncadd.s32 $0xFFFFF800  }
0x216: {  	_ =	swait.ge [sflag:s5], $0x800  }
0x217: {  	[sflag:s5] =	ssyncset.done $0x0  }
0x218: {  	[sflag:s5] =	ssyncadd.s32 $0xFFFFF800  }
0x219: {  	_ =	swait.ge [sflag:s5], $0x800  }
0x21a: {  	[sflag:s5] =	ssyncset.done $0x0  }
0x21b: {  	[sflag:s5] =	ssyncadd.s32 $0xFFFFF800  }
0x21c: {  	_ =	swait.ge [sflag:s5], $0x800  }
0x21d: {  	[sflag:s5] =	ssyncset.done $0x0  }
0x21e: {  	[sflag:s5] =	ssyncadd.s32 $0xFFFFF800  }
0x21f: {  	_ =	swait.ge [sflag:s5], $0x800  }
0x220: {  	[sflag:s5] =	ssyncset.done $0x0  }
0x221: {  	[sflag:s5] =	ssyncadd.s32 $0xFFFFF800  }
0x222: {  	_ =	swait.ge [sflag:s5], $0x800  }
0x223: {  	[sflag:s5] =	ssyncset.done $0x0  }
0x224: {  	[sflag:s5] =	ssyncadd.s32 $0xFFFFF800  }
0x225: {  	_ =	swait.ge [sflag:s5], $0x800  }
0x226: {  	[sflag:s5] =	ssyncset.done $0x0  }
0x227: {  	[sflag:s5] =	ssyncadd.s32 $0xFFFFF800  }
0x228: {  	_ =	swait.ge [sflag:s5], $0x800  }
0x229: {  	[sflag:s5] =	ssyncset.done $0x0  }
0x22a: {  	[sflag:s5] =	ssyncadd.s32 $0xFFFFF800  }
0x22b: {  	_ =	swait.ge [sflag:s5], $0x800  }
0x22c: {  	[sflag:s5] =	ssyncset.done $0x0  }
0x22d: {  	[sflag:s5] =	ssyncadd.s32 $0xFFFFF800  }
0x22e: {  	_ =	swait.ge [sflag:s5], $0x800  }
0x22f: {  	[sflag:s5] =	ssyncset.done $0x0  }
0x230: {  	[sflag:s5] =	ssyncadd.s32 $0xFFFFF800  }
0x231: {  	_ =	swait.ge [sflag:s5], $0x800  }
0x232: {  	[sflag:s5] =	ssyncset.done $0x0  }
0x233: {  	[sflag:s5] =	ssyncadd.s32 $0xFFFFF800  }
0x234: {  	_ =	swait.ge [sflag:s5], $0x800  }
0x235: {  	[sflag:s5] =	ssyncset.done $0x0  }
0x236: {  	[sflag:s5] =	ssyncadd.s32 $0xFFFFF800  }
0x237: {  	p2 =	sgt.s32 s24, s23;
	_ =	swait.ge [sflag:s5], $0x800  }
0x238: {  	s23 =	smov.u32 @p2 s24;
	[sflag:s5] =	ssyncset.done $0x0  }
0x239: {  	p2 =	sgt.s32 s23, s22;
	[sflag:s5] =	ssyncadd.s32 $0xFFFFF800  }
0x23a: {  	s22 =	smov.u32 @p2 s23;
	_ =	swait.ge [sflag:s5], $0x800  }
0x23b: {  	p2 =	sgt.s32 s22, s21;
	[sflag:s5] =	ssyncset.done $0x0  }
0x23c: {  	s21 =	smov.u32 @p2 s22;
	[sflag:s5] =	ssyncadd.s32 $0xFFFFF800  }
0x23d: {  	p2 =	sgt.s32 s21, s20;
	_ =	swait.ge [sflag:s5], $0x800  }
0x23e: {  	s20 =	smov.u32 @p2 s21;
	[sflag:s5] =	ssyncset.done $0x0  }
0x23f: {  	p2 =	sgt.s32 s20, s19;
	[sflag:s5] =	ssyncadd.s32 $0xFFFFF800  }
0x240: {  	s19 =	smov.u32 @p2 s20;
	_ =	swait.ge [sflag:s5], $0x800  }
0x241: {  	p2 =	sgt.s32 s19, s18;
	[sflag:s5] =	ssyncset.done $0x0  }
0x242: {  	s18 =	smov.u32 @p2 s19;
	[sflag:s5] =	ssyncadd.s32 $0xFFFFF800  }
0x243: {  	p2 =	sgt.s32 s18, s17;
	_ =	swait.ge [sflag:s5], $0x800  }
0x244: {  	s17 =	smov.u32 @p2 s18;
	[sflag:s5] =	ssyncset.done $0x0  }
0x245: {  	p2 =	sgt.s32 s17, s10;
	[sflag:s5] =	ssyncadd.s32 $0xFFFFF800  }
0x246: {  	s10 =	smov.u32 @p2 s17;
	_ =	swait.ge [sflag:s5], $0x800  }
0x247: {  	p2 =	sgt.s32 s10, s4;
	[sflag:s5] =	ssyncset.done $0x0  }
0x248: {  	s4 =	smov.u32 @p2 s10;
	[sflag:s5] =	ssyncadd.s32 $0xFFFFF800  }
0x249: {  	p2 =	sgt.s32 s4, s1;
	_ =	swait.ge [sflag:s5], $0x800  }
0x24a: {  	s1 =	smov.u32 @p2 s4;
	[sflag:s5] =	ssyncset.done $0x0  }
0x24b: {  	p2 =	sgt.s32 s1, s3;
	[sflag:s5] =	ssyncadd.s32 $0xFFFFF800  }
0x24c: {  	s3 =	smov.u32 @p2 s1;
	_ =	swait.ge [sflag:s5], $0x800  }
0x24d: {  	p2 =	sgt.s32 s3, s25;
	[sflag:s5] =	ssyncset.done $0x0  }
0x24e: {  	s25 =	smov.u32 @p2 s3;
	[sflag:s5] =	ssyncadd.s32 $0xFFFFF800  }
0x24f: {  	p2 =	sgt.s32 s25, s15;
	_ =	swait.ge [sflag:s5], $0x800  }
0x250: {  	s15 =	smov.u32 @p2 s25;
	[sflag:s5] =	ssyncset.done $0x0  }
0x251: {  	p2 =	sgt.s32 s15, s14;
	[sflag:s5] =	ssyncadd.s32 $0xFFFFF800  }
0x252: {  	s14 =	smov.u32 @p2 s15;
	_ =	swait.ge [sflag:s5], $0x800  }
0x253: {  	p2 =	sgt.s32 s14, s13;
	[sflag:s5] =	ssyncset.done $0x0  }
0x254: {  	s13 =	smov.u32 @p2 s14;
	[sflag:s5] =	ssyncadd.s32 $0xFFFFF800  }
0x255: {  	s24 =	sshll.u32 s13, $0x4;
	_ =	swait.ge [sflag:s5], $0x800  }
0x256: {  	s1 =	sadd.s32 $0x7F, s24;
	[sflag:s5] =	ssyncset.done $0x0  }
0x257: {  	p2 =	slt.s32 s1, $0x80;
	[sflag:s5] =	ssyncadd.s32 $0xFFFFF800  }
.Ltmp15:
0x258: {  	_ =	swait.ge [sflag:s5], $0x800;
	(pc) =	sbr.rel @p2 .LBB2_28-.Ltmp15, $4  }
0x259: {  	s25 =	sshra.s32 s1, $0x1F;
	[sflag:s5] =	ssyncset.done $0x0  }
0x25a: {  	s3 =	sshrl.u32 s25, $0x19;
	[sflag:s5] =	ssyncadd.s32 $0xFFFFF800  }
0x25b: {  	s3 =	sadd.s32 s3, s1;
	[bflag:$0x0] =	sbarrier.arrive $0xFFFF  }
0x25c: {  	s1 =	sshra.s32 s3, $0x7;
	s3 =	simm.s32 $0x6000  }
0x25d: {  	p2 =	sne.s32 s1, $0x1  }
.Ltmp16:
0x25e: {  	_ = 	snop;
	(pc) =	sbr.rel @!p2 .LBB2_25-.Ltmp16, $4  }
0x25f: {  	_ = 	snop  }
0x260: {  	[spmem:s2] =	stream.indirect.scatter.add.f32 [tilespmem:s7], [sflag:$0x1], $0x1, s3, s6, $0xb8;
	[tilespmem:$0x1FC88] =	vst v63  }
0x261: {  	_ =	swait.ge [sflag:s5], $0x80  }
0x262: {  	s4 =	sadd.s32 $0xFFFFFFFF, s1;
	[sflag:s5] =	ssyncset.done $0x0  }
.LBB2_24:
0x263: {  	p2 =	sne.s32 s4, $0x1;
	[sflag:s5] =	ssyncadd.s32 $0xFFFFFF80;
	s3 =	sadd.s32 $0x80, s3  }
.Ltmp17:
0x264: {  	s4 =	sadd.s32 $0xFFFFFFFF, s4;
	(pc) =	sbr.rel @p2 .LBB2_24-.Ltmp17, $4  }
0x265: {  	_ = 	snop  }
0x266: {  	[spmem:s2] =	stream.indirect.scatter.add.f32 [tilespmem:s7], [sflag:$0x1], $0x1, s3, s6, $0xb8;
	[tilespmem:$0x1FC88] =	vst v63  }
0x267: {  	_ =	swait.ge [sflag:s5], $0x80  }
0x268: {  	[sflag:s5] =	ssyncset.done $0x0  }
.LBB2_25:
0x269: {  	[sflag:s5] =	ssyncadd.s32 $0xFFFFFF80;
	s3 =	rddreg [dreg:$0xa]  }
0x26a: {  	s4 =	stileid.u32;
	s3 =	sadd.s32 s3, s12;
	[bflag:$0x0] =	sbarrier.arrive $0xFFFF  }
0x26b: {  	s4 =	sshll.u32 s4, $0x6;
	s3 =	sshrl.u32 s3, $0x3;
	s10 =	rddreg [dreg:$0x4]  }
0x26c: {  	s25 =	sshrl.u32 s16, $0x3;
	s4 =	sor.u32 $0x1C02, s4;
	s3 =	sadd.s32 s10, s3  }
0x26d: {  	[hbm:s3], [sflag:s4] =	dma.local [spmem:s25], $0x2800  }
0x26e: {  	s3 =	simm.s32 $0x6040  }
0x26f: {  	[tilespmem:s3+$0xFFFFFFC0] =	vst v5  }
0x270: {  	p2 =	seq.s32 s1, $0x1;
	[tilespmem:s3+$0x30] =	vst v5  }
.Ltmp18:
0x271: {  	[tilespmem:s3+$0x20] =	vst v5;
	(pc) =	sbr.rel @p2 .LBB2_27-.Ltmp18, $4  }
0x272: {  	[tilespmem:s3+$0x10] =	vst v5  }
0x273: {  	[tilespmem:s3+$0x0] =	vst v5  }
0x274: {  	[tilespmem:s3+$0xFFFFFFF0] =	vst v5  }
0x275: {  	s1 =	sadd.s32 $0xFFFFFFFF, s1;
	[tilespmem:s3+$0xFFFFFFE0] =	vst v5  }
.LBB2_26:
0x276: {  	p2 =	seq.s32 s1, $0x1;
	s1 =	sadd.s32 $0xFFFFFFFF, s1;
	[tilespmem:s3+$0xFFFFFFD0] =	vst v5;
	s3 =	sadd.s32 $0x80, s3  }
0x277: {  	[tilespmem:s3+$0xFFFFFFC0] =	vst v5  }
0x278: {  	[tilespmem:s3+$0x30] =	vst v5  }
.Ltmp19:
0x279: {  	[tilespmem:s3+$0x20] =	vst v5;
	(pc) =	sbr.rel @!p2 .LBB2_26-.Ltmp19, $4  }
0x27a: {  	[tilespmem:s3+$0x10] =	vst v5  }
0x27b: {  	[tilespmem:s3+$0x0] =	vst v5  }
0x27c: {  	[tilespmem:s3+$0xFFFFFFF0] =	vst v5  }
0x27d: {  	[tilespmem:s3+$0xFFFFFFE0] =	vst v5  }
.LBB2_27:
.Ltmp20:
0x27e: {  	(pc) =	sbr.rel .LBB2_29-.Ltmp20, $2  }
0x27f: {  	_ =	sdelay $0x2  }
0x280: {  	[tilespmem:s3+$0xFFFFFFD0] =	vst v5  }
.LBB2_31:
0x281: {  	_ =	sfence.sel $0x180000  }
0x282: {  	[bflag:$0x0] =	sbarrier.arrive $0xFFFF  }
0x283: {  	_ =	strace $0x90000047  }
0x284: {  	s0 =	stileid.u32;
	[bflag:$0x2] =	sbarrier.arrive $0xFFFF  }
0x285: {  	p0 =	sne.s32 s0, $0x0;
	s0 =	rddreg [dreg:$0x2]  }
0x286: {  	s0 =	sadd.s32 @!p0 $0x100000, s0  }
0x287: {  	[sflag:s0] =	ssyncadd.tile.s32 @!p0 $0x1;
	_ =	shalt  }
.Lfunc_end2:
_tile_overlayer_lowered:
.L_overlay_start_2:
0x288: {  	(tag) =	ssettag $0x2  }
0x289: {  	s0 =	rddreg [dreg:$0x0];
	s2 =	stileid.u32  }
0x28a: {  	s1 =	rddreg [dreg:$0x1];
	p0 =	sne.s32 s2, $0x0  }
0x28b: {  	s3 =	rddreg [dreg:$0x2];
	[bflag:$0x3] =	sbarrier.arrive $0xFFFF;
	s2 =	simm.s32 @!p0 $0x1C03  }
0x28c: {  	[timem:s3], [sflag:s2] =	dma.local @!p0 [hbm:s0], s1  }
0x28d: {  	s0 =	simm.s32 @!p0 $0x3  }
0x28e: {  	_ =	swait.ge @!p0 [sflag:s0], s1  }
0x28f: {  	s1 =	ssub.s32 @!p0 $0x0, s1;
	[sflag:s0] =	ssyncset.done @!p0 $0x0  }
0x290: {  	[sflag:s0] =	ssyncadd.s32 @!p0 s1  }
0x291: {  	[bflag:$0x3] =	sbarrier.arrive $0xFFFF  }
0x292: {  	_ =	shalt  }

</sc_bundles>
